<compile_context>
chip_gen: v7x
topology: tpu7x:2x2x1
jax: 0.10.2.dev20260603
libtpu: 0.0.44.dev20260713+nightly
codegen_flags: <defaults>
</compile_context>

<pallas_src>
import functools

import jax
import jax.numpy as jnp
from jax import lax
from jax.experimental import pallas as pl
from jax.experimental.pallas import tpu as pltpu
from jax.experimental.pallas import tpu_sc as plsc


def _make_sc_kernel(b: int, h: int, d: int, hc: int):
    info = plsc.get_sparse_core_info()
    nc, ns = info.num_cores, info.num_subcores
    nw = nc * ns
    assert b % (nw * 16) == 0
    bw = b // nw
    nbq = bw // 16
    assert h % hc == 0
    n_chunks = h // hc
    mesh = plsc.VectorSubcoreMesh(core_axis_name="c", subcore_axis_name="s")

    @functools.partial(
        pl.kernel,
        mesh=mesh,
        out_type=jax.ShapeDtypeStruct((h, d, b), jnp.float32),
        compiler_params=pltpu.CompilerParams(needs_layout_passes=False),
        scratch_types=(
            [pltpu.VMEM((hc, bw), jnp.int32),
             pltpu.VMEM((hc, bw), jnp.int32),
             pltpu.VMEM((hc, bw), jnp.float32),
             pltpu.VMEM((hc * bw, 4 * d), jnp.float32),
             pltpu.VMEM((hc, d, bw), jnp.float32)]
            + [pltpu.SemaphoreType.DMA] * hc
            + [pltpu.SemaphoreType.DMA]
        ),
    )
    def sc_kernel(slice_hbm, col_hbm, score_hbm, table_hbm, out_hbm,
                  slice_v, col_v, score_v, rows_v, out_v, *sems):
        row_sems, out_sem = sems[:hc], sems[hc]
        wid = lax.axis_index("s") * nc + lax.axis_index("c")
        b0 = wid * bw
        iota = lax.iota(jnp.int32, 16)

        def chunk_body(g, carry):
            h0 = g * hc
            pltpu.sync_copy(slice_hbm.at[pl.ds(h0, hc), pl.ds(b0, bw)],
                            slice_v)
            pltpu.sync_copy(col_hbm.at[pl.ds(h0, hc), pl.ds(b0, bw)], col_v)
            pltpu.sync_copy(score_hbm.at[pl.ds(h0, hc), pl.ds(b0, bw)],
                            score_v)
            descs = []
            for r in range(hc):
                descs.append(pltpu.async_copy(
                    table_hbm.at[slice_v.at[r]],
                    rows_v.at[pl.ds(r * bw, bw)], row_sems[r]))

            @pl.when(g > 0)
            def _():
                pltpu.make_async_copy(
                    out_v, out_hbm.at[pl.ds(0, hc), :, pl.ds(b0, bw)],
                    out_sem).wait()

            for r in range(hc):
                descs[r].wait()

                def grp_body(bq, c):
                    bo = bq * 16
                    svec = score_v[r, pl.ds(bo, 16)]
                    rvec = iota + (r * bw + bo)
                    cvec = col_v[r, pl.ds(bo, 16)]
                    for e in range(d):
                        vals = plsc.load_gather(rows_v, [rvec, cvec])
                        out_v[r, e, pl.ds(bo, 16)] = vals * svec
                        if e != d - 1:
                            cvec = cvec + 1
                    return c

                lax.fori_loop(0, nbq, grp_body, 0)
            pltpu.async_copy(
                out_v, out_hbm.at[pl.ds(h0, hc), :, pl.ds(b0, bw)], out_sem)
            return carry

        lax.fori_loop(0, n_chunks, chunk_body, 0)
        pltpu.make_async_copy(
            out_v, out_hbm.at[pl.ds(0, hc), :, pl.ds(b0, bw)],
            out_sem).wait()

    return sc_kernel


def kernel(v_e, v_score, table):
    b, h = v_e.shape
    v, d = table.shape
    idx_t = v_e.T.astype(jnp.int32)
    slice_t = idx_t >> 2
    col_t = (idx_t & 3) * d
    score_t = v_score.T.astype(jnp.float32)
    table4 = table.reshape(v // 4, 4 * d)
    out_t = _make_sc_kernel(b, h, d, hc=4)(slice_t, col_t, score_t, table4)
    return jnp.transpose(out_t, (2, 0, 1))

# --- scband reference (transcript-rebuilt; emitter-appended) ---
"""Pipeline reference for scband-bi-gru-91130616087317 (READ-ONLY COPY).

The authoritative reference and input builder live on the scoring server;
editing this copy changes nothing except your own understanding.
"""

import jax, jax.numpy as jnp
import numpy as np

VOCAB = 1000000
EMBED_DIM = 32
BATCH = 4096
HIST = 200

def setup_inputs(seed: int = 0) -> dict:
    key = jax.random.key(seed)
    k1, k2, k3 = jax.random.split(key, 3)
    v_e = jax.random.randint(k1, (BATCH, HIST), 0, VOCAB)
    v_score = jax.random.uniform(k2, (BATCH, HIST), dtype=jnp.float32)
    table = jax.random.normal(k3, (VOCAB, EMBED_DIM), dtype=jnp.float32) * 0.02
    return {"v_e": v_e, "v_score": v_score, "table": table}

def reference(v_e, v_score, table):
    # Embedding lookup of entity ids (nn.Embedding gather), weighted by the
    # per-entity initial salience score. The original forward body is empty
    # (returns None); this is the canonical embedding-lookup path the module's
    # parameters imply: emb = embedding(v_e); out = emb * v_score.unsqueeze(-1)
    emb = jnp.take(table, v_e, axis=0)            # [B, L, D] gather
    out = emb * v_score[..., None]                # score weighting
    return out

if __name__ == "__main__":
    import jax
    _d = setup_inputs()
    print(jax.jit(kernel)(*tuple(_d.values())))

</pallas_src>

<mosaic_0001>
#map = affine_map<(d0, d1) -> (0, 0)>
#map1 = affine_map<(d0, d1) -> (0, 0, 0)>
module attributes {stable_mosaic.version = 14 : i64} {
  func.func @sc_kernel(%arg0: i32, %arg1: i32, %arg2: memref<200x4096xi32, #tpu.memory_space<hbm>>, %arg3: memref<200x4096xi32, #tpu.memory_space<hbm>>, %arg4: memref<200x4096xf32, #tpu.memory_space<hbm>>, %arg5: memref<250000x128xf32, #tpu.memory_space<hbm>>, %arg6: memref<200x32x4096xf32, #tpu.memory_space<hbm>>, %arg7: memref<4x128xi32, #tpu.memory_space<vmem>>, %arg8: memref<4x128xi32, #tpu.memory_space<vmem>>, %arg9: memref<4x128xf32, #tpu.memory_space<vmem>>, %arg10: memref<512x128xf32, #tpu.memory_space<vmem>>, %arg11: memref<4x32x128xf32, #tpu.memory_space<vmem>>, %arg12: memref<!tpu.dma_semaphore, #tpu.memory_space<semaphore_mem>>, %arg13: memref<!tpu.dma_semaphore, #tpu.memory_space<semaphore_mem>>, %arg14: memref<!tpu.dma_semaphore, #tpu.memory_space<semaphore_mem>>, %arg15: memref<!tpu.dma_semaphore, #tpu.memory_space<semaphore_mem>>, %arg16: memref<!tpu.dma_semaphore, #tpu.memory_space<semaphore_mem>>) attributes {dimension_semantics = [#tpu.dimension_semantics<core_parallel>, #tpu.dimension_semantics<subcore_parallel>], iteration_bounds = array<i64: 2, 16>, scalar_prefetch = 0 : i64, scratch_operands = 10 : i64, tpu.core_type = #tpu.core_type<sc_vector_subcore>, window_params = [{transform_indices = #map}, {transform_indices = #map}, {transform_indices = #map}, {transform_indices = #map}, {transform_indices = #map1}]} {
    %mul3A = arith.constant 2 : i32
    %mul3A_0 = arith.muli %arg1, %mul3A : i32
    %add3A = arith.addi %mul3A_0, %arg0 : i32
    %mul3A_1 = arith.constant 128 : i32
    %mul3A_2 = arith.muli %add3A, %mul3A_1 : i32
    %iota3A = tpu.iota {dimensions = array<i32: 0>} : vector<16xi32>
    %scan3A = arith.constant 0 : i32
    %scan3A_3 = arith.constant 0 : i32
    %scan3A_4 = arith.constant 50 : i32
    %scan3A_5 = arith.addi %scan3A_3, %scan3A_4 : i32
    %scan3A_6 = arith.constant 1 : i32
    scf.for %scan3A_13 = %scan3A_3 to %scan3A_5 step %scan3A_6  : i32 {
      %mul3A_14 = arith.constant 4 : i32
      %mul3A_15 = arith.muli %scan3A_13, %mul3A_14 : i32
      "tpu.region"() ({
        %run_scoped3A = tpu.sem_alloc : memref<!tpu.dma_semaphore, #tpu.memory_space<semaphore_mem>>
        %dma_start3A_125 = tpu.memref_slice %arg2[%mul3A_15, %mul3A_2] : memref<200x4096xi32, #tpu.memory_space<hbm>> -> memref<4x128xi32, #tpu.memory_space<hbm>>
        %dma_start3A_126 = tpu.memref_slice %arg2[%mul3A_15, %mul3A_2] : memref<200x4096xi32, #tpu.memory_space<hbm>> -> memref<4x128xi32, #tpu.memory_space<hbm>>
        tpu.enqueue_dma source(%dma_start3A_126 : memref<4x128xi32, #tpu.memory_space<hbm>>) target(%arg7 : memref<4x128xi32, #tpu.memory_space<vmem>>) target_semaphore(%run_scoped3A : memref<!tpu.dma_semaphore, #tpu.memory_space<semaphore_mem>>)
        %dma_wait3A_127 = tpu.memref_slice %arg2[%mul3A_15, %mul3A_2] : memref<200x4096xi32, #tpu.memory_space<hbm>> -> memref<4x128xi32, #tpu.memory_space<hbm>>
        %dma_wait3A_128 = tpu.memref_slice %arg2[%mul3A_15, %mul3A_2] : memref<200x4096xi32, #tpu.memory_space<hbm>> -> memref<4x128xi32, #tpu.memory_space<hbm>>
        tpu.wait_dma2 semaphore(%run_scoped3A : memref<!tpu.dma_semaphore, #tpu.memory_space<semaphore_mem>>) src(%dma_wait3A_128 : memref<4x128xi32, #tpu.memory_space<hbm>>) dst(%arg7 : memref<4x128xi32, #tpu.memory_space<vmem>>)
        tpu.yield
      }) : () -> ()
      "tpu.region"() ({
        %run_scoped3A = tpu.sem_alloc : memref<!tpu.dma_semaphore, #tpu.memory_space<semaphore_mem>>
        %dma_start3A_125 = tpu.memref_slice %arg3[%mul3A_15, %mul3A_2] : memref<200x4096xi32, #tpu.memory_space<hbm>> -> memref<4x128xi32, #tpu.memory_space<hbm>>
        %dma_start3A_126 = tpu.memref_slice %arg3[%mul3A_15, %mul3A_2] : memref<200x4096xi32, #tpu.memory_space<hbm>> -> memref<4x128xi32, #tpu.memory_space<hbm>>
        tpu.enqueue_dma source(%dma_start3A_126 : memref<4x128xi32, #tpu.memory_space<hbm>>) target(%arg8 : memref<4x128xi32, #tpu.memory_space<vmem>>) target_semaphore(%run_scoped3A : memref<!tpu.dma_semaphore, #tpu.memory_space<semaphore_mem>>)
        %dma_wait3A_127 = tpu.memref_slice %arg3[%mul3A_15, %mul3A_2] : memref<200x4096xi32, #tpu.memory_space<hbm>> -> memref<4x128xi32, #tpu.memory_space<hbm>>
        %dma_wait3A_128 = tpu.memref_slice %arg3[%mul3A_15, %mul3A_2] : memref<200x4096xi32, #tpu.memory_space<hbm>> -> memref<4x128xi32, #tpu.memory_space<hbm>>
        tpu.wait_dma2 semaphore(%run_scoped3A : memref<!tpu.dma_semaphore, #tpu.memory_space<semaphore_mem>>) src(%dma_wait3A_128 : memref<4x128xi32, #tpu.memory_space<hbm>>) dst(%arg8 : memref<4x128xi32, #tpu.memory_space<vmem>>)
        tpu.yield
      }) : () -> ()
      "tpu.region"() ({
        %run_scoped3A = tpu.sem_alloc : memref<!tpu.dma_semaphore, #tpu.memory_space<semaphore_mem>>
        %dma_start3A_125 = tpu.memref_slice %arg4[%mul3A_15, %mul3A_2] : memref<200x4096xf32, #tpu.memory_space<hbm>> -> memref<4x128xf32, #tpu.memory_space<hbm>>
        %dma_start3A_126 = tpu.memref_slice %arg4[%mul3A_15, %mul3A_2] : memref<200x4096xf32, #tpu.memory_space<hbm>> -> memref<4x128xf32, #tpu.memory_space<hbm>>
        tpu.enqueue_dma source(%dma_start3A_126 : memref<4x128xf32, #tpu.memory_space<hbm>>) target(%arg9 : memref<4x128xf32, #tpu.memory_space<vmem>>) target_semaphore(%run_scoped3A : memref<!tpu.dma_semaphore, #tpu.memory_space<semaphore_mem>>)
        %dma_wait3A_127 = tpu.memref_slice %arg4[%mul3A_15, %mul3A_2] : memref<200x4096xf32, #tpu.memory_space<hbm>> -> memref<4x128xf32, #tpu.memory_space<hbm>>
        %dma_wait3A_128 = tpu.memref_slice %arg4[%mul3A_15, %mul3A_2] : memref<200x4096xf32, #tpu.memory_space<hbm>> -> memref<4x128xf32, #tpu.memory_space<hbm>>
        tpu.wait_dma2 semaphore(%run_scoped3A : memref<!tpu.dma_semaphore, #tpu.memory_space<semaphore_mem>>) src(%dma_wait3A_128 : memref<4x128xf32, #tpu.memory_space<hbm>>) dst(%arg9 : memref<4x128xf32, #tpu.memory_space<vmem>>)
        tpu.yield
      }) : () -> ()
      %dma_start3A = arith.constant 0 : i32
      %dma_start3A_16 = arith.constant 0 : i32
      %dma_start3A_17 = arith.constant 0 : i32
      %dma_start3A_18 = tpu.memref_slice %arg10[%dma_start3A_16, %dma_start3A_17] : memref<512x128xf32, #tpu.memory_space<vmem>> -> memref<128x128xf32, #tpu.memory_space<vmem>>
      %dma_start3A_19 = arith.constant 0 : i32
      %dma_start3A_20 = tpu.memref_slice %arg7[%dma_start3A, %dma_start3A_19] : memref<4x128xi32, #tpu.memory_space<vmem>> -> memref<1x128xi32, #tpu.memory_space<vmem>>
      %dma_start3A_21 = tpu.memref_squeeze %dma_start3A_20 : memref<1x128xi32, #tpu.memory_space<vmem>> -> memref<128xi32, #tpu.memory_space<vmem>>
      %dma_start3A_22 = arith.constant 0 : i32
      %dma_start3A_23 = arith.constant 0 : i32
      %dma_start3A_24 = tpu.memref_slice %arg5[%dma_start3A_22, %dma_start3A_23] : memref<250000x128xf32, #tpu.memory_space<hbm>> -> memref<250000x128xf32, #tpu.memory_space<hbm>>
      tpu.enqueue_indirect_dma source(%dma_start3A_24 : memref<250000x128xf32, #tpu.memory_space<hbm>>) target(%dma_start3A_18 : memref<128x128xf32, #tpu.memory_space<vmem>>) offsets(%dma_start3A_21 : memref<128xi32, #tpu.memory_space<vmem>>) semaphore(%arg12 : memref<!tpu.dma_semaphore, #tpu.memory_space<semaphore_mem>>)
      %dma_start3A_25 = arith.constant 1 : i32
      %dma_start3A_26 = arith.constant 128 : i32
      %dma_start3A_27 = arith.constant 0 : i32
      %dma_start3A_28 = tpu.memref_slice %arg10[%dma_start3A_26, %dma_start3A_27] : memref<512x128xf32, #tpu.memory_space<vmem>> -> memref<128x128xf32, #tpu.memory_space<vmem>>
      %dma_start3A_29 = arith.constant 0 : i32
      %dma_start3A_30 = tpu.memref_slice %arg7[%dma_start3A_25, %dma_start3A_29] : memref<4x128xi32, #tpu.memory_space<vmem>> -> memref<1x128xi32, #tpu.memory_space<vmem>>
      %dma_start3A_31 = tpu.memref_squeeze %dma_start3A_30 : memref<1x128xi32, #tpu.memory_space<vmem>> -> memref<128xi32, #tpu.memory_space<vmem>>
      %dma_start3A_32 = arith.constant 0 : i32
      %dma_start3A_33 = arith.constant 0 : i32
      %dma_start3A_34 = tpu.memref_slice %arg5[%dma_start3A_32, %dma_start3A_33] : memref<250000x128xf32, #tpu.memory_space<hbm>> -> memref<250000x128xf32, #tpu.memory_space<hbm>>
      tpu.enqueue_indirect_dma source(%dma_start3A_34 : memref<250000x128xf32, #tpu.memory_space<hbm>>) target(%dma_start3A_28 : memref<128x128xf32, #tpu.memory_space<vmem>>) offsets(%dma_start3A_31 : memref<128xi32, #tpu.memory_space<vmem>>) semaphore(%arg13 : memref<!tpu.dma_semaphore, #tpu.memory_space<semaphore_mem>>)
      %dma_start3A_35 = arith.constant 2 : i32
      %dma_start3A_36 = arith.constant 256 : i32
      %dma_start3A_37 = arith.constant 0 : i32
      %dma_start3A_38 = tpu.memref_slice %arg10[%dma_start3A_36, %dma_start3A_37] : memref<512x128xf32, #tpu.memory_space<vmem>> -> memref<128x128xf32, #tpu.memory_space<vmem>>
      %dma_start3A_39 = arith.constant 0 : i32
      %dma_start3A_40 = tpu.memref_slice %arg7[%dma_start3A_35, %dma_start3A_39] : memref<4x128xi32, #tpu.memory_space<vmem>> -> memref<1x128xi32, #tpu.memory_space<vmem>>
      %dma_start3A_41 = tpu.memref_squeeze %dma_start3A_40 : memref<1x128xi32, #tpu.memory_space<vmem>> -> memref<128xi32, #tpu.memory_space<vmem>>
      %dma_start3A_42 = arith.constant 0 : i32
      %dma_start3A_43 = arith.constant 0 : i32
      %dma_start3A_44 = tpu.memref_slice %arg5[%dma_start3A_42, %dma_start3A_43] : memref<250000x128xf32, #tpu.memory_space<hbm>> -> memref<250000x128xf32, #tpu.memory_space<hbm>>
      tpu.enqueue_indirect_dma source(%dma_start3A_44 : memref<250000x128xf32, #tpu.memory_space<hbm>>) target(%dma_start3A_38 : memref<128x128xf32, #tpu.memory_space<vmem>>) offsets(%dma_start3A_41 : memref<128xi32, #tpu.memory_space<vmem>>) semaphore(%arg14 : memref<!tpu.dma_semaphore, #tpu.memory_space<semaphore_mem>>)
      %dma_start3A_45 = arith.constant 3 : i32
      %dma_start3A_46 = arith.constant 384 : i32
      %dma_start3A_47 = arith.constant 0 : i32
      %dma_start3A_48 = tpu.memref_slice %arg10[%dma_start3A_46, %dma_start3A_47] : memref<512x128xf32, #tpu.memory_space<vmem>> -> memref<128x128xf32, #tpu.memory_space<vmem>>
      %dma_start3A_49 = arith.constant 0 : i32
      %dma_start3A_50 = tpu.memref_slice %arg7[%dma_start3A_45, %dma_start3A_49] : memref<4x128xi32, #tpu.memory_space<vmem>> -> memref<1x128xi32, #tpu.memory_space<vmem>>
      %dma_start3A_51 = tpu.memref_squeeze %dma_start3A_50 : memref<1x128xi32, #tpu.memory_space<vmem>> -> memref<128xi32, #tpu.memory_space<vmem>>
      %dma_start3A_52 = arith.constant 0 : i32
      %dma_start3A_53 = arith.constant 0 : i32
      %dma_start3A_54 = tpu.memref_slice %arg5[%dma_start3A_52, %dma_start3A_53] : memref<250000x128xf32, #tpu.memory_space<hbm>> -> memref<250000x128xf32, #tpu.memory_space<hbm>>
      tpu.enqueue_indirect_dma source(%dma_start3A_54 : memref<250000x128xf32, #tpu.memory_space<hbm>>) target(%dma_start3A_48 : memref<128x128xf32, #tpu.memory_space<vmem>>) offsets(%dma_start3A_51 : memref<128xi32, #tpu.memory_space<vmem>>) semaphore(%arg15 : memref<!tpu.dma_semaphore, #tpu.memory_space<semaphore_mem>>)
      %gt3A = arith.constant 0 : i32
      %gt3A_55 = arith.cmpi sgt, %scan3A_13, %gt3A : i32
      %convert_element_type3A = arith.extui %gt3A_55 : i1 to i32
      %cond3A = arith.constant 0 : i32
      %cond3A_56 = arith.cmpi ne, %convert_element_type3A, %cond3A : i32
      scf.if %cond3A_56 {
        %dma_wait3A_125 = arith.constant 0 : i32
        %dma_wait3A_126 = arith.constant 0 : i32
        %dma_wait3A_127 = tpu.memref_slice %arg6[%dma_wait3A_125, %dma_wait3A_126, %mul3A_2] : memref<200x32x4096xf32, #tpu.memory_space<hbm>> -> memref<4x32x128xf32, #tpu.memory_space<hbm>>
        %dma_wait3A_128 = arith.constant 0 : i32
        %dma_wait3A_129 = arith.constant 0 : i32
        %dma_wait3A_130 = tpu.memref_slice %arg6[%dma_wait3A_128, %dma_wait3A_129, %mul3A_2] : memref<200x32x4096xf32, #tpu.memory_space<hbm>> -> memref<4x32x128xf32, #tpu.memory_space<hbm>>
        tpu.wait_dma2 semaphore(%arg16 : memref<!tpu.dma_semaphore, #tpu.memory_space<semaphore_mem>>) src(%arg11 : memref<4x32x128xf32, #tpu.memory_space<vmem>>) dst(%dma_wait3A_130 : memref<4x32x128xf32, #tpu.memory_space<hbm>>)
      } else {
      }
      %dma_wait3A_57 = arith.constant 0 : i32
      %dma_wait3A_58 = arith.constant 0 : i32
      %dma_wait3A_59 = arith.constant 0 : i32
      %dma_wait3A_60 = tpu.memref_slice %arg10[%dma_wait3A_58, %dma_wait3A_59] : memref<512x128xf32, #tpu.memory_space<vmem>> -> memref<128x128xf32, #tpu.memory_space<vmem>>
      %dma_wait3A_61 = arith.constant 0 : i32
      %dma_wait3A_62 = tpu.memref_slice %arg7[%dma_wait3A_57, %dma_wait3A_61] : memref<4x128xi32, #tpu.memory_space<vmem>> -> memref<1x128xi32, #tpu.memory_space<vmem>>
      %dma_wait3A_63 = tpu.memref_squeeze %dma_wait3A_62 : memref<1x128xi32, #tpu.memory_space<vmem>> -> memref<128xi32, #tpu.memory_space<vmem>>
      %dma_wait3A_64 = arith.constant 0 : i32
      %dma_wait3A_65 = arith.constant 0 : i32
      %dma_wait3A_66 = tpu.memref_slice %arg5[%dma_wait3A_64, %dma_wait3A_65] : memref<250000x128xf32, #tpu.memory_space<hbm>> -> memref<250000x128xf32, #tpu.memory_space<hbm>>
      tpu.wait_indirect_dma semaphore(%arg12 : memref<!tpu.dma_semaphore, #tpu.memory_space<semaphore_mem>>) src(%dma_wait3A_66 : memref<250000x128xf32, #tpu.memory_space<hbm>>) dst(%dma_wait3A_60 : memref<128x128xf32, #tpu.memory_space<vmem>>)
      %scan3A_67 = arith.constant 0 : i32
      %scan3A_68 = arith.constant 0 : i32
      %scan3A_69 = arith.constant 8 : i32
      %scan3A_70 = arith.addi %scan3A_68, %scan3A_69 : i32
      %scan3A_71 = arith.constant 1 : i32
      scf.for %scan3A_125 = %scan3A_68 to %scan3A_70 step %scan3A_71  : i32 {
        %mul3A_126 = arith.constant 16 : i32
        %mul3A_127 = arith.muli %scan3A_125, %mul3A_126 : i32
        %get3A = arith.constant 0 : i32
        %get3A_128 = arith.index_cast %get3A : i32 to index
        %get3A_129 = arith.index_cast %mul3A_127 : i32 to index
        %get3A_130 = tpu.vector_load %arg9[%get3A_128, %get3A_129] {strides = array<i32>} : memref<4x128xf32, #tpu.memory_space<vmem>>, vector<16xf32>,
        %add3A_131 = arith.constant 0 : i32
        %add3A_132 = arith.addi %add3A_131, %mul3A_127 : i32
        %add3A_133 = vector.broadcast %add3A_132 : i32 to vector<16xi32>
        %add3A_134 = arith.addi %iota3A, %add3A_133 : vector<16xi32>
        %get3A_135 = arith.constant 0 : i32
        %get3A_136 = arith.index_cast %get3A_135 : i32 to index
        %get3A_137 = arith.index_cast %mul3A_127 : i32 to index
        %get3A_138 = tpu.vector_load %arg8[%get3A_136, %get3A_137] {strides = array<i32>} : memref<4x128xi32, #tpu.memory_space<vmem>>, vector<16xi32>,
        %gather3A = tpu.vector_load_idx %arg10[%add3A_134, %get3A_138] : memref<512x128xf32, #tpu.memory_space<vmem>>[vector<16xi32>, vector<16xi32>], vector<16xf32>,
        %mul3A_139 = arith.mulf %gather3A, %get3A_130 : vector<16xf32>
        %swap3A = arith.constant 0 : i32
        %swap3A_140 = arith.constant 0 : i32
        %swap3A_141 = arith.index_cast %swap3A : i32 to index
        %swap3A_142 = arith.index_cast %swap3A_140 : i32 to index
        %swap3A_143 = arith.index_cast %mul3A_127 : i32 to index
        %swap3A_144 = tpu.vector_load %arg11[%swap3A_141, %swap3A_142, %swap3A_143] {strides = array<i32>} : memref<4x32x128xf32, #tpu.memory_space<vmem>>, vector<16xf32>,
        tpu.vector_store %arg11[%swap3A_141, %swap3A_142, %swap3A_143], %mul3A_139 {strides = array<i32>} : memref<4x32x128xf32, #tpu.memory_space<vmem>>, vector<16xf32>,
        %add3A_145 = arith.constant 1 : i32
        %add3A_146 = vector.broadcast %add3A_145 : i32 to vector<16xi32>
        %add3A_147 = arith.addi %get3A_138, %add3A_146 : vector<16xi32>
        %gather3A_148 = tpu.vector_load_idx %arg10[%add3A_134, %add3A_147] : memref<512x128xf32, #tpu.memory_space<vmem>>[vector<16xi32>, vector<16xi32>], vector<16xf32>,
        %mul3A_149 = arith.mulf %gather3A_148, %get3A_130 : vector<16xf32>
        %swap3A_150 = arith.constant 0 : i32
        %swap3A_151 = arith.constant 1 : i32
        %swap3A_152 = arith.index_cast %swap3A_150 : i32 to index
        %swap3A_153 = arith.index_cast %swap3A_151 : i32 to index
        %swap3A_154 = arith.index_cast %mul3A_127 : i32 to index
        %swap3A_155 = tpu.vector_load %arg11[%swap3A_152, %swap3A_153, %swap3A_154] {strides = array<i32>} : memref<4x32x128xf32, #tpu.memory_space<vmem>>, vector<16xf32>,
        tpu.vector_store %arg11[%swap3A_152, %swap3A_153, %swap3A_154], %mul3A_149 {strides = array<i32>} : memref<4x32x128xf32, #tpu.memory_space<vmem>>, vector<16xf32>,
        %add3A_156 = arith.constant 1 : i32
        %add3A_157 = vector.broadcast %add3A_156 : i32 to vector<16xi32>
        %add3A_158 = arith.addi %add3A_147, %add3A_157 : vector<16xi32>
        %gather3A_159 = tpu.vector_load_idx %arg10[%add3A_134, %add3A_158] : memref<512x128xf32, #tpu.memory_space<vmem>>[vector<16xi32>, vector<16xi32>], vector<16xf32>,
        %mul3A_160 = arith.mulf %gather3A_159, %get3A_130 : vector<16xf32>
        %swap3A_161 = arith.constant 0 : i32
        %swap3A_162 = arith.constant 2 : i32
        %swap3A_163 = arith.index_cast %swap3A_161 : i32 to index
        %swap3A_164 = arith.index_cast %swap3A_162 : i32 to index
        %swap3A_165 = arith.index_cast %mul3A_127 : i32 to index
        %swap3A_166 = tpu.vector_load %arg11[%swap3A_163, %swap3A_164, %swap3A_165] {strides = array<i32>} : memref<4x32x128xf32, #tpu.memory_space<vmem>>, vector<16xf32>,
        tpu.vector_store %arg11[%swap3A_163, %swap3A_164, %swap3A_165], %mul3A_160 {strides = array<i32>} : memref<4x32x128xf32, #tpu.memory_space<vmem>>, vector<16xf32>,
        %add3A_167 = arith.constant 1 : i32
        %add3A_168 = vector.broadcast %add3A_167 : i32 to vector<16xi32>
        %add3A_169 = arith.addi %add3A_158, %add3A_168 : vector<16xi32>
        %gather3A_170 = tpu.vector_load_idx %arg10[%add3A_134, %add3A_169] : memref<512x128xf32, #tpu.memory_space<vmem>>[vector<16xi32>, vector<16xi32>], vector<16xf32>,
        %mul3A_171 = arith.mulf %gather3A_170, %get3A_130 : vector<16xf32>
        %swap3A_172 = arith.constant 0 : i32
        %swap3A_173 = arith.constant 3 : i32
        %swap3A_174 = arith.index_cast %swap3A_172 : i32 to index
        %swap3A_175 = arith.index_cast %swap3A_173 : i32 to index
        %swap3A_176 = arith.index_cast %mul3A_127 : i32 to index
        %swap3A_177 = tpu.vector_load %arg11[%swap3A_174, %swap3A_175, %swap3A_176] {strides = array<i32>} : memref<4x32x128xf32, #tpu.memory_space<vmem>>, vector<16xf32>,
        tpu.vector_store %arg11[%swap3A_174, %swap3A_175, %swap3A_176], %mul3A_171 {strides = array<i32>} : memref<4x32x128xf32, #tpu.memory_space<vmem>>, vector<16xf32>,
        %add3A_178 = arith.constant 1 : i32
        %add3A_179 = vector.broadcast %add3A_178 : i32 to vector<16xi32>
        %add3A_180 = arith.addi %add3A_169, %add3A_179 : vector<16xi32>
        %gather3A_181 = tpu.vector_load_idx %arg10[%add3A_134, %add3A_180] : memref<512x128xf32, #tpu.memory_space<vmem>>[vector<16xi32>, vector<16xi32>], vector<16xf32>,
        %mul3A_182 = arith.mulf %gather3A_181, %get3A_130 : vector<16xf32>
        %swap3A_183 = arith.constant 0 : i32
        %swap3A_184 = arith.constant 4 : i32
        %swap3A_185 = arith.index_cast %swap3A_183 : i32 to index
        %swap3A_186 = arith.index_cast %swap3A_184 : i32 to index
        %swap3A_187 = arith.index_cast %mul3A_127 : i32 to index
        %swap3A_188 = tpu.vector_load %arg11[%swap3A_185, %swap3A_186, %swap3A_187] {strides = array<i32>} : memref<4x32x128xf32, #tpu.memory_space<vmem>>, vector<16xf32>,
        tpu.vector_store %arg11[%swap3A_185, %swap3A_186, %swap3A_187], %mul3A_182 {strides = array<i32>} : memref<4x32x128xf32, #tpu.memory_space<vmem>>, vector<16xf32>,
        %add3A_189 = arith.constant 1 : i32
        %add3A_190 = vector.broadcast %add3A_189 : i32 to vector<16xi32>
        %add3A_191 = arith.addi %add3A_180, %add3A_190 : vector<16xi32>
        %gather3A_192 = tpu.vector_load_idx %arg10[%add3A_134, %add3A_191] : memref<512x128xf32, #tpu.memory_space<vmem>>[vector<16xi32>, vector<16xi32>], vector<16xf32>,
        %mul3A_193 = arith.mulf %gather3A_192, %get3A_130 : vector<16xf32>
        %swap3A_194 = arith.constant 0 : i32
        %swap3A_195 = arith.constant 5 : i32
        %swap3A_196 = arith.index_cast %swap3A_194 : i32 to index
        %swap3A_197 = arith.index_cast %swap3A_195 : i32 to index
        %swap3A_198 = arith.index_cast %mul3A_127 : i32 to index
        %swap3A_199 = tpu.vector_load %arg11[%swap3A_196, %swap3A_197, %swap3A_198] {strides = array<i32>} : memref<4x32x128xf32, #tpu.memory_space<vmem>>, vector<16xf32>,
        tpu.vector_store %arg11[%swap3A_196, %swap3A_197, %swap3A_198], %mul3A_193 {strides = array<i32>} : memref<4x32x128xf32, #tpu.memory_space<vmem>>, vector<16xf32>,
        %add3A_200 = arith.constant 1 : i32
        %add3A_201 = vector.broadcast %add3A_200 : i32 to vector<16xi32>
        %add3A_202 = arith.addi %add3A_191, %add3A_201 : vector<16xi32>
        %gather3A_203 = tpu.vector_load_idx %arg10[%add3A_134, %add3A_202] : memref<512x128xf32, #tpu.memory_space<vmem>>[vector<16xi32>, vector<16xi32>], vector<16xf32>,
        %mul3A_204 = arith.mulf %gather3A_203, %get3A_130 : vector<16xf32>
        %swap3A_205 = arith.constant 0 : i32
        %swap3A_206 = arith.constant 6 : i32
        %swap3A_207 = arith.index_cast %swap3A_205 : i32 to index
        %swap3A_208 = arith.index_cast %swap3A_206 : i32 to index
        %swap3A_209 = arith.index_cast %mul3A_127 : i32 to index
        %swap3A_210 = tpu.vector_load %arg11[%swap3A_207, %swap3A_208, %swap3A_209] {strides = array<i32>} : memref<4x32x128xf32, #tpu.memory_space<vmem>>, vector<16xf32>,
        tpu.vector_store %arg11[%swap3A_207, %swap3A_208, %swap3A_209], %mul3A_204 {strides = array<i32>} : memref<4x32x128xf32, #tpu.memory_space<vmem>>, vector<16xf32>,
        %add3A_211 = arith.constant 1 : i32
        %add3A_212 = vector.broadcast %add3A_211 : i32 to vector<16xi32>
        %add3A_213 = arith.addi %add3A_202, %add3A_212 : vector<16xi32>
        %gather3A_214 = tpu.vector_load_idx %arg10[%add3A_134, %add3A_213] : memref<512x128xf32, #tpu.memory_space<vmem>>[vector<16xi32>, vector<16xi32>], vector<16xf32>,
        %mul3A_215 = arith.mulf %gather3A_214, %get3A_130 : vector<16xf32>
        %swap3A_216 = arith.constant 0 : i32
        %swap3A_217 = arith.constant 7 : i32
        %swap3A_218 = arith.index_cast %swap3A_216 : i32 to index
        %swap3A_219 = arith.index_cast %swap3A_217 : i32 to index
        %swap3A_220 = arith.index_cast %mul3A_127 : i32 to index
        %swap3A_221 = tpu.vector_load %arg11[%swap3A_218, %swap3A_219, %swap3A_220] {strides = array<i32>} : memref<4x32x128xf32, #tpu.memory_space<vmem>>, vector<16xf32>,
        tpu.vector_store %arg11[%swap3A_218, %swap3A_219, %swap3A_220], %mul3A_215 {strides = array<i32>} : memref<4x32x128xf32, #tpu.memory_space<vmem>>, vector<16xf32>,
        %add3A_222 = arith.constant 1 : i32
        %add3A_223 = vector.broadcast %add3A_222 : i32 to vector<16xi32>
        %add3A_224 = arith.addi %add3A_213, %add3A_223 : vector<16xi32>
        %gather3A_225 = tpu.vector_load_idx %arg10[%add3A_134, %add3A_224] : memref<512x128xf32, #tpu.memory_space<vmem>>[vector<16xi32>, vector<16xi32>], vector<16xf32>,
        %mul3A_226 = arith.mulf %gather3A_225, %get3A_130 : vector<16xf32>
        %swap3A_227 = arith.constant 0 : i32
        %swap3A_228 = arith.constant 8 : i32
        %swap3A_229 = arith.index_cast %swap3A_227 : i32 to index
        %swap3A_230 = arith.index_cast %swap3A_228 : i32 to index
        %swap3A_231 = arith.index_cast %mul3A_127 : i32 to index
        %swap3A_232 = tpu.vector_load %arg11[%swap3A_229, %swap3A_230, %swap3A_231] {strides = array<i32>} : memref<4x32x128xf32, #tpu.memory_space<vmem>>, vector<16xf32>,
        tpu.vector_store %arg11[%swap3A_229, %swap3A_230, %swap3A_231], %mul3A_226 {strides = array<i32>} : memref<4x32x128xf32, #tpu.memory_space<vmem>>, vector<16xf32>,
        %add3A_233 = arith.constant 1 : i32
        %add3A_234 = vector.broadcast %add3A_233 : i32 to vector<16xi32>
        %add3A_235 = arith.addi %add3A_224, %add3A_234 : vector<16xi32>
        %gather3A_236 = tpu.vector_load_idx %arg10[%add3A_134, %add3A_235] : memref<512x128xf32, #tpu.memory_space<vmem>>[vector<16xi32>, vector<16xi32>], vector<16xf32>,
        %mul3A_237 = arith.mulf %gather3A_236, %get3A_130 : vector<16xf32>
        %swap3A_238 = arith.constant 0 : i32
        %swap3A_239 = arith.constant 9 : i32
        %swap3A_240 = arith.index_cast %swap3A_238 : i32 to index
        %swap3A_241 = arith.index_cast %swap3A_239 : i32 to index
        %swap3A_242 = arith.index_cast %mul3A_127 : i32 to index
        %swap3A_243 = tpu.vector_load %arg11[%swap3A_240, %swap3A_241, %swap3A_242] {strides = array<i32>} : memref<4x32x128xf32, #tpu.memory_space<vmem>>, vector<16xf32>,
        tpu.vector_store %arg11[%swap3A_240, %swap3A_241, %swap3A_242], %mul3A_237 {strides = array<i32>} : memref<4x32x128xf32, #tpu.memory_space<vmem>>, vector<16xf32>,
        %add3A_244 = arith.constant 1 : i32
        %add3A_245 = vector.broadcast %add3A_244 : i32 to vector<16xi32>
        %add3A_246 = arith.addi %add3A_235, %add3A_245 : vector<16xi32>
        %gather3A_247 = tpu.vector_load_idx %arg10[%add3A_134, %add3A_246] : memref<512x128xf32, #tpu.memory_space<vmem>>[vector<16xi32>, vector<16xi32>], vector<16xf32>,
        %mul3A_248 = arith.mulf %gather3A_247, %get3A_130 : vector<16xf32>
        %swap3A_249 = arith.constant 0 : i32
        %swap3A_250 = arith.constant 10 : i32
        %swap3A_251 = arith.index_cast %swap3A_249 : i32 to index
        %swap3A_252 = arith.index_cast %swap3A_250 : i32 to index
        %swap3A_253 = arith.index_cast %mul3A_127 : i32 to index
        %swap3A_254 = tpu.vector_load %arg11[%swap3A_251, %swap3A_252, %swap3A_253] {strides = array<i32>} : memref<4x32x128xf32, #tpu.memory_space<vmem>>, vector<16xf32>,
        tpu.vector_store %arg11[%swap3A_251, %swap3A_252, %swap3A_253], %mul3A_248 {strides = array<i32>} : memref<4x32x128xf32, #tpu.memory_space<vmem>>, vector<16xf32>,
        %add3A_255 = arith.constant 1 : i32
        %add3A_256 = vector.broadcast %add3A_255 : i32 to vector<16xi32>
        %add3A_257 = arith.addi %add3A_246, %add3A_256 : vector<16xi32>
        %gather3A_258 = tpu.vector_load_idx %arg10[%add3A_134, %add3A_257] : memref<512x128xf32, #tpu.memory_space<vmem>>[vector<16xi32>, vector<16xi32>], vector<16xf32>,
        %mul3A_259 = arith.mulf %gather3A_258, %get3A_130 : vector<16xf32>
        %swap3A_260 = arith.constant 0 : i32
        %swap3A_261 = arith.constant 11 : i32
        %swap3A_262 = arith.index_cast %swap3A_260 : i32 to index
        %swap3A_263 = arith.index_cast %swap3A_261 : i32 to index
        %swap3A_264 = arith.index_cast %mul3A_127 : i32 to index
        %swap3A_265 = tpu.vector_load %arg11[%swap3A_262, %swap3A_263, %swap3A_264] {strides = array<i32>} : memref<4x32x128xf32, #tpu.memory_space<vmem>>, vector<16xf32>,
        tpu.vector_store %arg11[%swap3A_262, %swap3A_263, %swap3A_264], %mul3A_259 {strides = array<i32>} : memref<4x32x128xf32, #tpu.memory_space<vmem>>, vector<16xf32>,
        %add3A_266 = arith.constant 1 : i32
        %add3A_267 = vector.broadcast %add3A_266 : i32 to vector<16xi32>
        %add3A_268 = arith.addi %add3A_257, %add3A_267 : vector<16xi32>
        %gather3A_269 = tpu.vector_load_idx %arg10[%add3A_134, %add3A_268] : memref<512x128xf32, #tpu.memory_space<vmem>>[vector<16xi32>, vector<16xi32>], vector<16xf32>,
        %mul3A_270 = arith.mulf %gather3A_269, %get3A_130 : vector<16xf32>
        %swap3A_271 = arith.constant 0 : i32
        %swap3A_272 = arith.constant 12 : i32
        %swap3A_273 = arith.index_cast %swap3A_271 : i32 to index
        %swap3A_274 = arith.index_cast %swap3A_272 : i32 to index
        %swap3A_275 = arith.index_cast %mul3A_127 : i32 to index
        %swap3A_276 = tpu.vector_load %arg11[%swap3A_273, %swap3A_274, %swap3A_275] {strides = array<i32>} : memref<4x32x128xf32, #tpu.memory_space<vmem>>, vector<16xf32>,
        tpu.vector_store %arg11[%swap3A_273, %swap3A_274, %swap3A_275], %mul3A_270 {strides = array<i32>} : memref<4x32x128xf32, #tpu.memory_space<vmem>>, vector<16xf32>,
        %add3A_277 = arith.constant 1 : i32
        %add3A_278 = vector.broadcast %add3A_277 : i32 to vector<16xi32>
        %add3A_279 = arith.addi %add3A_268, %add3A_278 : vector<16xi32>
        %gather3A_280 = tpu.vector_load_idx %arg10[%add3A_134, %add3A_279] : memref<512x128xf32, #tpu.memory_space<vmem>>[vector<16xi32>, vector<16xi32>], vector<16xf32>,
        %mul3A_281 = arith.mulf %gather3A_280, %get3A_130 : vector<16xf32>
        %swap3A_282 = arith.constant 0 : i32
        %swap3A_283 = arith.constant 13 : i32
        %swap3A_284 = arith.index_cast %swap3A_282 : i32 to index
        %swap3A_285 = arith.index_cast %swap3A_283 : i32 to index
        %swap3A_286 = arith.index_cast %mul3A_127 : i32 to index
        %swap3A_287 = tpu.vector_load %arg11[%swap3A_284, %swap3A_285, %swap3A_286] {strides = array<i32>} : memref<4x32x128xf32, #tpu.memory_space<vmem>>, vector<16xf32>,
        tpu.vector_store %arg11[%swap3A_284, %swap3A_285, %swap3A_286], %mul3A_281 {strides = array<i32>} : memref<4x32x128xf32, #tpu.memory_space<vmem>>, vector<16xf32>,
        %add3A_288 = arith.constant 1 : i32
        %add3A_289 = vector.broadcast %add3A_288 : i32 to vector<16xi32>
        %add3A_290 = arith.addi %add3A_279, %add3A_289 : vector<16xi32>
        %gather3A_291 = tpu.vector_load_idx %arg10[%add3A_134, %add3A_290] : memref<512x128xf32, #tpu.memory_space<vmem>>[vector<16xi32>, vector<16xi32>], vector<16xf32>,
        %mul3A_292 = arith.mulf %gather3A_291, %get3A_130 : vector<16xf32>
        %swap3A_293 = arith.constant 0 : i32
        %swap3A_294 = arith.constant 14 : i32
        %swap3A_295 = arith.index_cast %swap3A_293 : i32 to index
        %swap3A_296 = arith.index_cast %swap3A_294 : i32 to index
        %swap3A_297 = arith.index_cast %mul3A_127 : i32 to index
        %swap3A_298 = tpu.vector_load %arg11[%swap3A_295, %swap3A_296, %swap3A_297] {strides = array<i32>} : memref<4x32x128xf32, #tpu.memory_space<vmem>>, vector<16xf32>,
        tpu.vector_store %arg11[%swap3A_295, %swap3A_296, %swap3A_297], %mul3A_292 {strides = array<i32>} : memref<4x32x128xf32, #tpu.memory_space<vmem>>, vector<16xf32>,
        %add3A_299 = arith.constant 1 : i32
        %add3A_300 = vector.broadcast %add3A_299 : i32 to vector<16xi32>
        %add3A_301 = arith.addi %add3A_290, %add3A_300 : vector<16xi32>
        %gather3A_302 = tpu.vector_load_idx %arg10[%add3A_134, %add3A_301] : memref<512x128xf32, #tpu.memory_space<vmem>>[vector<16xi32>, vector<16xi32>], vector<16xf32>,
        %mul3A_303 = arith.mulf %gather3A_302, %get3A_130 : vector<16xf32>
        %swap3A_304 = arith.constant 0 : i32
        %swap3A_305 = arith.constant 15 : i32
        %swap3A_306 = arith.index_cast %swap3A_304 : i32 to index
        %swap3A_307 = arith.index_cast %swap3A_305 : i32 to index
        %swap3A_308 = arith.index_cast %mul3A_127 : i32 to index
        %swap3A_309 = tpu.vector_load %arg11[%swap3A_306, %swap3A_307, %swap3A_308] {strides = array<i32>} : memref<4x32x128xf32, #tpu.memory_space<vmem>>, vector<16xf32>,
        tpu.vector_store %arg11[%swap3A_306, %swap3A_307, %swap3A_308], %mul3A_303 {strides = array<i32>} : memref<4x32x128xf32, #tpu.memory_space<vmem>>, vector<16xf32>,
        %add3A_310 = arith.constant 1 : i32
        %add3A_311 = vector.broadcast %add3A_310 : i32 to vector<16xi32>
        %add3A_312 = arith.addi %add3A_301, %add3A_311 : vector<16xi32>
        %gather3A_313 = tpu.vector_load_idx %arg10[%add3A_134, %add3A_312] : memref<512x128xf32, #tpu.memory_space<vmem>>[vector<16xi32>, vector<16xi32>], vector<16xf32>,
        %mul3A_314 = arith.mulf %gather3A_313, %get3A_130 : vector<16xf32>
        %swap3A_315 = arith.constant 0 : i32
        %swap3A_316 = arith.constant 16 : i32
        %swap3A_317 = arith.index_cast %swap3A_315 : i32 to index
        %swap3A_318 = arith.index_cast %swap3A_316 : i32 to index
        %swap3A_319 = arith.index_cast %mul3A_127 : i32 to index
        %swap3A_320 = tpu.vector_load %arg11[%swap3A_317, %swap3A_318, %swap3A_319] {strides = array<i32>} : memref<4x32x128xf32, #tpu.memory_space<vmem>>, vector<16xf32>,
        tpu.vector_store %arg11[%swap3A_317, %swap3A_318, %swap3A_319], %mul3A_314 {strides = array<i32>} : memref<4x32x128xf32, #tpu.memory_space<vmem>>, vector<16xf32>,
        %add3A_321 = arith.constant 1 : i32
        %add3A_322 = vector.broadcast %add3A_321 : i32 to vector<16xi32>
        %add3A_323 = arith.addi %add3A_312, %add3A_322 : vector<16xi32>
        %gather3A_324 = tpu.vector_load_idx %arg10[%add3A_134, %add3A_323] : memref<512x128xf32, #tpu.memory_space<vmem>>[vector<16xi32>, vector<16xi32>], vector<16xf32>,
        %mul3A_325 = arith.mulf %gather3A_324, %get3A_130 : vector<16xf32>
        %swap3A_326 = arith.constant 0 : i32
        %swap3A_327 = arith.constant 17 : i32
        %swap3A_328 = arith.index_cast %swap3A_326 : i32 to index
        %swap3A_329 = arith.index_cast %swap3A_327 : i32 to index
        %swap3A_330 = arith.index_cast %mul3A_127 : i32 to index
        %swap3A_331 = tpu.vector_load %arg11[%swap3A_328, %swap3A_329, %swap3A_330] {strides = array<i32>} : memref<4x32x128xf32, #tpu.memory_space<vmem>>, vector<16xf32>,
        tpu.vector_store %arg11[%swap3A_328, %swap3A_329, %swap3A_330], %mul3A_325 {strides = array<i32>} : memref<4x32x128xf32, #tpu.memory_space<vmem>>, vector<16xf32>,
        %add3A_332 = arith.constant 1 : i32
        %add3A_333 = vector.broadcast %add3A_332 : i32 to vector<16xi32>
        %add3A_334 = arith.addi %add3A_323, %add3A_333 : vector<16xi32>
        %gather3A_335 = tpu.vector_load_idx %arg10[%add3A_134, %add3A_334] : memref<512x128xf32, #tpu.memory_space<vmem>>[vector<16xi32>, vector<16xi32>], vector<16xf32>,
        %mul3A_336 = arith.mulf %gather3A_335, %get3A_130 : vector<16xf32>
        %swap3A_337 = arith.constant 0 : i32
        %swap3A_338 = arith.constant 18 : i32
        %swap3A_339 = arith.index_cast %swap3A_337 : i32 to index
        %swap3A_340 = arith.index_cast %swap3A_338 : i32 to index
        %swap3A_341 = arith.index_cast %mul3A_127 : i32 to index
        %swap3A_342 = tpu.vector_load %arg11[%swap3A_339, %swap3A_340, %swap3A_341] {strides = array<i32>} : memref<4x32x128xf32, #tpu.memory_space<vmem>>, vector<16xf32>,
        tpu.vector_store %arg11[%swap3A_339, %swap3A_340, %swap3A_341], %mul3A_336 {strides = array<i32>} : memref<4x32x128xf32, #tpu.memory_space<vmem>>, vector<16xf32>,
        %add3A_343 = arith.constant 1 : i32
        %add3A_344 = vector.broadcast %add3A_343 : i32 to vector<16xi32>
        %add3A_345 = arith.addi %add3A_334, %add3A_344 : vector<16xi32>
        %gather3A_346 = tpu.vector_load_idx %arg10[%add3A_134, %add3A_345] : memref<512x128xf32, #tpu.memory_space<vmem>>[vector<16xi32>, vector<16xi32>], vector<16xf32>,
        %mul3A_347 = arith.mulf %gather3A_346, %get3A_130 : vector<16xf32>
        %swap3A_348 = arith.constant 0 : i32
        %swap3A_349 = arith.constant 19 : i32
        %swap3A_350 = arith.index_cast %swap3A_348 : i32 to index
        %swap3A_351 = arith.index_cast %swap3A_349 : i32 to index
        %swap3A_352 = arith.index_cast %mul3A_127 : i32 to index
        %swap3A_353 = tpu.vector_load %arg11[%swap3A_350, %swap3A_351, %swap3A_352] {strides = array<i32>} : memref<4x32x128xf32, #tpu.memory_space<vmem>>, vector<16xf32>,
        tpu.vector_store %arg11[%swap3A_350, %swap3A_351, %swap3A_352], %mul3A_347 {strides = array<i32>} : memref<4x32x128xf32, #tpu.memory_space<vmem>>, vector<16xf32>,
        %add3A_354 = arith.constant 1 : i32
        %add3A_355 = vector.broadcast %add3A_354 : i32 to vector<16xi32>
        %add3A_356 = arith.addi %add3A_345, %add3A_355 : vector<16xi32>
        %gather3A_357 = tpu.vector_load_idx %arg10[%add3A_134, %add3A_356] : memref<512x128xf32, #tpu.memory_space<vmem>>[vector<16xi32>, vector<16xi32>], vector<16xf32>,
        %mul3A_358 = arith.mulf %gather3A_357, %get3A_130 : vector<16xf32>
        %swap3A_359 = arith.constant 0 : i32
        %swap3A_360 = arith.constant 20 : i32
        %swap3A_361 = arith.index_cast %swap3A_359 : i32 to index
        %swap3A_362 = arith.index_cast %swap3A_360 : i32 to index
        %swap3A_363 = arith.index_cast %mul3A_127 : i32 to index
        %swap3A_364 = tpu.vector_load %arg11[%swap3A_361, %swap3A_362, %swap3A_363] {strides = array<i32>} : memref<4x32x128xf32, #tpu.memory_space<vmem>>, vector<16xf32>,
        tpu.vector_store %arg11[%swap3A_361, %swap3A_362, %swap3A_363], %mul3A_358 {strides = array<i32>} : memref<4x32x128xf32, #tpu.memory_space<vmem>>, vector<16xf32>,
        %add3A_365 = arith.constant 1 : i32
        %add3A_366 = vector.broadcast %add3A_365 : i32 to vector<16xi32>
        %add3A_367 = arith.addi %add3A_356, %add3A_366 : vector<16xi32>
        %gather3A_368 = tpu.vector_load_idx %arg10[%add3A_134, %add3A_367] : memref<512x128xf32, #tpu.memory_space<vmem>>[vector<16xi32>, vector<16xi32>], vector<16xf32>,
        %mul3A_369 = arith.mulf %gather3A_368, %get3A_130 : vector<16xf32>
        %swap3A_370 = arith.constant 0 : i32
        %swap3A_371 = arith.constant 21 : i32
        %swap3A_372 = arith.index_cast %swap3A_370 : i32 to index
        %swap3A_373 = arith.index_cast %swap3A_371 : i32 to index
        %swap3A_374 = arith.index_cast %mul3A_127 : i32 to index
        %swap3A_375 = tpu.vector_load %arg11[%swap3A_372, %swap3A_373, %swap3A_374] {strides = array<i32>} : memref<4x32x128xf32, #tpu.memory_space<vmem>>, vector<16xf32>,
        tpu.vector_store %arg11[%swap3A_372, %swap3A_373, %swap3A_374], %mul3A_369 {strides = array<i32>} : memref<4x32x128xf32, #tpu.memory_space<vmem>>, vector<16xf32>,
        %add3A_376 = arith.constant 1 : i32
        %add3A_377 = vector.broadcast %add3A_376 : i32 to vector<16xi32>
        %add3A_378 = arith.addi %add3A_367, %add3A_377 : vector<16xi32>
        %gather3A_379 = tpu.vector_load_idx %arg10[%add3A_134, %add3A_378] : memref<512x128xf32, #tpu.memory_space<vmem>>[vector<16xi32>, vector<16xi32>], vector<16xf32>,
        %mul3A_380 = arith.mulf %gather3A_379, %get3A_130 : vector<16xf32>
        %swap3A_381 = arith.constant 0 : i32
        %swap3A_382 = arith.constant 22 : i32
        %swap3A_383 = arith.index_cast %swap3A_381 : i32 to index
        %swap3A_384 = arith.index_cast %swap3A_382 : i32 to index
        %swap3A_385 = arith.index_cast %mul3A_127 : i32 to index
        %swap3A_386 = tpu.vector_load %arg11[%swap3A_383, %swap3A_384, %swap3A_385] {strides = array<i32>} : memref<4x32x128xf32, #tpu.memory_space<vmem>>, vector<16xf32>,
        tpu.vector_store %arg11[%swap3A_383, %swap3A_384, %swap3A_385], %mul3A_380 {strides = array<i32>} : memref<4x32x128xf32, #tpu.memory_space<vmem>>, vector<16xf32>,
        %add3A_387 = arith.constant 1 : i32
        %add3A_388 = vector.broadcast %add3A_387 : i32 to vector<16xi32>
        %add3A_389 = arith.addi %add3A_378, %add3A_388 : vector<16xi32>
        %gather3A_390 = tpu.vector_load_idx %arg10[%add3A_134, %add3A_389] : memref<512x128xf32, #tpu.memory_space<vmem>>[vector<16xi32>, vector<16xi32>], vector<16xf32>,
        %mul3A_391 = arith.mulf %gather3A_390, %get3A_130 : vector<16xf32>
        %swap3A_392 = arith.constant 0 : i32
        %swap3A_393 = arith.constant 23 : i32
        %swap3A_394 = arith.index_cast %swap3A_392 : i32 to index
        %swap3A_395 = arith.index_cast %swap3A_393 : i32 to index
        %swap3A_396 = arith.index_cast %mul3A_127 : i32 to index
        %swap3A_397 = tpu.vector_load %arg11[%swap3A_394, %swap3A_395, %swap3A_396] {strides = array<i32>} : memref<4x32x128xf32, #tpu.memory_space<vmem>>, vector<16xf32>,
        tpu.vector_store %arg11[%swap3A_394, %swap3A_395, %swap3A_396], %mul3A_391 {strides = array<i32>} : memref<4x32x128xf32, #tpu.memory_space<vmem>>, vector<16xf32>,
        %add3A_398 = arith.constant 1 : i32
        %add3A_399 = vector.broadcast %add3A_398 : i32 to vector<16xi32>
        %add3A_400 = arith.addi %add3A_389, %add3A_399 : vector<16xi32>
        %gather3A_401 = tpu.vector_load_idx %arg10[%add3A_134, %add3A_400] : memref<512x128xf32, #tpu.memory_space<vmem>>[vector<16xi32>, vector<16xi32>], vector<16xf32>,
        %mul3A_402 = arith.mulf %gather3A_401, %get3A_130 : vector<16xf32>
        %swap3A_403 = arith.constant 0 : i32
        %swap3A_404 = arith.constant 24 : i32
        %swap3A_405 = arith.index_cast %swap3A_403 : i32 to index
        %swap3A_406 = arith.index_cast %swap3A_404 : i32 to index
        %swap3A_407 = arith.index_cast %mul3A_127 : i32 to index
        %swap3A_408 = tpu.vector_load %arg11[%swap3A_405, %swap3A_406, %swap3A_407] {strides = array<i32>} : memref<4x32x128xf32, #tpu.memory_space<vmem>>, vector<16xf32>,
        tpu.vector_store %arg11[%swap3A_405, %swap3A_406, %swap3A_407], %mul3A_402 {strides = array<i32>} : memref<4x32x128xf32, #tpu.memory_space<vmem>>, vector<16xf32>,
        %add3A_409 = arith.constant 1 : i32
        %add3A_410 = vector.broadcast %add3A_409 : i32 to vector<16xi32>
        %add3A_411 = arith.addi %add3A_400, %add3A_410 : vector<16xi32>
        %gather3A_412 = tpu.vector_load_idx %arg10[%add3A_134, %add3A_411] : memref<512x128xf32, #tpu.memory_space<vmem>>[vector<16xi32>, vector<16xi32>], vector<16xf32>,
        %mul3A_413 = arith.mulf %gather3A_412, %get3A_130 : vector<16xf32>
        %swap3A_414 = arith.constant 0 : i32
        %swap3A_415 = arith.constant 25 : i32
        %swap3A_416 = arith.index_cast %swap3A_414 : i32 to index
        %swap3A_417 = arith.index_cast %swap3A_415 : i32 to index
        %swap3A_418 = arith.index_cast %mul3A_127 : i32 to index
        %swap3A_419 = tpu.vector_load %arg11[%swap3A_416, %swap3A_417, %swap3A_418] {strides = array<i32>} : memref<4x32x128xf32, #tpu.memory_space<vmem>>, vector<16xf32>,
        tpu.vector_store %arg11[%swap3A_416, %swap3A_417, %swap3A_418], %mul3A_413 {strides = array<i32>} : memref<4x32x128xf32, #tpu.memory_space<vmem>>, vector<16xf32>,
        %add3A_420 = arith.constant 1 : i32
        %add3A_421 = vector.broadcast %add3A_420 : i32 to vector<16xi32>
        %add3A_422 = arith.addi %add3A_411, %add3A_421 : vector<16xi32>
        %gather3A_423 = tpu.vector_load_idx %arg10[%add3A_134, %add3A_422] : memref<512x128xf32, #tpu.memory_space<vmem>>[vector<16xi32>, vector<16xi32>], vector<16xf32>,
        %mul3A_424 = arith.mulf %gather3A_423, %get3A_130 : vector<16xf32>
        %swap3A_425 = arith.constant 0 : i32
        %swap3A_426 = arith.constant 26 : i32
        %swap3A_427 = arith.index_cast %swap3A_425 : i32 to index
        %swap3A_428 = arith.index_cast %swap3A_426 : i32 to index
        %swap3A_429 = arith.index_cast %mul3A_127 : i32 to index
        %swap3A_430 = tpu.vector_load %arg11[%swap3A_427, %swap3A_428, %swap3A_429] {strides = array<i32>} : memref<4x32x128xf32, #tpu.memory_space<vmem>>, vector<16xf32>,
        tpu.vector_store %arg11[%swap3A_427, %swap3A_428, %swap3A_429], %mul3A_424 {strides = array<i32>} : memref<4x32x128xf32, #tpu.memory_space<vmem>>, vector<16xf32>,
        %add3A_431 = arith.constant 1 : i32
        %add3A_432 = vector.broadcast %add3A_431 : i32 to vector<16xi32>
        %add3A_433 = arith.addi %add3A_422, %add3A_432 : vector<16xi32>
        %gather3A_434 = tpu.vector_load_idx %arg10[%add3A_134, %add3A_433] : memref<512x128xf32, #tpu.memory_space<vmem>>[vector<16xi32>, vector<16xi32>], vector<16xf32>,
        %mul3A_435 = arith.mulf %gather3A_434, %get3A_130 : vector<16xf32>
        %swap3A_436 = arith.constant 0 : i32
        %swap3A_437 = arith.constant 27 : i32
        %swap3A_438 = arith.index_cast %swap3A_436 : i32 to index
        %swap3A_439 = arith.index_cast %swap3A_437 : i32 to index
        %swap3A_440 = arith.index_cast %mul3A_127 : i32 to index
        %swap3A_441 = tpu.vector_load %arg11[%swap3A_438, %swap3A_439, %swap3A_440] {strides = array<i32>} : memref<4x32x128xf32, #tpu.memory_space<vmem>>, vector<16xf32>,
        tpu.vector_store %arg11[%swap3A_438, %swap3A_439, %swap3A_440], %mul3A_435 {strides = array<i32>} : memref<4x32x128xf32, #tpu.memory_space<vmem>>, vector<16xf32>,
        %add3A_442 = arith.constant 1 : i32
        %add3A_443 = vector.broadcast %add3A_442 : i32 to vector<16xi32>
        %add3A_444 = arith.addi %add3A_433, %add3A_443 : vector<16xi32>
        %gather3A_445 = tpu.vector_load_idx %arg10[%add3A_134, %add3A_444] : memref<512x128xf32, #tpu.memory_space<vmem>>[vector<16xi32>, vector<16xi32>], vector<16xf32>,
        %mul3A_446 = arith.mulf %gather3A_445, %get3A_130 : vector<16xf32>
        %swap3A_447 = arith.constant 0 : i32
        %swap3A_448 = arith.constant 28 : i32
        %swap3A_449 = arith.index_cast %swap3A_447 : i32 to index
        %swap3A_450 = arith.index_cast %swap3A_448 : i32 to index
        %swap3A_451 = arith.index_cast %mul3A_127 : i32 to index
        %swap3A_452 = tpu.vector_load %arg11[%swap3A_449, %swap3A_450, %swap3A_451] {strides = array<i32>} : memref<4x32x128xf32, #tpu.memory_space<vmem>>, vector<16xf32>,
        tpu.vector_store %arg11[%swap3A_449, %swap3A_450, %swap3A_451], %mul3A_446 {strides = array<i32>} : memref<4x32x128xf32, #tpu.memory_space<vmem>>, vector<16xf32>,
        %add3A_453 = arith.constant 1 : i32
        %add3A_454 = vector.broadcast %add3A_453 : i32 to vector<16xi32>
        %add3A_455 = arith.addi %add3A_444, %add3A_454 : vector<16xi32>
        %gather3A_456 = tpu.vector_load_idx %arg10[%add3A_134, %add3A_455] : memref<512x128xf32, #tpu.memory_space<vmem>>[vector<16xi32>, vector<16xi32>], vector<16xf32>,
        %mul3A_457 = arith.mulf %gather3A_456, %get3A_130 : vector<16xf32>
        %swap3A_458 = arith.constant 0 : i32
        %swap3A_459 = arith.constant 29 : i32
        %swap3A_460 = arith.index_cast %swap3A_458 : i32 to index
        %swap3A_461 = arith.index_cast %swap3A_459 : i32 to index
        %swap3A_462 = arith.index_cast %mul3A_127 : i32 to index
        %swap3A_463 = tpu.vector_load %arg11[%swap3A_460, %swap3A_461, %swap3A_462] {strides = array<i32>} : memref<4x32x128xf32, #tpu.memory_space<vmem>>, vector<16xf32>,
        tpu.vector_store %arg11[%swap3A_460, %swap3A_461, %swap3A_462], %mul3A_457 {strides = array<i32>} : memref<4x32x128xf32, #tpu.memory_space<vmem>>, vector<16xf32>,
        %add3A_464 = arith.constant 1 : i32
        %add3A_465 = vector.broadcast %add3A_464 : i32 to vector<16xi32>
        %add3A_466 = arith.addi %add3A_455, %add3A_465 : vector<16xi32>
        %gather3A_467 = tpu.vector_load_idx %arg10[%add3A_134, %add3A_466] : memref<512x128xf32, #tpu.memory_space<vmem>>[vector<16xi32>, vector<16xi32>], vector<16xf32>,
        %mul3A_468 = arith.mulf %gather3A_467, %get3A_130 : vector<16xf32>
        %swap3A_469 = arith.constant 0 : i32
        %swap3A_470 = arith.constant 30 : i32
        %swap3A_471 = arith.index_cast %swap3A_469 : i32 to index
        %swap3A_472 = arith.index_cast %swap3A_470 : i32 to index
        %swap3A_473 = arith.index_cast %mul3A_127 : i32 to index
        %swap3A_474 = tpu.vector_load %arg11[%swap3A_471, %swap3A_472, %swap3A_473] {strides = array<i32>} : memref<4x32x128xf32, #tpu.memory_space<vmem>>, vector<16xf32>,
        tpu.vector_store %arg11[%swap3A_471, %swap3A_472, %swap3A_473], %mul3A_468 {strides = array<i32>} : memref<4x32x128xf32, #tpu.memory_space<vmem>>, vector<16xf32>,
        %add3A_475 = arith.constant 1 : i32
        %add3A_476 = vector.broadcast %add3A_475 : i32 to vector<16xi32>
        %add3A_477 = arith.addi %add3A_466, %add3A_476 : vector<16xi32>
        %gather3A_478 = tpu.vector_load_idx %arg10[%add3A_134, %add3A_477] : memref<512x128xf32, #tpu.memory_space<vmem>>[vector<16xi32>, vector<16xi32>], vector<16xf32>,
        %mul3A_479 = arith.mulf %gather3A_478, %get3A_130 : vector<16xf32>
        %swap3A_480 = arith.constant 0 : i32
        %swap3A_481 = arith.constant 31 : i32
        %swap3A_482 = arith.index_cast %swap3A_480 : i32 to index
        %swap3A_483 = arith.index_cast %swap3A_481 : i32 to index
        %swap3A_484 = arith.index_cast %mul3A_127 : i32 to index
        %swap3A_485 = tpu.vector_load %arg11[%swap3A_482, %swap3A_483, %swap3A_484] {strides = array<i32>} : memref<4x32x128xf32, #tpu.memory_space<vmem>>, vector<16xf32>,
        tpu.vector_store %arg11[%swap3A_482, %swap3A_483, %swap3A_484], %mul3A_479 {strides = array<i32>} : memref<4x32x128xf32, #tpu.memory_space<vmem>>, vector<16xf32>,
      }
      %scan3A_72 = arith.constant 8 : i32
      %dma_wait3A_73 = arith.constant 1 : i32
      %dma_wait3A_74 = arith.constant 128 : i32
      %dma_wait3A_75 = arith.constant 0 : i32
      %dma_wait3A_76 = tpu.memref_slice %arg10[%dma_wait3A_74, %dma_wait3A_75] : memref<512x128xf32, #tpu.memory_space<vmem>> -> memref<128x128xf32, #tpu.memory_space<vmem>>
      %dma_wait3A_77 = arith.constant 0 : i32
      %dma_wait3A_78 = tpu.memref_slice %arg7[%dma_wait3A_73, %dma_wait3A_77] : memref<4x128xi32, #tpu.memory_space<vmem>> -> memref<1x128xi32, #tpu.memory_space<vmem>>
      %dma_wait3A_79 = tpu.memref_squeeze %dma_wait3A_78 : memref<1x128xi32, #tpu.memory_space<vmem>> -> memref<128xi32, #tpu.memory_space<vmem>>
      %dma_wait3A_80 = arith.constant 0 : i32
      %dma_wait3A_81 = arith.constant 0 : i32
      %dma_wait3A_82 = tpu.memref_slice %arg5[%dma_wait3A_80, %dma_wait3A_81] : memref<250000x128xf32, #tpu.memory_space<hbm>> -> memref<250000x128xf32, #tpu.memory_space<hbm>>
      tpu.wait_indirect_dma semaphore(%arg13 : memref<!tpu.dma_semaphore, #tpu.memory_space<semaphore_mem>>) src(%dma_wait3A_82 : memref<250000x128xf32, #tpu.memory_space<hbm>>) dst(%dma_wait3A_76 : memref<128x128xf32, #tpu.memory_space<vmem>>)
      %scan3A_83 = arith.constant 0 : i32
      %scan3A_84 = arith.constant 0 : i32
      %scan3A_85 = arith.constant 8 : i32
      %scan3A_86 = arith.addi %scan3A_84, %scan3A_85 : i32
      %scan3A_87 = arith.constant 1 : i32
      scf.for %scan3A_125 = %scan3A_84 to %scan3A_86 step %scan3A_87  : i32 {
        %mul3A_126 = arith.constant 16 : i32
        %mul3A_127 = arith.muli %scan3A_125, %mul3A_126 : i32
        %get3A = arith.constant 1 : i32
        %get3A_128 = arith.index_cast %get3A : i32 to index
        %get3A_129 = arith.index_cast %mul3A_127 : i32 to index
        %get3A_130 = tpu.vector_load %arg9[%get3A_128, %get3A_129] {strides = array<i32>} : memref<4x128xf32, #tpu.memory_space<vmem>>, vector<16xf32>,
        %add3A_131 = arith.constant 128 : i32
        %add3A_132 = arith.addi %add3A_131, %mul3A_127 : i32
        %add3A_133 = vector.broadcast %add3A_132 : i32 to vector<16xi32>
        %add3A_134 = arith.addi %iota3A, %add3A_133 : vector<16xi32>
        %get3A_135 = arith.constant 1 : i32
        %get3A_136 = arith.index_cast %get3A_135 : i32 to index
        %get3A_137 = arith.index_cast %mul3A_127 : i32 to index
        %get3A_138 = tpu.vector_load %arg8[%get3A_136, %get3A_137] {strides = array<i32>} : memref<4x128xi32, #tpu.memory_space<vmem>>, vector<16xi32>,
        %gather3A = tpu.vector_load_idx %arg10[%add3A_134, %get3A_138] : memref<512x128xf32, #tpu.memory_space<vmem>>[vector<16xi32>, vector<16xi32>], vector<16xf32>,
        %mul3A_139 = arith.mulf %gather3A, %get3A_130 : vector<16xf32>
        %swap3A = arith.constant 1 : i32
        %swap3A_140 = arith.constant 0 : i32
        %swap3A_141 = arith.index_cast %swap3A : i32 to index
        %swap3A_142 = arith.index_cast %swap3A_140 : i32 to index
        %swap3A_143 = arith.index_cast %mul3A_127 : i32 to index
        %swap3A_144 = tpu.vector_load %arg11[%swap3A_141, %swap3A_142, %swap3A_143] {strides = array<i32>} : memref<4x32x128xf32, #tpu.memory_space<vmem>>, vector<16xf32>,
        tpu.vector_store %arg11[%swap3A_141, %swap3A_142, %swap3A_143], %mul3A_139 {strides = array<i32>} : memref<4x32x128xf32, #tpu.memory_space<vmem>>, vector<16xf32>,
        %add3A_145 = arith.constant 1 : i32
        %add3A_146 = vector.broadcast %add3A_145 : i32 to vector<16xi32>
        %add3A_147 = arith.addi %get3A_138, %add3A_146 : vector<16xi32>
        %gather3A_148 = tpu.vector_load_idx %arg10[%add3A_134, %add3A_147] : memref<512x128xf32, #tpu.memory_space<vmem>>[vector<16xi32>, vector<16xi32>], vector<16xf32>,
        %mul3A_149 = arith.mulf %gather3A_148, %get3A_130 : vector<16xf32>
        %swap3A_150 = arith.constant 1 : i32
        %swap3A_151 = arith.constant 1 : i32
        %swap3A_152 = arith.index_cast %swap3A_150 : i32 to index
        %swap3A_153 = arith.index_cast %swap3A_151 : i32 to index
        %swap3A_154 = arith.index_cast %mul3A_127 : i32 to index
        %swap3A_155 = tpu.vector_load %arg11[%swap3A_152, %swap3A_153, %swap3A_154] {strides = array<i32>} : memref<4x32x128xf32, #tpu.memory_space<vmem>>, vector<16xf32>,
        tpu.vector_store %arg11[%swap3A_152, %swap3A_153, %swap3A_154], %mul3A_149 {strides = array<i32>} : memref<4x32x128xf32, #tpu.memory_space<vmem>>, vector<16xf32>,
        %add3A_156 = arith.constant 1 : i32
        %add3A_157 = vector.broadcast %add3A_156 : i32 to vector<16xi32>
        %add3A_158 = arith.addi %add3A_147, %add3A_157 : vector<16xi32>
        %gather3A_159 = tpu.vector_load_idx %arg10[%add3A_134, %add3A_158] : memref<512x128xf32, #tpu.memory_space<vmem>>[vector<16xi32>, vector<16xi32>], vector<16xf32>,
        %mul3A_160 = arith.mulf %gather3A_159, %get3A_130 : vector<16xf32>
        %swap3A_161 = arith.constant 1 : i32
        %swap3A_162 = arith.constant 2 : i32
        %swap3A_163 = arith.index_cast %swap3A_161 : i32 to index
        %swap3A_164 = arith.index_cast %swap3A_162 : i32 to index
        %swap3A_165 = arith.index_cast %mul3A_127 : i32 to index
        %swap3A_166 = tpu.vector_load %arg11[%swap3A_163, %swap3A_164, %swap3A_165] {strides = array<i32>} : memref<4x32x128xf32, #tpu.memory_space<vmem>>, vector<16xf32>,
        tpu.vector_store %arg11[%swap3A_163, %swap3A_164, %swap3A_165], %mul3A_160 {strides = array<i32>} : memref<4x32x128xf32, #tpu.memory_space<vmem>>, vector<16xf32>,
        %add3A_167 = arith.constant 1 : i32
        %add3A_168 = vector.broadcast %add3A_167 : i32 to vector<16xi32>
        %add3A_169 = arith.addi %add3A_158, %add3A_168 : vector<16xi32>
        %gather3A_170 = tpu.vector_load_idx %arg10[%add3A_134, %add3A_169] : memref<512x128xf32, #tpu.memory_space<vmem>>[vector<16xi32>, vector<16xi32>], vector<16xf32>,
        %mul3A_171 = arith.mulf %gather3A_170, %get3A_130 : vector<16xf32>
        %swap3A_172 = arith.constant 1 : i32
        %swap3A_173 = arith.constant 3 : i32
        %swap3A_174 = arith.index_cast %swap3A_172 : i32 to index
        %swap3A_175 = arith.index_cast %swap3A_173 : i32 to index
        %swap3A_176 = arith.index_cast %mul3A_127 : i32 to index
        %swap3A_177 = tpu.vector_load %arg11[%swap3A_174, %swap3A_175, %swap3A_176] {strides = array<i32>} : memref<4x32x128xf32, #tpu.memory_space<vmem>>, vector<16xf32>,
        tpu.vector_store %arg11[%swap3A_174, %swap3A_175, %swap3A_176], %mul3A_171 {strides = array<i32>} : memref<4x32x128xf32, #tpu.memory_space<vmem>>, vector<16xf32>,
        %add3A_178 = arith.constant 1 : i32
        %add3A_179 = vector.broadcast %add3A_178 : i32 to vector<16xi32>
        %add3A_180 = arith.addi %add3A_169, %add3A_179 : vector<16xi32>
        %gather3A_181 = tpu.vector_load_idx %arg10[%add3A_134, %add3A_180] : memref<512x128xf32, #tpu.memory_space<vmem>>[vector<16xi32>, vector<16xi32>], vector<16xf32>,
        %mul3A_182 = arith.mulf %gather3A_181, %get3A_130 : vector<16xf32>
        %swap3A_183 = arith.constant 1 : i32
        %swap3A_184 = arith.constant 4 : i32
        %swap3A_185 = arith.index_cast %swap3A_183 : i32 to index
        %swap3A_186 = arith.index_cast %swap3A_184 : i32 to index
        %swap3A_187 = arith.index_cast %mul3A_127 : i32 to index
        %swap3A_188 = tpu.vector_load %arg11[%swap3A_185, %swap3A_186, %swap3A_187] {strides = array<i32>} : memref<4x32x128xf32, #tpu.memory_space<vmem>>, vector<16xf32>,
        tpu.vector_store %arg11[%swap3A_185, %swap3A_186, %swap3A_187], %mul3A_182 {strides = array<i32>} : memref<4x32x128xf32, #tpu.memory_space<vmem>>, vector<16xf32>,
        %add3A_189 = arith.constant 1 : i32
        %add3A_190 = vector.broadcast %add3A_189 : i32 to vector<16xi32>
        %add3A_191 = arith.addi %add3A_180, %add3A_190 : vector<16xi32>
        %gather3A_192 = tpu.vector_load_idx %arg10[%add3A_134, %add3A_191] : memref<512x128xf32, #tpu.memory_space<vmem>>[vector<16xi32>, vector<16xi32>], vector<16xf32>,
        %mul3A_193 = arith.mulf %gather3A_192, %get3A_130 : vector<16xf32>
        %swap3A_194 = arith.constant 1 : i32
        %swap3A_195 = arith.constant 5 : i32
        %swap3A_196 = arith.index_cast %swap3A_194 : i32 to index
        %swap3A_197 = arith.index_cast %swap3A_195 : i32 to index
        %swap3A_198 = arith.index_cast %mul3A_127 : i32 to index
        %swap3A_199 = tpu.vector_load %arg11[%swap3A_196, %swap3A_197, %swap3A_198] {strides = array<i32>} : memref<4x32x128xf32, #tpu.memory_space<vmem>>, vector<16xf32>,
        tpu.vector_store %arg11[%swap3A_196, %swap3A_197, %swap3A_198], %mul3A_193 {strides = array<i32>} : memref<4x32x128xf32, #tpu.memory_space<vmem>>, vector<16xf32>,
        %add3A_200 = arith.constant 1 : i32
        %add3A_201 = vector.broadcast %add3A_200 : i32 to vector<16xi32>
        %add3A_202 = arith.addi %add3A_191, %add3A_201 : vector<16xi32>
        %gather3A_203 = tpu.vector_load_idx %arg10[%add3A_134, %add3A_202] : memref<512x128xf32, #tpu.memory_space<vmem>>[vector<16xi32>, vector<16xi32>], vector<16xf32>,
        %mul3A_204 = arith.mulf %gather3A_203, %get3A_130 : vector<16xf32>
        %swap3A_205 = arith.constant 1 : i32
        %swap3A_206 = arith.constant 6 : i32
        %swap3A_207 = arith.index_cast %swap3A_205 : i32 to index
        %swap3A_208 = arith.index_cast %swap3A_206 : i32 to index
        %swap3A_209 = arith.index_cast %mul3A_127 : i32 to index
        %swap3A_210 = tpu.vector_load %arg11[%swap3A_207, %swap3A_208, %swap3A_209] {strides = array<i32>} : memref<4x32x128xf32, #tpu.memory_space<vmem>>, vector<16xf32>,
        tpu.vector_store %arg11[%swap3A_207, %swap3A_208, %swap3A_209], %mul3A_204 {strides = array<i32>} : memref<4x32x128xf32, #tpu.memory_space<vmem>>, vector<16xf32>,
        %add3A_211 = arith.constant 1 : i32
        %add3A_212 = vector.broadcast %add3A_211 : i32 to vector<16xi32>
        %add3A_213 = arith.addi %add3A_202, %add3A_212 : vector<16xi32>
        %gather3A_214 = tpu.vector_load_idx %arg10[%add3A_134, %add3A_213] : memref<512x128xf32, #tpu.memory_space<vmem>>[vector<16xi32>, vector<16xi32>], vector<16xf32>,
        %mul3A_215 = arith.mulf %gather3A_214, %get3A_130 : vector<16xf32>
        %swap3A_216 = arith.constant 1 : i32
        %swap3A_217 = arith.constant 7 : i32
        %swap3A_218 = arith.index_cast %swap3A_216 : i32 to index
        %swap3A_219 = arith.index_cast %swap3A_217 : i32 to index
        %swap3A_220 = arith.index_cast %mul3A_127 : i32 to index
        %swap3A_221 = tpu.vector_load %arg11[%swap3A_218, %swap3A_219, %swap3A_220] {strides = array<i32>} : memref<4x32x128xf32, #tpu.memory_space<vmem>>, vector<16xf32>,
        tpu.vector_store %arg11[%swap3A_218, %swap3A_219, %swap3A_220], %mul3A_215 {strides = array<i32>} : memref<4x32x128xf32, #tpu.memory_space<vmem>>, vector<16xf32>,
        %add3A_222 = arith.constant 1 : i32
        %add3A_223 = vector.broadcast %add3A_222 : i32 to vector<16xi32>
        %add3A_224 = arith.addi %add3A_213, %add3A_223 : vector<16xi32>
        %gather3A_225 = tpu.vector_load_idx %arg10[%add3A_134, %add3A_224] : memref<512x128xf32, #tpu.memory_space<vmem>>[vector<16xi32>, vector<16xi32>], vector<16xf32>,
        %mul3A_226 = arith.mulf %gather3A_225, %get3A_130 : vector<16xf32>
        %swap3A_227 = arith.constant 1 : i32
        %swap3A_228 = arith.constant 8 : i32
        %swap3A_229 = arith.index_cast %swap3A_227 : i32 to index
        %swap3A_230 = arith.index_cast %swap3A_228 : i32 to index
        %swap3A_231 = arith.index_cast %mul3A_127 : i32 to index
        %swap3A_232 = tpu.vector_load %arg11[%swap3A_229, %swap3A_230, %swap3A_231] {strides = array<i32>} : memref<4x32x128xf32, #tpu.memory_space<vmem>>, vector<16xf32>,
        tpu.vector_store %arg11[%swap3A_229, %swap3A_230, %swap3A_231], %mul3A_226 {strides = array<i32>} : memref<4x32x128xf32, #tpu.memory_space<vmem>>, vector<16xf32>,
        %add3A_233 = arith.constant 1 : i32
        %add3A_234 = vector.broadcast %add3A_233 : i32 to vector<16xi32>
        %add3A_235 = arith.addi %add3A_224, %add3A_234 : vector<16xi32>
        %gather3A_236 = tpu.vector_load_idx %arg10[%add3A_134, %add3A_235] : memref<512x128xf32, #tpu.memory_space<vmem>>[vector<16xi32>, vector<16xi32>], vector<16xf32>,
        %mul3A_237 = arith.mulf %gather3A_236, %get3A_130 : vector<16xf32>
        %swap3A_238 = arith.constant 1 : i32
        %swap3A_239 = arith.constant 9 : i32
        %swap3A_240 = arith.index_cast %swap3A_238 : i32 to index
        %swap3A_241 = arith.index_cast %swap3A_239 : i32 to index
        %swap3A_242 = arith.index_cast %mul3A_127 : i32 to index
        %swap3A_243 = tpu.vector_load %arg11[%swap3A_240, %swap3A_241, %swap3A_242] {strides = array<i32>} : memref<4x32x128xf32, #tpu.memory_space<vmem>>, vector<16xf32>,
        tpu.vector_store %arg11[%swap3A_240, %swap3A_241, %swap3A_242], %mul3A_237 {strides = array<i32>} : memref<4x32x128xf32, #tpu.memory_space<vmem>>, vector<16xf32>,
        %add3A_244 = arith.constant 1 : i32
        %add3A_245 = vector.broadcast %add3A_244 : i32 to vector<16xi32>
        %add3A_246 = arith.addi %add3A_235, %add3A_245 : vector<16xi32>
        %gather3A_247 = tpu.vector_load_idx %arg10[%add3A_134, %add3A_246] : memref<512x128xf32, #tpu.memory_space<vmem>>[vector<16xi32>, vector<16xi32>], vector<16xf32>,
        %mul3A_248 = arith.mulf %gather3A_247, %get3A_130 : vector<16xf32>
        %swap3A_249 = arith.constant 1 : i32
        %swap3A_250 = arith.constant 10 : i32
        %swap3A_251 = arith.index_cast %swap3A_249 : i32 to index
        %swap3A_252 = arith.index_cast %swap3A_250 : i32 to index
        %swap3A_253 = arith.index_cast %mul3A_127 : i32 to index
        %swap3A_254 = tpu.vector_load %arg11[%swap3A_251, %swap3A_252, %swap3A_253] {strides = array<i32>} : memref<4x32x128xf32, #tpu.memory_space<vmem>>, vector<16xf32>,
        tpu.vector_store %arg11[%swap3A_251, %swap3A_252, %swap3A_253], %mul3A_248 {strides = array<i32>} : memref<4x32x128xf32, #tpu.memory_space<vmem>>, vector<16xf32>,
        %add3A_255 = arith.constant 1 : i32
        %add3A_256 = vector.broadcast %add3A_255 : i32 to vector<16xi32>
        %add3A_257 = arith.addi %add3A_246, %add3A_256 : vector<16xi32>
        %gather3A_258 = tpu.vector_load_idx %arg10[%add3A_134, %add3A_257] : memref<512x128xf32, #tpu.memory_space<vmem>>[vector<16xi32>, vector<16xi32>], vector<16xf32>,
        %mul3A_259 = arith.mulf %gather3A_258, %get3A_130 : vector<16xf32>
        %swap3A_260 = arith.constant 1 : i32
        %swap3A_261 = arith.constant 11 : i32
        %swap3A_262 = arith.index_cast %swap3A_260 : i32 to index
        %swap3A_263 = arith.index_cast %swap3A_261 : i32 to index
        %swap3A_264 = arith.index_cast %mul3A_127 : i32 to index
        %swap3A_265 = tpu.vector_load %arg11[%swap3A_262, %swap3A_263, %swap3A_264] {strides = array<i32>} : memref<4x32x128xf32, #tpu.memory_space<vmem>>, vector<16xf32>,
        tpu.vector_store %arg11[%swap3A_262, %swap3A_263, %swap3A_264], %mul3A_259 {strides = array<i32>} : memref<4x32x128xf32, #tpu.memory_space<vmem>>, vector<16xf32>,
        %add3A_266 = arith.constant 1 : i32
        %add3A_267 = vector.broadcast %add3A_266 : i32 to vector<16xi32>
        %add3A_268 = arith.addi %add3A_257, %add3A_267 : vector<16xi32>
        %gather3A_269 = tpu.vector_load_idx %arg10[%add3A_134, %add3A_268] : memref<512x128xf32, #tpu.memory_space<vmem>>[vector<16xi32>, vector<16xi32>], vector<16xf32>,
        %mul3A_270 = arith.mulf %gather3A_269, %get3A_130 : vector<16xf32>
        %swap3A_271 = arith.constant 1 : i32
        %swap3A_272 = arith.constant 12 : i32
        %swap3A_273 = arith.index_cast %swap3A_271 : i32 to index
        %swap3A_274 = arith.index_cast %swap3A_272 : i32 to index
        %swap3A_275 = arith.index_cast %mul3A_127 : i32 to index
        %swap3A_276 = tpu.vector_load %arg11[%swap3A_273, %swap3A_274, %swap3A_275] {strides = array<i32>} : memref<4x32x128xf32, #tpu.memory_space<vmem>>, vector<16xf32>,
        tpu.vector_store %arg11[%swap3A_273, %swap3A_274, %swap3A_275], %mul3A_270 {strides = array<i32>} : memref<4x32x128xf32, #tpu.memory_space<vmem>>, vector<16xf32>,
        %add3A_277 = arith.constant 1 : i32
        %add3A_278 = vector.broadcast %add3A_277 : i32 to vector<16xi32>
        %add3A_279 = arith.addi %add3A_268, %add3A_278 : vector<16xi32>
        %gather3A_280 = tpu.vector_load_idx %arg10[%add3A_134, %add3A_279] : memref<512x128xf32, #tpu.memory_space<vmem>>[vector<16xi32>, vector<16xi32>], vector<16xf32>,
        %mul3A_281 = arith.mulf %gather3A_280, %get3A_130 : vector<16xf32>
        %swap3A_282 = arith.constant 1 : i32
        %swap3A_283 = arith.constant 13 : i32
        %swap3A_284 = arith.index_cast %swap3A_282 : i32 to index
        %swap3A_285 = arith.index_cast %swap3A_283 : i32 to index
        %swap3A_286 = arith.index_cast %mul3A_127 : i32 to index
        %swap3A_287 = tpu.vector_load %arg11[%swap3A_284, %swap3A_285, %swap3A_286] {strides = array<i32>} : memref<4x32x128xf32, #tpu.memory_space<vmem>>, vector<16xf32>,
        tpu.vector_store %arg11[%swap3A_284, %swap3A_285, %swap3A_286], %mul3A_281 {strides = array<i32>} : memref<4x32x128xf32, #tpu.memory_space<vmem>>, vector<16xf32>,
        %add3A_288 = arith.constant 1 : i32
        %add3A_289 = vector.broadcast %add3A_288 : i32 to vector<16xi32>
        %add3A_290 = arith.addi %add3A_279, %add3A_289 : vector<16xi32>
        %gather3A_291 = tpu.vector_load_idx %arg10[%add3A_134, %add3A_290] : memref<512x128xf32, #tpu.memory_space<vmem>>[vector<16xi32>, vector<16xi32>], vector<16xf32>,
        %mul3A_292 = arith.mulf %gather3A_291, %get3A_130 : vector<16xf32>
        %swap3A_293 = arith.constant 1 : i32
        %swap3A_294 = arith.constant 14 : i32
        %swap3A_295 = arith.index_cast %swap3A_293 : i32 to index
        %swap3A_296 = arith.index_cast %swap3A_294 : i32 to index
        %swap3A_297 = arith.index_cast %mul3A_127 : i32 to index
        %swap3A_298 = tpu.vector_load %arg11[%swap3A_295, %swap3A_296, %swap3A_297] {strides = array<i32>} : memref<4x32x128xf32, #tpu.memory_space<vmem>>, vector<16xf32>,
        tpu.vector_store %arg11[%swap3A_295, %swap3A_296, %swap3A_297], %mul3A_292 {strides = array<i32>} : memref<4x32x128xf32, #tpu.memory_space<vmem>>, vector<16xf32>,
        %add3A_299 = arith.constant 1 : i32
        %add3A_300 = vector.broadcast %add3A_299 : i32 to vector<16xi32>
        %add3A_301 = arith.addi %add3A_290, %add3A_300 : vector<16xi32>
        %gather3A_302 = tpu.vector_load_idx %arg10[%add3A_134, %add3A_301] : memref<512x128xf32, #tpu.memory_space<vmem>>[vector<16xi32>, vector<16xi32>], vector<16xf32>,
        %mul3A_303 = arith.mulf %gather3A_302, %get3A_130 : vector<16xf32>
        %swap3A_304 = arith.constant 1 : i32
        %swap3A_305 = arith.constant 15 : i32
        %swap3A_306 = arith.index_cast %swap3A_304 : i32 to index
        %swap3A_307 = arith.index_cast %swap3A_305 : i32 to index
        %swap3A_308 = arith.index_cast %mul3A_127 : i32 to index
        %swap3A_309 = tpu.vector_load %arg11[%swap3A_306, %swap3A_307, %swap3A_308] {strides = array<i32>} : memref<4x32x128xf32, #tpu.memory_space<vmem>>, vector<16xf32>,
        tpu.vector_store %arg11[%swap3A_306, %swap3A_307, %swap3A_308], %mul3A_303 {strides = array<i32>} : memref<4x32x128xf32, #tpu.memory_space<vmem>>, vector<16xf32>,
        %add3A_310 = arith.constant 1 : i32
        %add3A_311 = vector.broadcast %add3A_310 : i32 to vector<16xi32>
        %add3A_312 = arith.addi %add3A_301, %add3A_311 : vector<16xi32>
        %gather3A_313 = tpu.vector_load_idx %arg10[%add3A_134, %add3A_312] : memref<512x128xf32, #tpu.memory_space<vmem>>[vector<16xi32>, vector<16xi32>], vector<16xf32>,
        %mul3A_314 = arith.mulf %gather3A_313, %get3A_130 : vector<16xf32>
        %swap3A_315 = arith.constant 1 : i32
        %swap3A_316 = arith.constant 16 : i32
        %swap3A_317 = arith.index_cast %swap3A_315 : i32 to index
        %swap3A_318 = arith.index_cast %swap3A_316 : i32 to index
        %swap3A_319 = arith.index_cast %mul3A_127 : i32 to index
        %swap3A_320 = tpu.vector_load %arg11[%swap3A_317, %swap3A_318, %swap3A_319] {strides = array<i32>} : memref<4x32x128xf32, #tpu.memory_space<vmem>>, vector<16xf32>,
        tpu.vector_store %arg11[%swap3A_317, %swap3A_318, %swap3A_319], %mul3A_314 {strides = array<i32>} : memref<4x32x128xf32, #tpu.memory_space<vmem>>, vector<16xf32>,
        %add3A_321 = arith.constant 1 : i32
        %add3A_322 = vector.broadcast %add3A_321 : i32 to vector<16xi32>
        %add3A_323 = arith.addi %add3A_312, %add3A_322 : vector<16xi32>
        %gather3A_324 = tpu.vector_load_idx %arg10[%add3A_134, %add3A_323] : memref<512x128xf32, #tpu.memory_space<vmem>>[vector<16xi32>, vector<16xi32>], vector<16xf32>,
        %mul3A_325 = arith.mulf %gather3A_324, %get3A_130 : vector<16xf32>
        %swap3A_326 = arith.constant 1 : i32
        %swap3A_327 = arith.constant 17 : i32
        %swap3A_328 = arith.index_cast %swap3A_326 : i32 to index
        %swap3A_329 = arith.index_cast %swap3A_327 : i32 to index
        %swap3A_330 = arith.index_cast %mul3A_127 : i32 to index
        %swap3A_331 = tpu.vector_load %arg11[%swap3A_328, %swap3A_329, %swap3A_330] {strides = array<i32>} : memref<4x32x128xf32, #tpu.memory_space<vmem>>, vector<16xf32>,
        tpu.vector_store %arg11[%swap3A_328, %swap3A_329, %swap3A_330], %mul3A_325 {strides = array<i32>} : memref<4x32x128xf32, #tpu.memory_space<vmem>>, vector<16xf32>,
        %add3A_332 = arith.constant 1 : i32
        %add3A_333 = vector.broadcast %add3A_332 : i32 to vector<16xi32>
        %add3A_334 = arith.addi %add3A_323, %add3A_333 : vector<16xi32>
        %gather3A_335 = tpu.vector_load_idx %arg10[%add3A_134, %add3A_334] : memref<512x128xf32, #tpu.memory_space<vmem>>[vector<16xi32>, vector<16xi32>], vector<16xf32>,
        %mul3A_336 = arith.mulf %gather3A_335, %get3A_130 : vector<16xf32>
        %swap3A_337 = arith.constant 1 : i32
        %swap3A_338 = arith.constant 18 : i32
        %swap3A_339 = arith.index_cast %swap3A_337 : i32 to index
        %swap3A_340 = arith.index_cast %swap3A_338 : i32 to index
        %swap3A_341 = arith.index_cast %mul3A_127 : i32 to index
        %swap3A_342 = tpu.vector_load %arg11[%swap3A_339, %swap3A_340, %swap3A_341] {strides = array<i32>} : memref<4x32x128xf32, #tpu.memory_space<vmem>>, vector<16xf32>,
        tpu.vector_store %arg11[%swap3A_339, %swap3A_340, %swap3A_341], %mul3A_336 {strides = array<i32>} : memref<4x32x128xf32, #tpu.memory_space<vmem>>, vector<16xf32>,
        %add3A_343 = arith.constant 1 : i32
        %add3A_344 = vector.broadcast %add3A_343 : i32 to vector<16xi32>
        %add3A_345 = arith.addi %add3A_334, %add3A_344 : vector<16xi32>
        %gather3A_346 = tpu.vector_load_idx %arg10[%add3A_134, %add3A_345] : memref<512x128xf32, #tpu.memory_space<vmem>>[vector<16xi32>, vector<16xi32>], vector<16xf32>,
        %mul3A_347 = arith.mulf %gather3A_346, %get3A_130 : vector<16xf32>
        %swap3A_348 = arith.constant 1 : i32
        %swap3A_349 = arith.constant 19 : i32
        %swap3A_350 = arith.index_cast %swap3A_348 : i32 to index
        %swap3A_351 = arith.index_cast %swap3A_349 : i32 to index
        %swap3A_352 = arith.index_cast %mul3A_127 : i32 to index
        %swap3A_353 = tpu.vector_load %arg11[%swap3A_350, %swap3A_351, %swap3A_352] {strides = array<i32>} : memref<4x32x128xf32, #tpu.memory_space<vmem>>, vector<16xf32>,
        tpu.vector_store %arg11[%swap3A_350, %swap3A_351, %swap3A_352], %mul3A_347 {strides = array<i32>} : memref<4x32x128xf32, #tpu.memory_space<vmem>>, vector<16xf32>,
        %add3A_354 = arith.constant 1 : i32
        %add3A_355 = vector.broadcast %add3A_354 : i32 to vector<16xi32>
        %add3A_356 = arith.addi %add3A_345, %add3A_355 : vector<16xi32>
        %gather3A_357 = tpu.vector_load_idx %arg10[%add3A_134, %add3A_356] : memref<512x128xf32, #tpu.memory_space<vmem>>[vector<16xi32>, vector<16xi32>], vector<16xf32>,
        %mul3A_358 = arith.mulf %gather3A_357, %get3A_130 : vector<16xf32>
        %swap3A_359 = arith.constant 1 : i32
        %swap3A_360 = arith.constant 20 : i32
        %swap3A_361 = arith.index_cast %swap3A_359 : i32 to index
        %swap3A_362 = arith.index_cast %swap3A_360 : i32 to index
        %swap3A_363 = arith.index_cast %mul3A_127 : i32 to index
        %swap3A_364 = tpu.vector_load %arg11[%swap3A_361, %swap3A_362, %swap3A_363] {strides = array<i32>} : memref<4x32x128xf32, #tpu.memory_space<vmem>>, vector<16xf32>,
        tpu.vector_store %arg11[%swap3A_361, %swap3A_362, %swap3A_363], %mul3A_358 {strides = array<i32>} : memref<4x32x128xf32, #tpu.memory_space<vmem>>, vector<16xf32>,
        %add3A_365 = arith.constant 1 : i32
        %add3A_366 = vector.broadcast %add3A_365 : i32 to vector<16xi32>
        %add3A_367 = arith.addi %add3A_356, %add3A_366 : vector<16xi32>
        %gather3A_368 = tpu.vector_load_idx %arg10[%add3A_134, %add3A_367] : memref<512x128xf32, #tpu.memory_space<vmem>>[vector<16xi32>, vector<16xi32>], vector<16xf32>,
        %mul3A_369 = arith.mulf %gather3A_368, %get3A_130 : vector<16xf32>
        %swap3A_370 = arith.constant 1 : i32
        %swap3A_371 = arith.constant 21 : i32
        %swap3A_372 = arith.index_cast %swap3A_370 : i32 to index
        %swap3A_373 = arith.index_cast %swap3A_371 : i32 to index
        %swap3A_374 = arith.index_cast %mul3A_127 : i32 to index
        %swap3A_375 = tpu.vector_load %arg11[%swap3A_372, %swap3A_373, %swap3A_374] {strides = array<i32>} : memref<4x32x128xf32, #tpu.memory_space<vmem>>, vector<16xf32>,
        tpu.vector_store %arg11[%swap3A_372, %swap3A_373, %swap3A_374], %mul3A_369 {strides = array<i32>} : memref<4x32x128xf32, #tpu.memory_space<vmem>>, vector<16xf32>,
        %add3A_376 = arith.constant 1 : i32
        %add3A_377 = vector.broadcast %add3A_376 : i32 to vector<16xi32>
        %add3A_378 = arith.addi %add3A_367, %add3A_377 : vector<16xi32>
        %gather3A_379 = tpu.vector_load_idx %arg10[%add3A_134, %add3A_378] : memref<512x128xf32, #tpu.memory_space<vmem>>[vector<16xi32>, vector<16xi32>], vector<16xf32>,
        %mul3A_380 = arith.mulf %gather3A_379, %get3A_130 : vector<16xf32>
        %swap3A_381 = arith.constant 1 : i32
        %swap3A_382 = arith.constant 22 : i32
        %swap3A_383 = arith.index_cast %swap3A_381 : i32 to index
        %swap3A_384 = arith.index_cast %swap3A_382 : i32 to index
        %swap3A_385 = arith.index_cast %mul3A_127 : i32 to index
        %swap3A_386 = tpu.vector_load %arg11[%swap3A_383, %swap3A_384, %swap3A_385] {strides = array<i32>} : memref<4x32x128xf32, #tpu.memory_space<vmem>>, vector<16xf32>,
        tpu.vector_store %arg11[%swap3A_383, %swap3A_384, %swap3A_385], %mul3A_380 {strides = array<i32>} : memref<4x32x128xf32, #tpu.memory_space<vmem>>, vector<16xf32>,
        %add3A_387 = arith.constant 1 : i32
        %add3A_388 = vector.broadcast %add3A_387 : i32 to vector<16xi32>
        %add3A_389 = arith.addi %add3A_378, %add3A_388 : vector<16xi32>
        %gather3A_390 = tpu.vector_load_idx %arg10[%add3A_134, %add3A_389] : memref<512x128xf32, #tpu.memory_space<vmem>>[vector<16xi32>, vector<16xi32>], vector<16xf32>,
        %mul3A_391 = arith.mulf %gather3A_390, %get3A_130 : vector<16xf32>
        %swap3A_392 = arith.constant 1 : i32
        %swap3A_393 = arith.constant 23 : i32
        %swap3A_394 = arith.index_cast %swap3A_392 : i32 to index
        %swap3A_395 = arith.index_cast %swap3A_393 : i32 to index
        %swap3A_396 = arith.index_cast %mul3A_127 : i32 to index
        %swap3A_397 = tpu.vector_load %arg11[%swap3A_394, %swap3A_395, %swap3A_396] {strides = array<i32>} : memref<4x32x128xf32, #tpu.memory_space<vmem>>, vector<16xf32>,
        tpu.vector_store %arg11[%swap3A_394, %swap3A_395, %swap3A_396], %mul3A_391 {strides = array<i32>} : memref<4x32x128xf32, #tpu.memory_space<vmem>>, vector<16xf32>,
        %add3A_398 = arith.constant 1 : i32
        %add3A_399 = vector.broadcast %add3A_398 : i32 to vector<16xi32>
        %add3A_400 = arith.addi %add3A_389, %add3A_399 : vector<16xi32>
        %gather3A_401 = tpu.vector_load_idx %arg10[%add3A_134, %add3A_400] : memref<512x128xf32, #tpu.memory_space<vmem>>[vector<16xi32>, vector<16xi32>], vector<16xf32>,
        %mul3A_402 = arith.mulf %gather3A_401, %get3A_130 : vector<16xf32>
        %swap3A_403 = arith.constant 1 : i32
        %swap3A_404 = arith.constant 24 : i32
        %swap3A_405 = arith.index_cast %swap3A_403 : i32 to index
        %swap3A_406 = arith.index_cast %swap3A_404 : i32 to index
        %swap3A_407 = arith.index_cast %mul3A_127 : i32 to index
        %swap3A_408 = tpu.vector_load %arg11[%swap3A_405, %swap3A_406, %swap3A_407] {strides = array<i32>} : memref<4x32x128xf32, #tpu.memory_space<vmem>>, vector<16xf32>,
        tpu.vector_store %arg11[%swap3A_405, %swap3A_406, %swap3A_407], %mul3A_402 {strides = array<i32>} : memref<4x32x128xf32, #tpu.memory_space<vmem>>, vector<16xf32>,
        %add3A_409 = arith.constant 1 : i32
        %add3A_410 = vector.broadcast %add3A_409 : i32 to vector<16xi32>
        %add3A_411 = arith.addi %add3A_400, %add3A_410 : vector<16xi32>
        %gather3A_412 = tpu.vector_load_idx %arg10[%add3A_134, %add3A_411] : memref<512x128xf32, #tpu.memory_space<vmem>>[vector<16xi32>, vector<16xi32>], vector<16xf32>,
        %mul3A_413 = arith.mulf %gather3A_412, %get3A_130 : vector<16xf32>
        %swap3A_414 = arith.constant 1 : i32
        %swap3A_415 = arith.constant 25 : i32
        %swap3A_416 = arith.index_cast %swap3A_414 : i32 to index
        %swap3A_417 = arith.index_cast %swap3A_415 : i32 to index
        %swap3A_418 = arith.index_cast %mul3A_127 : i32 to index
        %swap3A_419 = tpu.vector_load %arg11[%swap3A_416, %swap3A_417, %swap3A_418] {strides = array<i32>} : memref<4x32x128xf32, #tpu.memory_space<vmem>>, vector<16xf32>,
        tpu.vector_store %arg11[%swap3A_416, %swap3A_417, %swap3A_418], %mul3A_413 {strides = array<i32>} : memref<4x32x128xf32, #tpu.memory_space<vmem>>, vector<16xf32>,
        %add3A_420 = arith.constant 1 : i32
        %add3A_421 = vector.broadcast %add3A_420 : i32 to vector<16xi32>
        %add3A_422 = arith.addi %add3A_411, %add3A_421 : vector<16xi32>
        %gather3A_423 = tpu.vector_load_idx %arg10[%add3A_134, %add3A_422] : memref<512x128xf32, #tpu.memory_space<vmem>>[vector<16xi32>, vector<16xi32>], vector<16xf32>,
        %mul3A_424 = arith.mulf %gather3A_423, %get3A_130 : vector<16xf32>
        %swap3A_425 = arith.constant 1 : i32
        %swap3A_426 = arith.constant 26 : i32
        %swap3A_427 = arith.index_cast %swap3A_425 : i32 to index
        %swap3A_428 = arith.index_cast %swap3A_426 : i32 to index
        %swap3A_429 = arith.index_cast %mul3A_127 : i32 to index
        %swap3A_430 = tpu.vector_load %arg11[%swap3A_427, %swap3A_428, %swap3A_429] {strides = array<i32>} : memref<4x32x128xf32, #tpu.memory_space<vmem>>, vector<16xf32>,
        tpu.vector_store %arg11[%swap3A_427, %swap3A_428, %swap3A_429], %mul3A_424 {strides = array<i32>} : memref<4x32x128xf32, #tpu.memory_space<vmem>>, vector<16xf32>,
        %add3A_431 = arith.constant 1 : i32
        %add3A_432 = vector.broadcast %add3A_431 : i32 to vector<16xi32>
        %add3A_433 = arith.addi %add3A_422, %add3A_432 : vector<16xi32>
        %gather3A_434 = tpu.vector_load_idx %arg10[%add3A_134, %add3A_433] : memref<512x128xf32, #tpu.memory_space<vmem>>[vector<16xi32>, vector<16xi32>], vector<16xf32>,
        %mul3A_435 = arith.mulf %gather3A_434, %get3A_130 : vector<16xf32>
        %swap3A_436 = arith.constant 1 : i32
        %swap3A_437 = arith.constant 27 : i32
        %swap3A_438 = arith.index_cast %swap3A_436 : i32 to index
        %swap3A_439 = arith.index_cast %swap3A_437 : i32 to index
        %swap3A_440 = arith.index_cast %mul3A_127 : i32 to index
        %swap3A_441 = tpu.vector_load %arg11[%swap3A_438, %swap3A_439, %swap3A_440] {strides = array<i32>} : memref<4x32x128xf32, #tpu.memory_space<vmem>>, vector<16xf32>,
        tpu.vector_store %arg11[%swap3A_438, %swap3A_439, %swap3A_440], %mul3A_435 {strides = array<i32>} : memref<4x32x128xf32, #tpu.memory_space<vmem>>, vector<16xf32>,
        %add3A_442 = arith.constant 1 : i32
        %add3A_443 = vector.broadcast %add3A_442 : i32 to vector<16xi32>
        %add3A_444 = arith.addi %add3A_433, %add3A_443 : vector<16xi32>
        %gather3A_445 = tpu.vector_load_idx %arg10[%add3A_134, %add3A_444] : memref<512x128xf32, #tpu.memory_space<vmem>>[vector<16xi32>, vector<16xi32>], vector<16xf32>,
        %mul3A_446 = arith.mulf %gather3A_445, %get3A_130 : vector<16xf32>
        %swap3A_447 = arith.constant 1 : i32
        %swap3A_448 = arith.constant 28 : i32
        %swap3A_449 = arith.index_cast %swap3A_447 : i32 to index
        %swap3A_450 = arith.index_cast %swap3A_448 : i32 to index
        %swap3A_451 = arith.index_cast %mul3A_127 : i32 to index
        %swap3A_452 = tpu.vector_load %arg11[%swap3A_449, %swap3A_450, %swap3A_451] {strides = array<i32>} : memref<4x32x128xf32, #tpu.memory_space<vmem>>, vector<16xf32>,
        tpu.vector_store %arg11[%swap3A_449, %swap3A_450, %swap3A_451], %mul3A_446 {strides = array<i32>} : memref<4x32x128xf32, #tpu.memory_space<vmem>>, vector<16xf32>,
        %add3A_453 = arith.constant 1 : i32
        %add3A_454 = vector.broadcast %add3A_453 : i32 to vector<16xi32>
        %add3A_455 = arith.addi %add3A_444, %add3A_454 : vector<16xi32>
        %gather3A_456 = tpu.vector_load_idx %arg10[%add3A_134, %add3A_455] : memref<512x128xf32, #tpu.memory_space<vmem>>[vector<16xi32>, vector<16xi32>], vector<16xf32>,
        %mul3A_457 = arith.mulf %gather3A_456, %get3A_130 : vector<16xf32>
        %swap3A_458 = arith.constant 1 : i32
        %swap3A_459 = arith.constant 29 : i32
        %swap3A_460 = arith.index_cast %swap3A_458 : i32 to index
        %swap3A_461 = arith.index_cast %swap3A_459 : i32 to index
        %swap3A_462 = arith.index_cast %mul3A_127 : i32 to index
        %swap3A_463 = tpu.vector_load %arg11[%swap3A_460, %swap3A_461, %swap3A_462] {strides = array<i32>} : memref<4x32x128xf32, #tpu.memory_space<vmem>>, vector<16xf32>,
        tpu.vector_store %arg11[%swap3A_460, %swap3A_461, %swap3A_462], %mul3A_457 {strides = array<i32>} : memref<4x32x128xf32, #tpu.memory_space<vmem>>, vector<16xf32>,
        %add3A_464 = arith.constant 1 : i32
        %add3A_465 = vector.broadcast %add3A_464 : i32 to vector<16xi32>
        %add3A_466 = arith.addi %add3A_455, %add3A_465 : vector<16xi32>
        %gather3A_467 = tpu.vector_load_idx %arg10[%add3A_134, %add3A_466] : memref<512x128xf32, #tpu.memory_space<vmem>>[vector<16xi32>, vector<16xi32>], vector<16xf32>,
        %mul3A_468 = arith.mulf %gather3A_467, %get3A_130 : vector<16xf32>
        %swap3A_469 = arith.constant 1 : i32
        %swap3A_470 = arith.constant 30 : i32
        %swap3A_471 = arith.index_cast %swap3A_469 : i32 to index
        %swap3A_472 = arith.index_cast %swap3A_470 : i32 to index
        %swap3A_473 = arith.index_cast %mul3A_127 : i32 to index
        %swap3A_474 = tpu.vector_load %arg11[%swap3A_471, %swap3A_472, %swap3A_473] {strides = array<i32>} : memref<4x32x128xf32, #tpu.memory_space<vmem>>, vector<16xf32>,
        tpu.vector_store %arg11[%swap3A_471, %swap3A_472, %swap3A_473], %mul3A_468 {strides = array<i32>} : memref<4x32x128xf32, #tpu.memory_space<vmem>>, vector<16xf32>,
        %add3A_475 = arith.constant 1 : i32
        %add3A_476 = vector.broadcast %add3A_475 : i32 to vector<16xi32>
        %add3A_477 = arith.addi %add3A_466, %add3A_476 : vector<16xi32>
        %gather3A_478 = tpu.vector_load_idx %arg10[%add3A_134, %add3A_477] : memref<512x128xf32, #tpu.memory_space<vmem>>[vector<16xi32>, vector<16xi32>], vector<16xf32>,
        %mul3A_479 = arith.mulf %gather3A_478, %get3A_130 : vector<16xf32>
        %swap3A_480 = arith.constant 1 : i32
        %swap3A_481 = arith.constant 31 : i32
        %swap3A_482 = arith.index_cast %swap3A_480 : i32 to index
        %swap3A_483 = arith.index_cast %swap3A_481 : i32 to index
        %swap3A_484 = arith.index_cast %mul3A_127 : i32 to index
        %swap3A_485 = tpu.vector_load %arg11[%swap3A_482, %swap3A_483, %swap3A_484] {strides = array<i32>} : memref<4x32x128xf32, #tpu.memory_space<vmem>>, vector<16xf32>,
        tpu.vector_store %arg11[%swap3A_482, %swap3A_483, %swap3A_484], %mul3A_479 {strides = array<i32>} : memref<4x32x128xf32, #tpu.memory_space<vmem>>, vector<16xf32>,
      }
      %scan3A_88 = arith.constant 8 : i32
      %dma_wait3A_89 = arith.constant 2 : i32
      %dma_wait3A_90 = arith.constant 256 : i32
      %dma_wait3A_91 = arith.constant 0 : i32
      %dma_wait3A_92 = tpu.memref_slice %arg10[%dma_wait3A_90, %dma_wait3A_91] : memref<512x128xf32, #tpu.memory_space<vmem>> -> memref<128x128xf32, #tpu.memory_space<vmem>>
      %dma_wait3A_93 = arith.constant 0 : i32
      %dma_wait3A_94 = tpu.memref_slice %arg7[%dma_wait3A_89, %dma_wait3A_93] : memref<4x128xi32, #tpu.memory_space<vmem>> -> memref<1x128xi32, #tpu.memory_space<vmem>>
      %dma_wait3A_95 = tpu.memref_squeeze %dma_wait3A_94 : memref<1x128xi32, #tpu.memory_space<vmem>> -> memref<128xi32, #tpu.memory_space<vmem>>
      %dma_wait3A_96 = arith.constant 0 : i32
      %dma_wait3A_97 = arith.constant 0 : i32
      %dma_wait3A_98 = tpu.memref_slice %arg5[%dma_wait3A_96, %dma_wait3A_97] : memref<250000x128xf32, #tpu.memory_space<hbm>> -> memref<250000x128xf32, #tpu.memory_space<hbm>>
      tpu.wait_indirect_dma semaphore(%arg14 : memref<!tpu.dma_semaphore, #tpu.memory_space<semaphore_mem>>) src(%dma_wait3A_98 : memref<250000x128xf32, #tpu.memory_space<hbm>>) dst(%dma_wait3A_92 : memref<128x128xf32, #tpu.memory_space<vmem>>)
      %scan3A_99 = arith.constant 0 : i32
      %scan3A_100 = arith.constant 0 : i32
      %scan3A_101 = arith.constant 8 : i32
      %scan3A_102 = arith.addi %scan3A_100, %scan3A_101 : i32
      %scan3A_103 = arith.constant 1 : i32
      scf.for %scan3A_125 = %scan3A_100 to %scan3A_102 step %scan3A_103  : i32 {
        %mul3A_126 = arith.constant 16 : i32
        %mul3A_127 = arith.muli %scan3A_125, %mul3A_126 : i32
        %get3A = arith.constant 2 : i32
        %get3A_128 = arith.index_cast %get3A : i32 to index
        %get3A_129 = arith.index_cast %mul3A_127 : i32 to index
        %get3A_130 = tpu.vector_load %arg9[%get3A_128, %get3A_129] {strides = array<i32>} : memref<4x128xf32, #tpu.memory_space<vmem>>, vector<16xf32>,
        %add3A_131 = arith.constant 256 : i32
        %add3A_132 = arith.addi %add3A_131, %mul3A_127 : i32
        %add3A_133 = vector.broadcast %add3A_132 : i32 to vector<16xi32>
        %add3A_134 = arith.addi %iota3A, %add3A_133 : vector<16xi32>
        %get3A_135 = arith.constant 2 : i32
        %get3A_136 = arith.index_cast %get3A_135 : i32 to index
        %get3A_137 = arith.index_cast %mul3A_127 : i32 to index
        %get3A_138 = tpu.vector_load %arg8[%get3A_136, %get3A_137] {strides = array<i32>} : memref<4x128xi32, #tpu.memory_space<vmem>>, vector<16xi32>,
        %gather3A = tpu.vector_load_idx %arg10[%add3A_134, %get3A_138] : memref<512x128xf32, #tpu.memory_space<vmem>>[vector<16xi32>, vector<16xi32>], vector<16xf32>,
        %mul3A_139 = arith.mulf %gather3A, %get3A_130 : vector<16xf32>
        %swap3A = arith.constant 2 : i32
        %swap3A_140 = arith.constant 0 : i32
        %swap3A_141 = arith.index_cast %swap3A : i32 to index
        %swap3A_142 = arith.index_cast %swap3A_140 : i32 to index
        %swap3A_143 = arith.index_cast %mul3A_127 : i32 to index
        %swap3A_144 = tpu.vector_load %arg11[%swap3A_141, %swap3A_142, %swap3A_143] {strides = array<i32>} : memref<4x32x128xf32, #tpu.memory_space<vmem>>, vector<16xf32>,
        tpu.vector_store %arg11[%swap3A_141, %swap3A_142, %swap3A_143], %mul3A_139 {strides = array<i32>} : memref<4x32x128xf32, #tpu.memory_space<vmem>>, vector<16xf32>,
        %add3A_145 = arith.constant 1 : i32
        %add3A_146 = vector.broadcast %add3A_145 : i32 to vector<16xi32>
        %add3A_147 = arith.addi %get3A_138, %add3A_146 : vector<16xi32>
        %gather3A_148 = tpu.vector_load_idx %arg10[%add3A_134, %add3A_147] : memref<512x128xf32, #tpu.memory_space<vmem>>[vector<16xi32>, vector<16xi32>], vector<16xf32>,
        %mul3A_149 = arith.mulf %gather3A_148, %get3A_130 : vector<16xf32>
        %swap3A_150 = arith.constant 2 : i32
        %swap3A_151 = arith.constant 1 : i32
        %swap3A_152 = arith.index_cast %swap3A_150 : i32 to index
        %swap3A_153 = arith.index_cast %swap3A_151 : i32 to index
        %swap3A_154 = arith.index_cast %mul3A_127 : i32 to index
        %swap3A_155 = tpu.vector_load %arg11[%swap3A_152, %swap3A_153, %swap3A_154] {strides = array<i32>} : memref<4x32x128xf32, #tpu.memory_space<vmem>>, vector<16xf32>,
        tpu.vector_store %arg11[%swap3A_152, %swap3A_153, %swap3A_154], %mul3A_149 {strides = array<i32>} : memref<4x32x128xf32, #tpu.memory_space<vmem>>, vector<16xf32>,
        %add3A_156 = arith.constant 1 : i32
        %add3A_157 = vector.broadcast %add3A_156 : i32 to vector<16xi32>
        %add3A_158 = arith.addi %add3A_147, %add3A_157 : vector<16xi32>
        %gather3A_159 = tpu.vector_load_idx %arg10[%add3A_134, %add3A_158] : memref<512x128xf32, #tpu.memory_space<vmem>>[vector<16xi32>, vector<16xi32>], vector<16xf32>,
        %mul3A_160 = arith.mulf %gather3A_159, %get3A_130 : vector<16xf32>
        %swap3A_161 = arith.constant 2 : i32
        %swap3A_162 = arith.constant 2 : i32
        %swap3A_163 = arith.index_cast %swap3A_161 : i32 to index
        %swap3A_164 = arith.index_cast %swap3A_162 : i32 to index
        %swap3A_165 = arith.index_cast %mul3A_127 : i32 to index
        %swap3A_166 = tpu.vector_load %arg11[%swap3A_163, %swap3A_164, %swap3A_165] {strides = array<i32>} : memref<4x32x128xf32, #tpu.memory_space<vmem>>, vector<16xf32>,
        tpu.vector_store %arg11[%swap3A_163, %swap3A_164, %swap3A_165], %mul3A_160 {strides = array<i32>} : memref<4x32x128xf32, #tpu.memory_space<vmem>>, vector<16xf32>,
        %add3A_167 = arith.constant 1 : i32
        %add3A_168 = vector.broadcast %add3A_167 : i32 to vector<16xi32>
        %add3A_169 = arith.addi %add3A_158, %add3A_168 : vector<16xi32>
        %gather3A_170 = tpu.vector_load_idx %arg10[%add3A_134, %add3A_169] : memref<512x128xf32, #tpu.memory_space<vmem>>[vector<16xi32>, vector<16xi32>], vector<16xf32>,
        %mul3A_171 = arith.mulf %gather3A_170, %get3A_130 : vector<16xf32>
        %swap3A_172 = arith.constant 2 : i32
        %swap3A_173 = arith.constant 3 : i32
        %swap3A_174 = arith.index_cast %swap3A_172 : i32 to index
        %swap3A_175 = arith.index_cast %swap3A_173 : i32 to index
        %swap3A_176 = arith.index_cast %mul3A_127 : i32 to index
        %swap3A_177 = tpu.vector_load %arg11[%swap3A_174, %swap3A_175, %swap3A_176] {strides = array<i32>} : memref<4x32x128xf32, #tpu.memory_space<vmem>>, vector<16xf32>,
        tpu.vector_store %arg11[%swap3A_174, %swap3A_175, %swap3A_176], %mul3A_171 {strides = array<i32>} : memref<4x32x128xf32, #tpu.memory_space<vmem>>, vector<16xf32>,
        %add3A_178 = arith.constant 1 : i32
        %add3A_179 = vector.broadcast %add3A_178 : i32 to vector<16xi32>
        %add3A_180 = arith.addi %add3A_169, %add3A_179 : vector<16xi32>
        %gather3A_181 = tpu.vector_load_idx %arg10[%add3A_134, %add3A_180] : memref<512x128xf32, #tpu.memory_space<vmem>>[vector<16xi32>, vector<16xi32>], vector<16xf32>,
        %mul3A_182 = arith.mulf %gather3A_181, %get3A_130 : vector<16xf32>
        %swap3A_183 = arith.constant 2 : i32
        %swap3A_184 = arith.constant 4 : i32
        %swap3A_185 = arith.index_cast %swap3A_183 : i32 to index
        %swap3A_186 = arith.index_cast %swap3A_184 : i32 to index
        %swap3A_187 = arith.index_cast %mul3A_127 : i32 to index
        %swap3A_188 = tpu.vector_load %arg11[%swap3A_185, %swap3A_186, %swap3A_187] {strides = array<i32>} : memref<4x32x128xf32, #tpu.memory_space<vmem>>, vector<16xf32>,
        tpu.vector_store %arg11[%swap3A_185, %swap3A_186, %swap3A_187], %mul3A_182 {strides = array<i32>} : memref<4x32x128xf32, #tpu.memory_space<vmem>>, vector<16xf32>,
        %add3A_189 = arith.constant 1 : i32
        %add3A_190 = vector.broadcast %add3A_189 : i32 to vector<16xi32>
        %add3A_191 = arith.addi %add3A_180, %add3A_190 : vector<16xi32>
        %gather3A_192 = tpu.vector_load_idx %arg10[%add3A_134, %add3A_191] : memref<512x128xf32, #tpu.memory_space<vmem>>[vector<16xi32>, vector<16xi32>], vector<16xf32>,
        %mul3A_193 = arith.mulf %gather3A_192, %get3A_130 : vector<16xf32>
        %swap3A_194 = arith.constant 2 : i32
        %swap3A_195 = arith.constant 5 : i32
        %swap3A_196 = arith.index_cast %swap3A_194 : i32 to index
        %swap3A_197 = arith.index_cast %swap3A_195 : i32 to index
        %swap3A_198 = arith.index_cast %mul3A_127 : i32 to index
        %swap3A_199 = tpu.vector_load %arg11[%swap3A_196, %swap3A_197, %swap3A_198] {strides = array<i32>} : memref<4x32x128xf32, #tpu.memory_space<vmem>>, vector<16xf32>,
        tpu.vector_store %arg11[%swap3A_196, %swap3A_197, %swap3A_198], %mul3A_193 {strides = array<i32>} : memref<4x32x128xf32, #tpu.memory_space<vmem>>, vector<16xf32>,
        %add3A_200 = arith.constant 1 : i32
        %add3A_201 = vector.broadcast %add3A_200 : i32 to vector<16xi32>
        %add3A_202 = arith.addi %add3A_191, %add3A_201 : vector<16xi32>
        %gather3A_203 = tpu.vector_load_idx %arg10[%add3A_134, %add3A_202] : memref<512x128xf32, #tpu.memory_space<vmem>>[vector<16xi32>, vector<16xi32>], vector<16xf32>,
        %mul3A_204 = arith.mulf %gather3A_203, %get3A_130 : vector<16xf32>
        %swap3A_205 = arith.constant 2 : i32
        %swap3A_206 = arith.constant 6 : i32
        %swap3A_207 = arith.index_cast %swap3A_205 : i32 to index
        %swap3A_208 = arith.index_cast %swap3A_206 : i32 to index
        %swap3A_209 = arith.index_cast %mul3A_127 : i32 to index
        %swap3A_210 = tpu.vector_load %arg11[%swap3A_207, %swap3A_208, %swap3A_209] {strides = array<i32>} : memref<4x32x128xf32, #tpu.memory_space<vmem>>, vector<16xf32>,
        tpu.vector_store %arg11[%swap3A_207, %swap3A_208, %swap3A_209], %mul3A_204 {strides = array<i32>} : memref<4x32x128xf32, #tpu.memory_space<vmem>>, vector<16xf32>,
        %add3A_211 = arith.constant 1 : i32
        %add3A_212 = vector.broadcast %add3A_211 : i32 to vector<16xi32>
        %add3A_213 = arith.addi %add3A_202, %add3A_212 : vector<16xi32>
        %gather3A_214 = tpu.vector_load_idx %arg10[%add3A_134, %add3A_213] : memref<512x128xf32, #tpu.memory_space<vmem>>[vector<16xi32>, vector<16xi32>], vector<16xf32>,
        %mul3A_215 = arith.mulf %gather3A_214, %get3A_130 : vector<16xf32>
        %swap3A_216 = arith.constant 2 : i32
        %swap3A_217 = arith.constant 7 : i32
        %swap3A_218 = arith.index_cast %swap3A_216 : i32 to index
        %swap3A_219 = arith.index_cast %swap3A_217 : i32 to index
        %swap3A_220 = arith.index_cast %mul3A_127 : i32 to index
        %swap3A_221 = tpu.vector_load %arg11[%swap3A_218, %swap3A_219, %swap3A_220] {strides = array<i32>} : memref<4x32x128xf32, #tpu.memory_space<vmem>>, vector<16xf32>,
        tpu.vector_store %arg11[%swap3A_218, %swap3A_219, %swap3A_220], %mul3A_215 {strides = array<i32>} : memref<4x32x128xf32, #tpu.memory_space<vmem>>, vector<16xf32>,
        %add3A_222 = arith.constant 1 : i32
        %add3A_223 = vector.broadcast %add3A_222 : i32 to vector<16xi32>
        %add3A_224 = arith.addi %add3A_213, %add3A_223 : vector<16xi32>
        %gather3A_225 = tpu.vector_load_idx %arg10[%add3A_134, %add3A_224] : memref<512x128xf32, #tpu.memory_space<vmem>>[vector<16xi32>, vector<16xi32>], vector<16xf32>,
        %mul3A_226 = arith.mulf %gather3A_225, %get3A_130 : vector<16xf32>
        %swap3A_227 = arith.constant 2 : i32
        %swap3A_228 = arith.constant 8 : i32
        %swap3A_229 = arith.index_cast %swap3A_227 : i32 to index
        %swap3A_230 = arith.index_cast %swap3A_228 : i32 to index
        %swap3A_231 = arith.index_cast %mul3A_127 : i32 to index
        %swap3A_232 = tpu.vector_load %arg11[%swap3A_229, %swap3A_230, %swap3A_231] {strides = array<i32>} : memref<4x32x128xf32, #tpu.memory_space<vmem>>, vector<16xf32>,
        tpu.vector_store %arg11[%swap3A_229, %swap3A_230, %swap3A_231], %mul3A_226 {strides = array<i32>} : memref<4x32x128xf32, #tpu.memory_space<vmem>>, vector<16xf32>,
        %add3A_233 = arith.constant 1 : i32
        %add3A_234 = vector.broadcast %add3A_233 : i32 to vector<16xi32>
        %add3A_235 = arith.addi %add3A_224, %add3A_234 : vector<16xi32>
        %gather3A_236 = tpu.vector_load_idx %arg10[%add3A_134, %add3A_235] : memref<512x128xf32, #tpu.memory_space<vmem>>[vector<16xi32>, vector<16xi32>], vector<16xf32>,
        %mul3A_237 = arith.mulf %gather3A_236, %get3A_130 : vector<16xf32>
        %swap3A_238 = arith.constant 2 : i32
        %swap3A_239 = arith.constant 9 : i32
        %swap3A_240 = arith.index_cast %swap3A_238 : i32 to index
        %swap3A_241 = arith.index_cast %swap3A_239 : i32 to index
        %swap3A_242 = arith.index_cast %mul3A_127 : i32 to index
        %swap3A_243 = tpu.vector_load %arg11[%swap3A_240, %swap3A_241, %swap3A_242] {strides = array<i32>} : memref<4x32x128xf32, #tpu.memory_space<vmem>>, vector<16xf32>,
        tpu.vector_store %arg11[%swap3A_240, %swap3A_241, %swap3A_242], %mul3A_237 {strides = array<i32>} : memref<4x32x128xf32, #tpu.memory_space<vmem>>, vector<16xf32>,
        %add3A_244 = arith.constant 1 : i32
        %add3A_245 = vector.broadcast %add3A_244 : i32 to vector<16xi32>
        %add3A_246 = arith.addi %add3A_235, %add3A_245 : vector<16xi32>
        %gather3A_247 = tpu.vector_load_idx %arg10[%add3A_134, %add3A_246] : memref<512x128xf32, #tpu.memory_space<vmem>>[vector<16xi32>, vector<16xi32>], vector<16xf32>,
        %mul3A_248 = arith.mulf %gather3A_247, %get3A_130 : vector<16xf32>
        %swap3A_249 = arith.constant 2 : i32
        %swap3A_250 = arith.constant 10 : i32
        %swap3A_251 = arith.index_cast %swap3A_249 : i32 to index
        %swap3A_252 = arith.index_cast %swap3A_250 : i32 to index
        %swap3A_253 = arith.index_cast %mul3A_127 : i32 to index
        %swap3A_254 = tpu.vector_load %arg11[%swap3A_251, %swap3A_252, %swap3A_253] {strides = array<i32>} : memref<4x32x128xf32, #tpu.memory_space<vmem>>, vector<16xf32>,
        tpu.vector_store %arg11[%swap3A_251, %swap3A_252, %swap3A_253], %mul3A_248 {strides = array<i32>} : memref<4x32x128xf32, #tpu.memory_space<vmem>>, vector<16xf32>,
        %add3A_255 = arith.constant 1 : i32
        %add3A_256 = vector.broadcast %add3A_255 : i32 to vector<16xi32>
        %add3A_257 = arith.addi %add3A_246, %add3A_256 : vector<16xi32>
        %gather3A_258 = tpu.vector_load_idx %arg10[%add3A_134, %add3A_257] : memref<512x128xf32, #tpu.memory_space<vmem>>[vector<16xi32>, vector<16xi32>], vector<16xf32>,
        %mul3A_259 = arith.mulf %gather3A_258, %get3A_130 : vector<16xf32>
        %swap3A_260 = arith.constant 2 : i32
        %swap3A_261 = arith.constant 11 : i32
        %swap3A_262 = arith.index_cast %swap3A_260 : i32 to index
        %swap3A_263 = arith.index_cast %swap3A_261 : i32 to index
        %swap3A_264 = arith.index_cast %mul3A_127 : i32 to index
        %swap3A_265 = tpu.vector_load %arg11[%swap3A_262, %swap3A_263, %swap3A_264] {strides = array<i32>} : memref<4x32x128xf32, #tpu.memory_space<vmem>>, vector<16xf32>,
        tpu.vector_store %arg11[%swap3A_262, %swap3A_263, %swap3A_264], %mul3A_259 {strides = array<i32>} : memref<4x32x128xf32, #tpu.memory_space<vmem>>, vector<16xf32>,
        %add3A_266 = arith.constant 1 : i32
        %add3A_267 = vector.broadcast %add3A_266 : i32 to vector<16xi32>
        %add3A_268 = arith.addi %add3A_257, %add3A_267 : vector<16xi32>
        %gather3A_269 = tpu.vector_load_idx %arg10[%add3A_134, %add3A_268] : memref<512x128xf32, #tpu.memory_space<vmem>>[vector<16xi32>, vector<16xi32>], vector<16xf32>,
        %mul3A_270 = arith.mulf %gather3A_269, %get3A_130 : vector<16xf32>
        %swap3A_271 = arith.constant 2 : i32
        %swap3A_272 = arith.constant 12 : i32
        %swap3A_273 = arith.index_cast %swap3A_271 : i32 to index
        %swap3A_274 = arith.index_cast %swap3A_272 : i32 to index
        %swap3A_275 = arith.index_cast %mul3A_127 : i32 to index
        %swap3A_276 = tpu.vector_load %arg11[%swap3A_273, %swap3A_274, %swap3A_275] {strides = array<i32>} : memref<4x32x128xf32, #tpu.memory_space<vmem>>, vector<16xf32>,
        tpu.vector_store %arg11[%swap3A_273, %swap3A_274, %swap3A_275], %mul3A_270 {strides = array<i32>} : memref<4x32x128xf32, #tpu.memory_space<vmem>>, vector<16xf32>,
        %add3A_277 = arith.constant 1 : i32
        %add3A_278 = vector.broadcast %add3A_277 : i32 to vector<16xi32>
        %add3A_279 = arith.addi %add3A_268, %add3A_278 : vector<16xi32>
        %gather3A_280 = tpu.vector_load_idx %arg10[%add3A_134, %add3A_279] : memref<512x128xf32, #tpu.memory_space<vmem>>[vector<16xi32>, vector<16xi32>], vector<16xf32>,
        %mul3A_281 = arith.mulf %gather3A_280, %get3A_130 : vector<16xf32>
        %swap3A_282 = arith.constant 2 : i32
        %swap3A_283 = arith.constant 13 : i32
        %swap3A_284 = arith.index_cast %swap3A_282 : i32 to index
        %swap3A_285 = arith.index_cast %swap3A_283 : i32 to index
        %swap3A_286 = arith.index_cast %mul3A_127 : i32 to index
        %swap3A_287 = tpu.vector_load %arg11[%swap3A_284, %swap3A_285, %swap3A_286] {strides = array<i32>} : memref<4x32x128xf32, #tpu.memory_space<vmem>>, vector<16xf32>,
        tpu.vector_store %arg11[%swap3A_284, %swap3A_285, %swap3A_286], %mul3A_281 {strides = array<i32>} : memref<4x32x128xf32, #tpu.memory_space<vmem>>, vector<16xf32>,
        %add3A_288 = arith.constant 1 : i32
        %add3A_289 = vector.broadcast %add3A_288 : i32 to vector<16xi32>
        %add3A_290 = arith.addi %add3A_279, %add3A_289 : vector<16xi32>
        %gather3A_291 = tpu.vector_load_idx %arg10[%add3A_134, %add3A_290] : memref<512x128xf32, #tpu.memory_space<vmem>>[vector<16xi32>, vector<16xi32>], vector<16xf32>,
        %mul3A_292 = arith.mulf %gather3A_291, %get3A_130 : vector<16xf32>
        %swap3A_293 = arith.constant 2 : i32
        %swap3A_294 = arith.constant 14 : i32
        %swap3A_295 = arith.index_cast %swap3A_293 : i32 to index
        %swap3A_296 = arith.index_cast %swap3A_294 : i32 to index
        %swap3A_297 = arith.index_cast %mul3A_127 : i32 to index
        %swap3A_298 = tpu.vector_load %arg11[%swap3A_295, %swap3A_296, %swap3A_297] {strides = array<i32>} : memref<4x32x128xf32, #tpu.memory_space<vmem>>, vector<16xf32>,
        tpu.vector_store %arg11[%swap3A_295, %swap3A_296, %swap3A_297], %mul3A_292 {strides = array<i32>} : memref<4x32x128xf32, #tpu.memory_space<vmem>>, vector<16xf32>,
        %add3A_299 = arith.constant 1 : i32
        %add3A_300 = vector.broadcast %add3A_299 : i32 to vector<16xi32>
        %add3A_301 = arith.addi %add3A_290, %add3A_300 : vector<16xi32>
        %gather3A_302 = tpu.vector_load_idx %arg10[%add3A_134, %add3A_301] : memref<512x128xf32, #tpu.memory_space<vmem>>[vector<16xi32>, vector<16xi32>], vector<16xf32>,
        %mul3A_303 = arith.mulf %gather3A_302, %get3A_130 : vector<16xf32>
        %swap3A_304 = arith.constant 2 : i32
        %swap3A_305 = arith.constant 15 : i32
        %swap3A_306 = arith.index_cast %swap3A_304 : i32 to index
        %swap3A_307 = arith.index_cast %swap3A_305 : i32 to index
        %swap3A_308 = arith.index_cast %mul3A_127 : i32 to index
        %swap3A_309 = tpu.vector_load %arg11[%swap3A_306, %swap3A_307, %swap3A_308] {strides = array<i32>} : memref<4x32x128xf32, #tpu.memory_space<vmem>>, vector<16xf32>,
        tpu.vector_store %arg11[%swap3A_306, %swap3A_307, %swap3A_308], %mul3A_303 {strides = array<i32>} : memref<4x32x128xf32, #tpu.memory_space<vmem>>, vector<16xf32>,
        %add3A_310 = arith.constant 1 : i32
        %add3A_311 = vector.broadcast %add3A_310 : i32 to vector<16xi32>
        %add3A_312 = arith.addi %add3A_301, %add3A_311 : vector<16xi32>
        %gather3A_313 = tpu.vector_load_idx %arg10[%add3A_134, %add3A_312] : memref<512x128xf32, #tpu.memory_space<vmem>>[vector<16xi32>, vector<16xi32>], vector<16xf32>,
        %mul3A_314 = arith.mulf %gather3A_313, %get3A_130 : vector<16xf32>
        %swap3A_315 = arith.constant 2 : i32
        %swap3A_316 = arith.constant 16 : i32
        %swap3A_317 = arith.index_cast %swap3A_315 : i32 to index
        %swap3A_318 = arith.index_cast %swap3A_316 : i32 to index
        %swap3A_319 = arith.index_cast %mul3A_127 : i32 to index
        %swap3A_320 = tpu.vector_load %arg11[%swap3A_317, %swap3A_318, %swap3A_319] {strides = array<i32>} : memref<4x32x128xf32, #tpu.memory_space<vmem>>, vector<16xf32>,
        tpu.vector_store %arg11[%swap3A_317, %swap3A_318, %swap3A_319], %mul3A_314 {strides = array<i32>} : memref<4x32x128xf32, #tpu.memory_space<vmem>>, vector<16xf32>,
        %add3A_321 = arith.constant 1 : i32
        %add3A_322 = vector.broadcast %add3A_321 : i32 to vector<16xi32>
        %add3A_323 = arith.addi %add3A_312, %add3A_322 : vector<16xi32>
        %gather3A_324 = tpu.vector_load_idx %arg10[%add3A_134, %add3A_323] : memref<512x128xf32, #tpu.memory_space<vmem>>[vector<16xi32>, vector<16xi32>], vector<16xf32>,
        %mul3A_325 = arith.mulf %gather3A_324, %get3A_130 : vector<16xf32>
        %swap3A_326 = arith.constant 2 : i32
        %swap3A_327 = arith.constant 17 : i32
        %swap3A_328 = arith.index_cast %swap3A_326 : i32 to index
        %swap3A_329 = arith.index_cast %swap3A_327 : i32 to index
        %swap3A_330 = arith.index_cast %mul3A_127 : i32 to index
        %swap3A_331 = tpu.vector_load %arg11[%swap3A_328, %swap3A_329, %swap3A_330] {strides = array<i32>} : memref<4x32x128xf32, #tpu.memory_space<vmem>>, vector<16xf32>,
        tpu.vector_store %arg11[%swap3A_328, %swap3A_329, %swap3A_330], %mul3A_325 {strides = array<i32>} : memref<4x32x128xf32, #tpu.memory_space<vmem>>, vector<16xf32>,
        %add3A_332 = arith.constant 1 : i32
        %add3A_333 = vector.broadcast %add3A_332 : i32 to vector<16xi32>
        %add3A_334 = arith.addi %add3A_323, %add3A_333 : vector<16xi32>
        %gather3A_335 = tpu.vector_load_idx %arg10[%add3A_134, %add3A_334] : memref<512x128xf32, #tpu.memory_space<vmem>>[vector<16xi32>, vector<16xi32>], vector<16xf32>,
        %mul3A_336 = arith.mulf %gather3A_335, %get3A_130 : vector<16xf32>
        %swap3A_337 = arith.constant 2 : i32
        %swap3A_338 = arith.constant 18 : i32
        %swap3A_339 = arith.index_cast %swap3A_337 : i32 to index
        %swap3A_340 = arith.index_cast %swap3A_338 : i32 to index
        %swap3A_341 = arith.index_cast %mul3A_127 : i32 to index
        %swap3A_342 = tpu.vector_load %arg11[%swap3A_339, %swap3A_340, %swap3A_341] {strides = array<i32>} : memref<4x32x128xf32, #tpu.memory_space<vmem>>, vector<16xf32>,
        tpu.vector_store %arg11[%swap3A_339, %swap3A_340, %swap3A_341], %mul3A_336 {strides = array<i32>} : memref<4x32x128xf32, #tpu.memory_space<vmem>>, vector<16xf32>,
        %add3A_343 = arith.constant 1 : i32
        %add3A_344 = vector.broadcast %add3A_343 : i32 to vector<16xi32>
        %add3A_345 = arith.addi %add3A_334, %add3A_344 : vector<16xi32>
        %gather3A_346 = tpu.vector_load_idx %arg10[%add3A_134, %add3A_345] : memref<512x128xf32, #tpu.memory_space<vmem>>[vector<16xi32>, vector<16xi32>], vector<16xf32>,
        %mul3A_347 = arith.mulf %gather3A_346, %get3A_130 : vector<16xf32>
        %swap3A_348 = arith.constant 2 : i32
        %swap3A_349 = arith.constant 19 : i32
        %swap3A_350 = arith.index_cast %swap3A_348 : i32 to index
        %swap3A_351 = arith.index_cast %swap3A_349 : i32 to index
        %swap3A_352 = arith.index_cast %mul3A_127 : i32 to index
        %swap3A_353 = tpu.vector_load %arg11[%swap3A_350, %swap3A_351, %swap3A_352] {strides = array<i32>} : memref<4x32x128xf32, #tpu.memory_space<vmem>>, vector<16xf32>,
        tpu.vector_store %arg11[%swap3A_350, %swap3A_351, %swap3A_352], %mul3A_347 {strides = array<i32>} : memref<4x32x128xf32, #tpu.memory_space<vmem>>, vector<16xf32>,
        %add3A_354 = arith.constant 1 : i32
        %add3A_355 = vector.broadcast %add3A_354 : i32 to vector<16xi32>
        %add3A_356 = arith.addi %add3A_345, %add3A_355 : vector<16xi32>
        %gather3A_357 = tpu.vector_load_idx %arg10[%add3A_134, %add3A_356] : memref<512x128xf32, #tpu.memory_space<vmem>>[vector<16xi32>, vector<16xi32>], vector<16xf32>,
        %mul3A_358 = arith.mulf %gather3A_357, %get3A_130 : vector<16xf32>
        %swap3A_359 = arith.constant 2 : i32
        %swap3A_360 = arith.constant 20 : i32
        %swap3A_361 = arith.index_cast %swap3A_359 : i32 to index
        %swap3A_362 = arith.index_cast %swap3A_360 : i32 to index
        %swap3A_363 = arith.index_cast %mul3A_127 : i32 to index
        %swap3A_364 = tpu.vector_load %arg11[%swap3A_361, %swap3A_362, %swap3A_363] {strides = array<i32>} : memref<4x32x128xf32, #tpu.memory_space<vmem>>, vector<16xf32>,
        tpu.vector_store %arg11[%swap3A_361, %swap3A_362, %swap3A_363], %mul3A_358 {strides = array<i32>} : memref<4x32x128xf32, #tpu.memory_space<vmem>>, vector<16xf32>,
        %add3A_365 = arith.constant 1 : i32
        %add3A_366 = vector.broadcast %add3A_365 : i32 to vector<16xi32>
        %add3A_367 = arith.addi %add3A_356, %add3A_366 : vector<16xi32>
        %gather3A_368 = tpu.vector_load_idx %arg10[%add3A_134, %add3A_367] : memref<512x128xf32, #tpu.memory_space<vmem>>[vector<16xi32>, vector<16xi32>], vector<16xf32>,
        %mul3A_369 = arith.mulf %gather3A_368, %get3A_130 : vector<16xf32>
        %swap3A_370 = arith.constant 2 : i32
        %swap3A_371 = arith.constant 21 : i32
        %swap3A_372 = arith.index_cast %swap3A_370 : i32 to index
        %swap3A_373 = arith.index_cast %swap3A_371 : i32 to index
        %swap3A_374 = arith.index_cast %mul3A_127 : i32 to index
        %swap3A_375 = tpu.vector_load %arg11[%swap3A_372, %swap3A_373, %swap3A_374] {strides = array<i32>} : memref<4x32x128xf32, #tpu.memory_space<vmem>>, vector<16xf32>,
        tpu.vector_store %arg11[%swap3A_372, %swap3A_373, %swap3A_374], %mul3A_369 {strides = array<i32>} : memref<4x32x128xf32, #tpu.memory_space<vmem>>, vector<16xf32>,
        %add3A_376 = arith.constant 1 : i32
        %add3A_377 = vector.broadcast %add3A_376 : i32 to vector<16xi32>
        %add3A_378 = arith.addi %add3A_367, %add3A_377 : vector<16xi32>
        %gather3A_379 = tpu.vector_load_idx %arg10[%add3A_134, %add3A_378] : memref<512x128xf32, #tpu.memory_space<vmem>>[vector<16xi32>, vector<16xi32>], vector<16xf32>,
        %mul3A_380 = arith.mulf %gather3A_379, %get3A_130 : vector<16xf32>
        %swap3A_381 = arith.constant 2 : i32
        %swap3A_382 = arith.constant 22 : i32
        %swap3A_383 = arith.index_cast %swap3A_381 : i32 to index
        %swap3A_384 = arith.index_cast %swap3A_382 : i32 to index
        %swap3A_385 = arith.index_cast %mul3A_127 : i32 to index
        %swap3A_386 = tpu.vector_load %arg11[%swap3A_383, %swap3A_384, %swap3A_385] {strides = array<i32>} : memref<4x32x128xf32, #tpu.memory_space<vmem>>, vector<16xf32>,
        tpu.vector_store %arg11[%swap3A_383, %swap3A_384, %swap3A_385], %mul3A_380 {strides = array<i32>} : memref<4x32x128xf32, #tpu.memory_space<vmem>>, vector<16xf32>,
        %add3A_387 = arith.constant 1 : i32
        %add3A_388 = vector.broadcast %add3A_387 : i32 to vector<16xi32>
        %add3A_389 = arith.addi %add3A_378, %add3A_388 : vector<16xi32>
        %gather3A_390 = tpu.vector_load_idx %arg10[%add3A_134, %add3A_389] : memref<512x128xf32, #tpu.memory_space<vmem>>[vector<16xi32>, vector<16xi32>], vector<16xf32>,
        %mul3A_391 = arith.mulf %gather3A_390, %get3A_130 : vector<16xf32>
        %swap3A_392 = arith.constant 2 : i32
        %swap3A_393 = arith.constant 23 : i32
        %swap3A_394 = arith.index_cast %swap3A_392 : i32 to index
        %swap3A_395 = arith.index_cast %swap3A_393 : i32 to index
        %swap3A_396 = arith.index_cast %mul3A_127 : i32 to index
        %swap3A_397 = tpu.vector_load %arg11[%swap3A_394, %swap3A_395, %swap3A_396] {strides = array<i32>} : memref<4x32x128xf32, #tpu.memory_space<vmem>>, vector<16xf32>,
        tpu.vector_store %arg11[%swap3A_394, %swap3A_395, %swap3A_396], %mul3A_391 {strides = array<i32>} : memref<4x32x128xf32, #tpu.memory_space<vmem>>, vector<16xf32>,
        %add3A_398 = arith.constant 1 : i32
        %add3A_399 = vector.broadcast %add3A_398 : i32 to vector<16xi32>
        %add3A_400 = arith.addi %add3A_389, %add3A_399 : vector<16xi32>
        %gather3A_401 = tpu.vector_load_idx %arg10[%add3A_134, %add3A_400] : memref<512x128xf32, #tpu.memory_space<vmem>>[vector<16xi32>, vector<16xi32>], vector<16xf32>,
        %mul3A_402 = arith.mulf %gather3A_401, %get3A_130 : vector<16xf32>
        %swap3A_403 = arith.constant 2 : i32
        %swap3A_404 = arith.constant 24 : i32
        %swap3A_405 = arith.index_cast %swap3A_403 : i32 to index
        %swap3A_406 = arith.index_cast %swap3A_404 : i32 to index
        %swap3A_407 = arith.index_cast %mul3A_127 : i32 to index
        %swap3A_408 = tpu.vector_load %arg11[%swap3A_405, %swap3A_406, %swap3A_407] {strides = array<i32>} : memref<4x32x128xf32, #tpu.memory_space<vmem>>, vector<16xf32>,
        tpu.vector_store %arg11[%swap3A_405, %swap3A_406, %swap3A_407], %mul3A_402 {strides = array<i32>} : memref<4x32x128xf32, #tpu.memory_space<vmem>>, vector<16xf32>,
        %add3A_409 = arith.constant 1 : i32
        %add3A_410 = vector.broadcast %add3A_409 : i32 to vector<16xi32>
        %add3A_411 = arith.addi %add3A_400, %add3A_410 : vector<16xi32>
        %gather3A_412 = tpu.vector_load_idx %arg10[%add3A_134, %add3A_411] : memref<512x128xf32, #tpu.memory_space<vmem>>[vector<16xi32>, vector<16xi32>], vector<16xf32>,
        %mul3A_413 = arith.mulf %gather3A_412, %get3A_130 : vector<16xf32>
        %swap3A_414 = arith.constant 2 : i32
        %swap3A_415 = arith.constant 25 : i32
        %swap3A_416 = arith.index_cast %swap3A_414 : i32 to index
        %swap3A_417 = arith.index_cast %swap3A_415 : i32 to index
        %swap3A_418 = arith.index_cast %mul3A_127 : i32 to index
        %swap3A_419 = tpu.vector_load %arg11[%swap3A_416, %swap3A_417, %swap3A_418] {strides = array<i32>} : memref<4x32x128xf32, #tpu.memory_space<vmem>>, vector<16xf32>,
        tpu.vector_store %arg11[%swap3A_416, %swap3A_417, %swap3A_418], %mul3A_413 {strides = array<i32>} : memref<4x32x128xf32, #tpu.memory_space<vmem>>, vector<16xf32>,
        %add3A_420 = arith.constant 1 : i32
        %add3A_421 = vector.broadcast %add3A_420 : i32 to vector<16xi32>
        %add3A_422 = arith.addi %add3A_411, %add3A_421 : vector<16xi32>
        %gather3A_423 = tpu.vector_load_idx %arg10[%add3A_134, %add3A_422] : memref<512x128xf32, #tpu.memory_space<vmem>>[vector<16xi32>, vector<16xi32>], vector<16xf32>,
        %mul3A_424 = arith.mulf %gather3A_423, %get3A_130 : vector<16xf32>
        %swap3A_425 = arith.constant 2 : i32
        %swap3A_426 = arith.constant 26 : i32
        %swap3A_427 = arith.index_cast %swap3A_425 : i32 to index
        %swap3A_428 = arith.index_cast %swap3A_426 : i32 to index
        %swap3A_429 = arith.index_cast %mul3A_127 : i32 to index
        %swap3A_430 = tpu.vector_load %arg11[%swap3A_427, %swap3A_428, %swap3A_429] {strides = array<i32>} : memref<4x32x128xf32, #tpu.memory_space<vmem>>, vector<16xf32>,
        tpu.vector_store %arg11[%swap3A_427, %swap3A_428, %swap3A_429], %mul3A_424 {strides = array<i32>} : memref<4x32x128xf32, #tpu.memory_space<vmem>>, vector<16xf32>,
        %add3A_431 = arith.constant 1 : i32
        %add3A_432 = vector.broadcast %add3A_431 : i32 to vector<16xi32>
        %add3A_433 = arith.addi %add3A_422, %add3A_432 : vector<16xi32>
        %gather3A_434 = tpu.vector_load_idx %arg10[%add3A_134, %add3A_433] : memref<512x128xf32, #tpu.memory_space<vmem>>[vector<16xi32>, vector<16xi32>], vector<16xf32>,
        %mul3A_435 = arith.mulf %gather3A_434, %get3A_130 : vector<16xf32>
        %swap3A_436 = arith.constant 2 : i32
        %swap3A_437 = arith.constant 27 : i32
        %swap3A_438 = arith.index_cast %swap3A_436 : i32 to index
        %swap3A_439 = arith.index_cast %swap3A_437 : i32 to index
        %swap3A_440 = arith.index_cast %mul3A_127 : i32 to index
        %swap3A_441 = tpu.vector_load %arg11[%swap3A_438, %swap3A_439, %swap3A_440] {strides = array<i32>} : memref<4x32x128xf32, #tpu.memory_space<vmem>>, vector<16xf32>,
        tpu.vector_store %arg11[%swap3A_438, %swap3A_439, %swap3A_440], %mul3A_435 {strides = array<i32>} : memref<4x32x128xf32, #tpu.memory_space<vmem>>, vector<16xf32>,
        %add3A_442 = arith.constant 1 : i32
        %add3A_443 = vector.broadcast %add3A_442 : i32 to vector<16xi32>
        %add3A_444 = arith.addi %add3A_433, %add3A_443 : vector<16xi32>
        %gather3A_445 = tpu.vector_load_idx %arg10[%add3A_134, %add3A_444] : memref<512x128xf32, #tpu.memory_space<vmem>>[vector<16xi32>, vector<16xi32>], vector<16xf32>,
        %mul3A_446 = arith.mulf %gather3A_445, %get3A_130 : vector<16xf32>
        %swap3A_447 = arith.constant 2 : i32
        %swap3A_448 = arith.constant 28 : i32
        %swap3A_449 = arith.index_cast %swap3A_447 : i32 to index
        %swap3A_450 = arith.index_cast %swap3A_448 : i32 to index
        %swap3A_451 = arith.index_cast %mul3A_127 : i32 to index
        %swap3A_452 = tpu.vector_load %arg11[%swap3A_449, %swap3A_450, %swap3A_451] {strides = array<i32>} : memref<4x32x128xf32, #tpu.memory_space<vmem>>, vector<16xf32>,
        tpu.vector_store %arg11[%swap3A_449, %swap3A_450, %swap3A_451], %mul3A_446 {strides = array<i32>} : memref<4x32x128xf32, #tpu.memory_space<vmem>>, vector<16xf32>,
        %add3A_453 = arith.constant 1 : i32
        %add3A_454 = vector.broadcast %add3A_453 : i32 to vector<16xi32>
        %add3A_455 = arith.addi %add3A_444, %add3A_454 : vector<16xi32>
        %gather3A_456 = tpu.vector_load_idx %arg10[%add3A_134, %add3A_455] : memref<512x128xf32, #tpu.memory_space<vmem>>[vector<16xi32>, vector<16xi32>], vector<16xf32>,
        %mul3A_457 = arith.mulf %gather3A_456, %get3A_130 : vector<16xf32>
        %swap3A_458 = arith.constant 2 : i32
        %swap3A_459 = arith.constant 29 : i32
        %swap3A_460 = arith.index_cast %swap3A_458 : i32 to index
        %swap3A_461 = arith.index_cast %swap3A_459 : i32 to index
        %swap3A_462 = arith.index_cast %mul3A_127 : i32 to index
        %swap3A_463 = tpu.vector_load %arg11[%swap3A_460, %swap3A_461, %swap3A_462] {strides = array<i32>} : memref<4x32x128xf32, #tpu.memory_space<vmem>>, vector<16xf32>,
        tpu.vector_store %arg11[%swap3A_460, %swap3A_461, %swap3A_462], %mul3A_457 {strides = array<i32>} : memref<4x32x128xf32, #tpu.memory_space<vmem>>, vector<16xf32>,
        %add3A_464 = arith.constant 1 : i32
        %add3A_465 = vector.broadcast %add3A_464 : i32 to vector<16xi32>
        %add3A_466 = arith.addi %add3A_455, %add3A_465 : vector<16xi32>
        %gather3A_467 = tpu.vector_load_idx %arg10[%add3A_134, %add3A_466] : memref<512x128xf32, #tpu.memory_space<vmem>>[vector<16xi32>, vector<16xi32>], vector<16xf32>,
        %mul3A_468 = arith.mulf %gather3A_467, %get3A_130 : vector<16xf32>
        %swap3A_469 = arith.constant 2 : i32
        %swap3A_470 = arith.constant 30 : i32
        %swap3A_471 = arith.index_cast %swap3A_469 : i32 to index
        %swap3A_472 = arith.index_cast %swap3A_470 : i32 to index
        %swap3A_473 = arith.index_cast %mul3A_127 : i32 to index
        %swap3A_474 = tpu.vector_load %arg11[%swap3A_471, %swap3A_472, %swap3A_473] {strides = array<i32>} : memref<4x32x128xf32, #tpu.memory_space<vmem>>, vector<16xf32>,
        tpu.vector_store %arg11[%swap3A_471, %swap3A_472, %swap3A_473], %mul3A_468 {strides = array<i32>} : memref<4x32x128xf32, #tpu.memory_space<vmem>>, vector<16xf32>,
        %add3A_475 = arith.constant 1 : i32
        %add3A_476 = vector.broadcast %add3A_475 : i32 to vector<16xi32>
        %add3A_477 = arith.addi %add3A_466, %add3A_476 : vector<16xi32>
        %gather3A_478 = tpu.vector_load_idx %arg10[%add3A_134, %add3A_477] : memref<512x128xf32, #tpu.memory_space<vmem>>[vector<16xi32>, vector<16xi32>], vector<16xf32>,
        %mul3A_479 = arith.mulf %gather3A_478, %get3A_130 : vector<16xf32>
        %swap3A_480 = arith.constant 2 : i32
        %swap3A_481 = arith.constant 31 : i32
        %swap3A_482 = arith.index_cast %swap3A_480 : i32 to index
        %swap3A_483 = arith.index_cast %swap3A_481 : i32 to index
        %swap3A_484 = arith.index_cast %mul3A_127 : i32 to index
        %swap3A_485 = tpu.vector_load %arg11[%swap3A_482, %swap3A_483, %swap3A_484] {strides = array<i32>} : memref<4x32x128xf32, #tpu.memory_space<vmem>>, vector<16xf32>,
        tpu.vector_store %arg11[%swap3A_482, %swap3A_483, %swap3A_484], %mul3A_479 {strides = array<i32>} : memref<4x32x128xf32, #tpu.memory_space<vmem>>, vector<16xf32>,
      }
      %scan3A_104 = arith.constant 8 : i32
      %dma_wait3A_105 = arith.constant 3 : i32
      %dma_wait3A_106 = arith.constant 384 : i32
      %dma_wait3A_107 = arith.constant 0 : i32
      %dma_wait3A_108 = tpu.memref_slice %arg10[%dma_wait3A_106, %dma_wait3A_107] : memref<512x128xf32, #tpu.memory_space<vmem>> -> memref<128x128xf32, #tpu.memory_space<vmem>>
      %dma_wait3A_109 = arith.constant 0 : i32
      %dma_wait3A_110 = tpu.memref_slice %arg7[%dma_wait3A_105, %dma_wait3A_109] : memref<4x128xi32, #tpu.memory_space<vmem>> -> memref<1x128xi32, #tpu.memory_space<vmem>>
      %dma_wait3A_111 = tpu.memref_squeeze %dma_wait3A_110 : memref<1x128xi32, #tpu.memory_space<vmem>> -> memref<128xi32, #tpu.memory_space<vmem>>
      %dma_wait3A_112 = arith.constant 0 : i32
      %dma_wait3A_113 = arith.constant 0 : i32
      %dma_wait3A_114 = tpu.memref_slice %arg5[%dma_wait3A_112, %dma_wait3A_113] : memref<250000x128xf32, #tpu.memory_space<hbm>> -> memref<250000x128xf32, #tpu.memory_space<hbm>>
      tpu.wait_indirect_dma semaphore(%arg15 : memref<!tpu.dma_semaphore, #tpu.memory_space<semaphore_mem>>) src(%dma_wait3A_114 : memref<250000x128xf32, #tpu.memory_space<hbm>>) dst(%dma_wait3A_108 : memref<128x128xf32, #tpu.memory_space<vmem>>)
      %scan3A_115 = arith.constant 0 : i32
      %scan3A_116 = arith.constant 0 : i32
      %scan3A_117 = arith.constant 8 : i32
      %scan3A_118 = arith.addi %scan3A_116, %scan3A_117 : i32
      %scan3A_119 = arith.constant 1 : i32
      scf.for %scan3A_125 = %scan3A_116 to %scan3A_118 step %scan3A_119  : i32 {
        %mul3A_126 = arith.constant 16 : i32
        %mul3A_127 = arith.muli %scan3A_125, %mul3A_126 : i32
        %get3A = arith.constant 3 : i32
        %get3A_128 = arith.index_cast %get3A : i32 to index
        %get3A_129 = arith.index_cast %mul3A_127 : i32 to index
        %get3A_130 = tpu.vector_load %arg9[%get3A_128, %get3A_129] {strides = array<i32>} : memref<4x128xf32, #tpu.memory_space<vmem>>, vector<16xf32>,
        %add3A_131 = arith.constant 384 : i32
        %add3A_132 = arith.addi %add3A_131, %mul3A_127 : i32
        %add3A_133 = vector.broadcast %add3A_132 : i32 to vector<16xi32>
        %add3A_134 = arith.addi %iota3A, %add3A_133 : vector<16xi32>
        %get3A_135 = arith.constant 3 : i32
        %get3A_136 = arith.index_cast %get3A_135 : i32 to index
        %get3A_137 = arith.index_cast %mul3A_127 : i32 to index
        %get3A_138 = tpu.vector_load %arg8[%get3A_136, %get3A_137] {strides = array<i32>} : memref<4x128xi32, #tpu.memory_space<vmem>>, vector<16xi32>,
        %gather3A = tpu.vector_load_idx %arg10[%add3A_134, %get3A_138] : memref<512x128xf32, #tpu.memory_space<vmem>>[vector<16xi32>, vector<16xi32>], vector<16xf32>,
        %mul3A_139 = arith.mulf %gather3A, %get3A_130 : vector<16xf32>
        %swap3A = arith.constant 3 : i32
        %swap3A_140 = arith.constant 0 : i32
        %swap3A_141 = arith.index_cast %swap3A : i32 to index
        %swap3A_142 = arith.index_cast %swap3A_140 : i32 to index
        %swap3A_143 = arith.index_cast %mul3A_127 : i32 to index
        %swap3A_144 = tpu.vector_load %arg11[%swap3A_141, %swap3A_142, %swap3A_143] {strides = array<i32>} : memref<4x32x128xf32, #tpu.memory_space<vmem>>, vector<16xf32>,
        tpu.vector_store %arg11[%swap3A_141, %swap3A_142, %swap3A_143], %mul3A_139 {strides = array<i32>} : memref<4x32x128xf32, #tpu.memory_space<vmem>>, vector<16xf32>,
        %add3A_145 = arith.constant 1 : i32
        %add3A_146 = vector.broadcast %add3A_145 : i32 to vector<16xi32>
        %add3A_147 = arith.addi %get3A_138, %add3A_146 : vector<16xi32>
        %gather3A_148 = tpu.vector_load_idx %arg10[%add3A_134, %add3A_147] : memref<512x128xf32, #tpu.memory_space<vmem>>[vector<16xi32>, vector<16xi32>], vector<16xf32>,
        %mul3A_149 = arith.mulf %gather3A_148, %get3A_130 : vector<16xf32>
        %swap3A_150 = arith.constant 3 : i32
        %swap3A_151 = arith.constant 1 : i32
        %swap3A_152 = arith.index_cast %swap3A_150 : i32 to index
        %swap3A_153 = arith.index_cast %swap3A_151 : i32 to index
        %swap3A_154 = arith.index_cast %mul3A_127 : i32 to index
        %swap3A_155 = tpu.vector_load %arg11[%swap3A_152, %swap3A_153, %swap3A_154] {strides = array<i32>} : memref<4x32x128xf32, #tpu.memory_space<vmem>>, vector<16xf32>,
        tpu.vector_store %arg11[%swap3A_152, %swap3A_153, %swap3A_154], %mul3A_149 {strides = array<i32>} : memref<4x32x128xf32, #tpu.memory_space<vmem>>, vector<16xf32>,
        %add3A_156 = arith.constant 1 : i32
        %add3A_157 = vector.broadcast %add3A_156 : i32 to vector<16xi32>
        %add3A_158 = arith.addi %add3A_147, %add3A_157 : vector<16xi32>
        %gather3A_159 = tpu.vector_load_idx %arg10[%add3A_134, %add3A_158] : memref<512x128xf32, #tpu.memory_space<vmem>>[vector<16xi32>, vector<16xi32>], vector<16xf32>,
        %mul3A_160 = arith.mulf %gather3A_159, %get3A_130 : vector<16xf32>
        %swap3A_161 = arith.constant 3 : i32
        %swap3A_162 = arith.constant 2 : i32
        %swap3A_163 = arith.index_cast %swap3A_161 : i32 to index
        %swap3A_164 = arith.index_cast %swap3A_162 : i32 to index
        %swap3A_165 = arith.index_cast %mul3A_127 : i32 to index
        %swap3A_166 = tpu.vector_load %arg11[%swap3A_163, %swap3A_164, %swap3A_165] {strides = array<i32>} : memref<4x32x128xf32, #tpu.memory_space<vmem>>, vector<16xf32>,
        tpu.vector_store %arg11[%swap3A_163, %swap3A_164, %swap3A_165], %mul3A_160 {strides = array<i32>} : memref<4x32x128xf32, #tpu.memory_space<vmem>>, vector<16xf32>,
        %add3A_167 = arith.constant 1 : i32
        %add3A_168 = vector.broadcast %add3A_167 : i32 to vector<16xi32>
        %add3A_169 = arith.addi %add3A_158, %add3A_168 : vector<16xi32>
        %gather3A_170 = tpu.vector_load_idx %arg10[%add3A_134, %add3A_169] : memref<512x128xf32, #tpu.memory_space<vmem>>[vector<16xi32>, vector<16xi32>], vector<16xf32>,
        %mul3A_171 = arith.mulf %gather3A_170, %get3A_130 : vector<16xf32>
        %swap3A_172 = arith.constant 3 : i32
        %swap3A_173 = arith.constant 3 : i32
        %swap3A_174 = arith.index_cast %swap3A_172 : i32 to index
        %swap3A_175 = arith.index_cast %swap3A_173 : i32 to index
        %swap3A_176 = arith.index_cast %mul3A_127 : i32 to index
        %swap3A_177 = tpu.vector_load %arg11[%swap3A_174, %swap3A_175, %swap3A_176] {strides = array<i32>} : memref<4x32x128xf32, #tpu.memory_space<vmem>>, vector<16xf32>,
        tpu.vector_store %arg11[%swap3A_174, %swap3A_175, %swap3A_176], %mul3A_171 {strides = array<i32>} : memref<4x32x128xf32, #tpu.memory_space<vmem>>, vector<16xf32>,
        %add3A_178 = arith.constant 1 : i32
        %add3A_179 = vector.broadcast %add3A_178 : i32 to vector<16xi32>
        %add3A_180 = arith.addi %add3A_169, %add3A_179 : vector<16xi32>
        %gather3A_181 = tpu.vector_load_idx %arg10[%add3A_134, %add3A_180] : memref<512x128xf32, #tpu.memory_space<vmem>>[vector<16xi32>, vector<16xi32>], vector<16xf32>,
        %mul3A_182 = arith.mulf %gather3A_181, %get3A_130 : vector<16xf32>
        %swap3A_183 = arith.constant 3 : i32
        %swap3A_184 = arith.constant 4 : i32
        %swap3A_185 = arith.index_cast %swap3A_183 : i32 to index
        %swap3A_186 = arith.index_cast %swap3A_184 : i32 to index
        %swap3A_187 = arith.index_cast %mul3A_127 : i32 to index
        %swap3A_188 = tpu.vector_load %arg11[%swap3A_185, %swap3A_186, %swap3A_187] {strides = array<i32>} : memref<4x32x128xf32, #tpu.memory_space<vmem>>, vector<16xf32>,
        tpu.vector_store %arg11[%swap3A_185, %swap3A_186, %swap3A_187], %mul3A_182 {strides = array<i32>} : memref<4x32x128xf32, #tpu.memory_space<vmem>>, vector<16xf32>,
        %add3A_189 = arith.constant 1 : i32
        %add3A_190 = vector.broadcast %add3A_189 : i32 to vector<16xi32>
        %add3A_191 = arith.addi %add3A_180, %add3A_190 : vector<16xi32>
        %gather3A_192 = tpu.vector_load_idx %arg10[%add3A_134, %add3A_191] : memref<512x128xf32, #tpu.memory_space<vmem>>[vector<16xi32>, vector<16xi32>], vector<16xf32>,
        %mul3A_193 = arith.mulf %gather3A_192, %get3A_130 : vector<16xf32>
        %swap3A_194 = arith.constant 3 : i32
        %swap3A_195 = arith.constant 5 : i32
        %swap3A_196 = arith.index_cast %swap3A_194 : i32 to index
        %swap3A_197 = arith.index_cast %swap3A_195 : i32 to index
        %swap3A_198 = arith.index_cast %mul3A_127 : i32 to index
        %swap3A_199 = tpu.vector_load %arg11[%swap3A_196, %swap3A_197, %swap3A_198] {strides = array<i32>} : memref<4x32x128xf32, #tpu.memory_space<vmem>>, vector<16xf32>,
        tpu.vector_store %arg11[%swap3A_196, %swap3A_197, %swap3A_198], %mul3A_193 {strides = array<i32>} : memref<4x32x128xf32, #tpu.memory_space<vmem>>, vector<16xf32>,
        %add3A_200 = arith.constant 1 : i32
        %add3A_201 = vector.broadcast %add3A_200 : i32 to vector<16xi32>
        %add3A_202 = arith.addi %add3A_191, %add3A_201 : vector<16xi32>
        %gather3A_203 = tpu.vector_load_idx %arg10[%add3A_134, %add3A_202] : memref<512x128xf32, #tpu.memory_space<vmem>>[vector<16xi32>, vector<16xi32>], vector<16xf32>,
        %mul3A_204 = arith.mulf %gather3A_203, %get3A_130 : vector<16xf32>
        %swap3A_205 = arith.constant 3 : i32
        %swap3A_206 = arith.constant 6 : i32
        %swap3A_207 = arith.index_cast %swap3A_205 : i32 to index
        %swap3A_208 = arith.index_cast %swap3A_206 : i32 to index
        %swap3A_209 = arith.index_cast %mul3A_127 : i32 to index
        %swap3A_210 = tpu.vector_load %arg11[%swap3A_207, %swap3A_208, %swap3A_209] {strides = array<i32>} : memref<4x32x128xf32, #tpu.memory_space<vmem>>, vector<16xf32>,
        tpu.vector_store %arg11[%swap3A_207, %swap3A_208, %swap3A_209], %mul3A_204 {strides = array<i32>} : memref<4x32x128xf32, #tpu.memory_space<vmem>>, vector<16xf32>,
        %add3A_211 = arith.constant 1 : i32
        %add3A_212 = vector.broadcast %add3A_211 : i32 to vector<16xi32>
        %add3A_213 = arith.addi %add3A_202, %add3A_212 : vector<16xi32>
        %gather3A_214 = tpu.vector_load_idx %arg10[%add3A_134, %add3A_213] : memref<512x128xf32, #tpu.memory_space<vmem>>[vector<16xi32>, vector<16xi32>], vector<16xf32>,
        %mul3A_215 = arith.mulf %gather3A_214, %get3A_130 : vector<16xf32>
        %swap3A_216 = arith.constant 3 : i32
        %swap3A_217 = arith.constant 7 : i32
        %swap3A_218 = arith.index_cast %swap3A_216 : i32 to index
        %swap3A_219 = arith.index_cast %swap3A_217 : i32 to index
        %swap3A_220 = arith.index_cast %mul3A_127 : i32 to index
        %swap3A_221 = tpu.vector_load %arg11[%swap3A_218, %swap3A_219, %swap3A_220] {strides = array<i32>} : memref<4x32x128xf32, #tpu.memory_space<vmem>>, vector<16xf32>,
        tpu.vector_store %arg11[%swap3A_218, %swap3A_219, %swap3A_220], %mul3A_215 {strides = array<i32>} : memref<4x32x128xf32, #tpu.memory_space<vmem>>, vector<16xf32>,
        %add3A_222 = arith.constant 1 : i32
        %add3A_223 = vector.broadcast %add3A_222 : i32 to vector<16xi32>
        %add3A_224 = arith.addi %add3A_213, %add3A_223 : vector<16xi32>
        %gather3A_225 = tpu.vector_load_idx %arg10[%add3A_134, %add3A_224] : memref<512x128xf32, #tpu.memory_space<vmem>>[vector<16xi32>, vector<16xi32>], vector<16xf32>,
        %mul3A_226 = arith.mulf %gather3A_225, %get3A_130 : vector<16xf32>
        %swap3A_227 = arith.constant 3 : i32
        %swap3A_228 = arith.constant 8 : i32
        %swap3A_229 = arith.index_cast %swap3A_227 : i32 to index
        %swap3A_230 = arith.index_cast %swap3A_228 : i32 to index
        %swap3A_231 = arith.index_cast %mul3A_127 : i32 to index
        %swap3A_232 = tpu.vector_load %arg11[%swap3A_229, %swap3A_230, %swap3A_231] {strides = array<i32>} : memref<4x32x128xf32, #tpu.memory_space<vmem>>, vector<16xf32>,
        tpu.vector_store %arg11[%swap3A_229, %swap3A_230, %swap3A_231], %mul3A_226 {strides = array<i32>} : memref<4x32x128xf32, #tpu.memory_space<vmem>>, vector<16xf32>,
        %add3A_233 = arith.constant 1 : i32
        %add3A_234 = vector.broadcast %add3A_233 : i32 to vector<16xi32>
        %add3A_235 = arith.addi %add3A_224, %add3A_234 : vector<16xi32>
        %gather3A_236 = tpu.vector_load_idx %arg10[%add3A_134, %add3A_235] : memref<512x128xf32, #tpu.memory_space<vmem>>[vector<16xi32>, vector<16xi32>], vector<16xf32>,
        %mul3A_237 = arith.mulf %gather3A_236, %get3A_130 : vector<16xf32>
        %swap3A_238 = arith.constant 3 : i32
        %swap3A_239 = arith.constant 9 : i32
        %swap3A_240 = arith.index_cast %swap3A_238 : i32 to index
        %swap3A_241 = arith.index_cast %swap3A_239 : i32 to index
        %swap3A_242 = arith.index_cast %mul3A_127 : i32 to index
        %swap3A_243 = tpu.vector_load %arg11[%swap3A_240, %swap3A_241, %swap3A_242] {strides = array<i32>} : memref<4x32x128xf32, #tpu.memory_space<vmem>>, vector<16xf32>,
        tpu.vector_store %arg11[%swap3A_240, %swap3A_241, %swap3A_242], %mul3A_237 {strides = array<i32>} : memref<4x32x128xf32, #tpu.memory_space<vmem>>, vector<16xf32>,
        %add3A_244 = arith.constant 1 : i32
        %add3A_245 = vector.broadcast %add3A_244 : i32 to vector<16xi32>
        %add3A_246 = arith.addi %add3A_235, %add3A_245 : vector<16xi32>
        %gather3A_247 = tpu.vector_load_idx %arg10[%add3A_134, %add3A_246] : memref<512x128xf32, #tpu.memory_space<vmem>>[vector<16xi32>, vector<16xi32>], vector<16xf32>,
        %mul3A_248 = arith.mulf %gather3A_247, %get3A_130 : vector<16xf32>
        %swap3A_249 = arith.constant 3 : i32
        %swap3A_250 = arith.constant 10 : i32
        %swap3A_251 = arith.index_cast %swap3A_249 : i32 to index
        %swap3A_252 = arith.index_cast %swap3A_250 : i32 to index
        %swap3A_253 = arith.index_cast %mul3A_127 : i32 to index
        %swap3A_254 = tpu.vector_load %arg11[%swap3A_251, %swap3A_252, %swap3A_253] {strides = array<i32>} : memref<4x32x128xf32, #tpu.memory_space<vmem>>, vector<16xf32>,
        tpu.vector_store %arg11[%swap3A_251, %swap3A_252, %swap3A_253], %mul3A_248 {strides = array<i32>} : memref<4x32x128xf32, #tpu.memory_space<vmem>>, vector<16xf32>,
        %add3A_255 = arith.constant 1 : i32
        %add3A_256 = vector.broadcast %add3A_255 : i32 to vector<16xi32>
        %add3A_257 = arith.addi %add3A_246, %add3A_256 : vector<16xi32>
        %gather3A_258 = tpu.vector_load_idx %arg10[%add3A_134, %add3A_257] : memref<512x128xf32, #tpu.memory_space<vmem>>[vector<16xi32>, vector<16xi32>], vector<16xf32>,
        %mul3A_259 = arith.mulf %gather3A_258, %get3A_130 : vector<16xf32>
        %swap3A_260 = arith.constant 3 : i32
        %swap3A_261 = arith.constant 11 : i32
        %swap3A_262 = arith.index_cast %swap3A_260 : i32 to index
        %swap3A_263 = arith.index_cast %swap3A_261 : i32 to index
        %swap3A_264 = arith.index_cast %mul3A_127 : i32 to index
        %swap3A_265 = tpu.vector_load %arg11[%swap3A_262, %swap3A_263, %swap3A_264] {strides = array<i32>} : memref<4x32x128xf32, #tpu.memory_space<vmem>>, vector<16xf32>,
        tpu.vector_store %arg11[%swap3A_262, %swap3A_263, %swap3A_264], %mul3A_259 {strides = array<i32>} : memref<4x32x128xf32, #tpu.memory_space<vmem>>, vector<16xf32>,
        %add3A_266 = arith.constant 1 : i32
        %add3A_267 = vector.broadcast %add3A_266 : i32 to vector<16xi32>
        %add3A_268 = arith.addi %add3A_257, %add3A_267 : vector<16xi32>
        %gather3A_269 = tpu.vector_load_idx %arg10[%add3A_134, %add3A_268] : memref<512x128xf32, #tpu.memory_space<vmem>>[vector<16xi32>, vector<16xi32>], vector<16xf32>,
        %mul3A_270 = arith.mulf %gather3A_269, %get3A_130 : vector<16xf32>
        %swap3A_271 = arith.constant 3 : i32
        %swap3A_272 = arith.constant 12 : i32
        %swap3A_273 = arith.index_cast %swap3A_271 : i32 to index
        %swap3A_274 = arith.index_cast %swap3A_272 : i32 to index
        %swap3A_275 = arith.index_cast %mul3A_127 : i32 to index
        %swap3A_276 = tpu.vector_load %arg11[%swap3A_273, %swap3A_274, %swap3A_275] {strides = array<i32>} : memref<4x32x128xf32, #tpu.memory_space<vmem>>, vector<16xf32>,
        tpu.vector_store %arg11[%swap3A_273, %swap3A_274, %swap3A_275], %mul3A_270 {strides = array<i32>} : memref<4x32x128xf32, #tpu.memory_space<vmem>>, vector<16xf32>,
        %add3A_277 = arith.constant 1 : i32
        %add3A_278 = vector.broadcast %add3A_277 : i32 to vector<16xi32>
        %add3A_279 = arith.addi %add3A_268, %add3A_278 : vector<16xi32>
        %gather3A_280 = tpu.vector_load_idx %arg10[%add3A_134, %add3A_279] : memref<512x128xf32, #tpu.memory_space<vmem>>[vector<16xi32>, vector<16xi32>], vector<16xf32>,
        %mul3A_281 = arith.mulf %gather3A_280, %get3A_130 : vector<16xf32>
        %swap3A_282 = arith.constant 3 : i32
        %swap3A_283 = arith.constant 13 : i32
        %swap3A_284 = arith.index_cast %swap3A_282 : i32 to index
        %swap3A_285 = arith.index_cast %swap3A_283 : i32 to index
        %swap3A_286 = arith.index_cast %mul3A_127 : i32 to index
        %swap3A_287 = tpu.vector_load %arg11[%swap3A_284, %swap3A_285, %swap3A_286] {strides = array<i32>} : memref<4x32x128xf32, #tpu.memory_space<vmem>>, vector<16xf32>,
        tpu.vector_store %arg11[%swap3A_284, %swap3A_285, %swap3A_286], %mul3A_281 {strides = array<i32>} : memref<4x32x128xf32, #tpu.memory_space<vmem>>, vector<16xf32>,
        %add3A_288 = arith.constant 1 : i32
        %add3A_289 = vector.broadcast %add3A_288 : i32 to vector<16xi32>
        %add3A_290 = arith.addi %add3A_279, %add3A_289 : vector<16xi32>
        %gather3A_291 = tpu.vector_load_idx %arg10[%add3A_134, %add3A_290] : memref<512x128xf32, #tpu.memory_space<vmem>>[vector<16xi32>, vector<16xi32>], vector<16xf32>,
        %mul3A_292 = arith.mulf %gather3A_291, %get3A_130 : vector<16xf32>
        %swap3A_293 = arith.constant 3 : i32
        %swap3A_294 = arith.constant 14 : i32
        %swap3A_295 = arith.index_cast %swap3A_293 : i32 to index
        %swap3A_296 = arith.index_cast %swap3A_294 : i32 to index
        %swap3A_297 = arith.index_cast %mul3A_127 : i32 to index
        %swap3A_298 = tpu.vector_load %arg11[%swap3A_295, %swap3A_296, %swap3A_297] {strides = array<i32>} : memref<4x32x128xf32, #tpu.memory_space<vmem>>, vector<16xf32>,
        tpu.vector_store %arg11[%swap3A_295, %swap3A_296, %swap3A_297], %mul3A_292 {strides = array<i32>} : memref<4x32x128xf32, #tpu.memory_space<vmem>>, vector<16xf32>,
        %add3A_299 = arith.constant 1 : i32
        %add3A_300 = vector.broadcast %add3A_299 : i32 to vector<16xi32>
        %add3A_301 = arith.addi %add3A_290, %add3A_300 : vector<16xi32>
        %gather3A_302 = tpu.vector_load_idx %arg10[%add3A_134, %add3A_301] : memref<512x128xf32, #tpu.memory_space<vmem>>[vector<16xi32>, vector<16xi32>], vector<16xf32>,
        %mul3A_303 = arith.mulf %gather3A_302, %get3A_130 : vector<16xf32>
        %swap3A_304 = arith.constant 3 : i32
        %swap3A_305 = arith.constant 15 : i32
        %swap3A_306 = arith.index_cast %swap3A_304 : i32 to index
        %swap3A_307 = arith.index_cast %swap3A_305 : i32 to index
        %swap3A_308 = arith.index_cast %mul3A_127 : i32 to index
        %swap3A_309 = tpu.vector_load %arg11[%swap3A_306, %swap3A_307, %swap3A_308] {strides = array<i32>} : memref<4x32x128xf32, #tpu.memory_space<vmem>>, vector<16xf32>,
        tpu.vector_store %arg11[%swap3A_306, %swap3A_307, %swap3A_308], %mul3A_303 {strides = array<i32>} : memref<4x32x128xf32, #tpu.memory_space<vmem>>, vector<16xf32>,
        %add3A_310 = arith.constant 1 : i32
        %add3A_311 = vector.broadcast %add3A_310 : i32 to vector<16xi32>
        %add3A_312 = arith.addi %add3A_301, %add3A_311 : vector<16xi32>
        %gather3A_313 = tpu.vector_load_idx %arg10[%add3A_134, %add3A_312] : memref<512x128xf32, #tpu.memory_space<vmem>>[vector<16xi32>, vector<16xi32>], vector<16xf32>,
        %mul3A_314 = arith.mulf %gather3A_313, %get3A_130 : vector<16xf32>
        %swap3A_315 = arith.constant 3 : i32
        %swap3A_316 = arith.constant 16 : i32
        %swap3A_317 = arith.index_cast %swap3A_315 : i32 to index
        %swap3A_318 = arith.index_cast %swap3A_316 : i32 to index
        %swap3A_319 = arith.index_cast %mul3A_127 : i32 to index
        %swap3A_320 = tpu.vector_load %arg11[%swap3A_317, %swap3A_318, %swap3A_319] {strides = array<i32>} : memref<4x32x128xf32, #tpu.memory_space<vmem>>, vector<16xf32>,
        tpu.vector_store %arg11[%swap3A_317, %swap3A_318, %swap3A_319], %mul3A_314 {strides = array<i32>} : memref<4x32x128xf32, #tpu.memory_space<vmem>>, vector<16xf32>,
        %add3A_321 = arith.constant 1 : i32
        %add3A_322 = vector.broadcast %add3A_321 : i32 to vector<16xi32>
        %add3A_323 = arith.addi %add3A_312, %add3A_322 : vector<16xi32>
        %gather3A_324 = tpu.vector_load_idx %arg10[%add3A_134, %add3A_323] : memref<512x128xf32, #tpu.memory_space<vmem>>[vector<16xi32>, vector<16xi32>], vector<16xf32>,
        %mul3A_325 = arith.mulf %gather3A_324, %get3A_130 : vector<16xf32>
        %swap3A_326 = arith.constant 3 : i32
        %swap3A_327 = arith.constant 17 : i32
        %swap3A_328 = arith.index_cast %swap3A_326 : i32 to index
        %swap3A_329 = arith.index_cast %swap3A_327 : i32 to index
        %swap3A_330 = arith.index_cast %mul3A_127 : i32 to index
        %swap3A_331 = tpu.vector_load %arg11[%swap3A_328, %swap3A_329, %swap3A_330] {strides = array<i32>} : memref<4x32x128xf32, #tpu.memory_space<vmem>>, vector<16xf32>,
        tpu.vector_store %arg11[%swap3A_328, %swap3A_329, %swap3A_330], %mul3A_325 {strides = array<i32>} : memref<4x32x128xf32, #tpu.memory_space<vmem>>, vector<16xf32>,
        %add3A_332 = arith.constant 1 : i32
        %add3A_333 = vector.broadcast %add3A_332 : i32 to vector<16xi32>
        %add3A_334 = arith.addi %add3A_323, %add3A_333 : vector<16xi32>
        %gather3A_335 = tpu.vector_load_idx %arg10[%add3A_134, %add3A_334] : memref<512x128xf32, #tpu.memory_space<vmem>>[vector<16xi32>, vector<16xi32>], vector<16xf32>,
        %mul3A_336 = arith.mulf %gather3A_335, %get3A_130 : vector<16xf32>
        %swap3A_337 = arith.constant 3 : i32
        %swap3A_338 = arith.constant 18 : i32
        %swap3A_339 = arith.index_cast %swap3A_337 : i32 to index
        %swap3A_340 = arith.index_cast %swap3A_338 : i32 to index
        %swap3A_341 = arith.index_cast %mul3A_127 : i32 to index
        %swap3A_342 = tpu.vector_load %arg11[%swap3A_339, %swap3A_340, %swap3A_341] {strides = array<i32>} : memref<4x32x128xf32, #tpu.memory_space<vmem>>, vector<16xf32>,
        tpu.vector_store %arg11[%swap3A_339, %swap3A_340, %swap3A_341], %mul3A_336 {strides = array<i32>} : memref<4x32x128xf32, #tpu.memory_space<vmem>>, vector<16xf32>,
        %add3A_343 = arith.constant 1 : i32
        %add3A_344 = vector.broadcast %add3A_343 : i32 to vector<16xi32>
        %add3A_345 = arith.addi %add3A_334, %add3A_344 : vector<16xi32>
        %gather3A_346 = tpu.vector_load_idx %arg10[%add3A_134, %add3A_345] : memref<512x128xf32, #tpu.memory_space<vmem>>[vector<16xi32>, vector<16xi32>], vector<16xf32>,
        %mul3A_347 = arith.mulf %gather3A_346, %get3A_130 : vector<16xf32>
        %swap3A_348 = arith.constant 3 : i32
        %swap3A_349 = arith.constant 19 : i32
        %swap3A_350 = arith.index_cast %swap3A_348 : i32 to index
        %swap3A_351 = arith.index_cast %swap3A_349 : i32 to index
        %swap3A_352 = arith.index_cast %mul3A_127 : i32 to index
        %swap3A_353 = tpu.vector_load %arg11[%swap3A_350, %swap3A_351, %swap3A_352] {strides = array<i32>} : memref<4x32x128xf32, #tpu.memory_space<vmem>>, vector<16xf32>,
        tpu.vector_store %arg11[%swap3A_350, %swap3A_351, %swap3A_352], %mul3A_347 {strides = array<i32>} : memref<4x32x128xf32, #tpu.memory_space<vmem>>, vector<16xf32>,
        %add3A_354 = arith.constant 1 : i32
        %add3A_355 = vector.broadcast %add3A_354 : i32 to vector<16xi32>
        %add3A_356 = arith.addi %add3A_345, %add3A_355 : vector<16xi32>
        %gather3A_357 = tpu.vector_load_idx %arg10[%add3A_134, %add3A_356] : memref<512x128xf32, #tpu.memory_space<vmem>>[vector<16xi32>, vector<16xi32>], vector<16xf32>,
        %mul3A_358 = arith.mulf %gather3A_357, %get3A_130 : vector<16xf32>
        %swap3A_359 = arith.constant 3 : i32
        %swap3A_360 = arith.constant 20 : i32
        %swap3A_361 = arith.index_cast %swap3A_359 : i32 to index
        %swap3A_362 = arith.index_cast %swap3A_360 : i32 to index
        %swap3A_363 = arith.index_cast %mul3A_127 : i32 to index
        %swap3A_364 = tpu.vector_load %arg11[%swap3A_361, %swap3A_362, %swap3A_363] {strides = array<i32>} : memref<4x32x128xf32, #tpu.memory_space<vmem>>, vector<16xf32>,
        tpu.vector_store %arg11[%swap3A_361, %swap3A_362, %swap3A_363], %mul3A_358 {strides = array<i32>} : memref<4x32x128xf32, #tpu.memory_space<vmem>>, vector<16xf32>,
        %add3A_365 = arith.constant 1 : i32
        %add3A_366 = vector.broadcast %add3A_365 : i32 to vector<16xi32>
        %add3A_367 = arith.addi %add3A_356, %add3A_366 : vector<16xi32>
        %gather3A_368 = tpu.vector_load_idx %arg10[%add3A_134, %add3A_367] : memref<512x128xf32, #tpu.memory_space<vmem>>[vector<16xi32>, vector<16xi32>], vector<16xf32>,
        %mul3A_369 = arith.mulf %gather3A_368, %get3A_130 : vector<16xf32>
        %swap3A_370 = arith.constant 3 : i32
        %swap3A_371 = arith.constant 21 : i32
        %swap3A_372 = arith.index_cast %swap3A_370 : i32 to index
        %swap3A_373 = arith.index_cast %swap3A_371 : i32 to index
        %swap3A_374 = arith.index_cast %mul3A_127 : i32 to index
        %swap3A_375 = tpu.vector_load %arg11[%swap3A_372, %swap3A_373, %swap3A_374] {strides = array<i32>} : memref<4x32x128xf32, #tpu.memory_space<vmem>>, vector<16xf32>,
        tpu.vector_store %arg11[%swap3A_372, %swap3A_373, %swap3A_374], %mul3A_369 {strides = array<i32>} : memref<4x32x128xf32, #tpu.memory_space<vmem>>, vector<16xf32>,
        %add3A_376 = arith.constant 1 : i32
        %add3A_377 = vector.broadcast %add3A_376 : i32 to vector<16xi32>
        %add3A_378 = arith.addi %add3A_367, %add3A_377 : vector<16xi32>
        %gather3A_379 = tpu.vector_load_idx %arg10[%add3A_134, %add3A_378] : memref<512x128xf32, #tpu.memory_space<vmem>>[vector<16xi32>, vector<16xi32>], vector<16xf32>,
        %mul3A_380 = arith.mulf %gather3A_379, %get3A_130 : vector<16xf32>
        %swap3A_381 = arith.constant 3 : i32
        %swap3A_382 = arith.constant 22 : i32
        %swap3A_383 = arith.index_cast %swap3A_381 : i32 to index
        %swap3A_384 = arith.index_cast %swap3A_382 : i32 to index
        %swap3A_385 = arith.index_cast %mul3A_127 : i32 to index
        %swap3A_386 = tpu.vector_load %arg11[%swap3A_383, %swap3A_384, %swap3A_385] {strides = array<i32>} : memref<4x32x128xf32, #tpu.memory_space<vmem>>, vector<16xf32>,
        tpu.vector_store %arg11[%swap3A_383, %swap3A_384, %swap3A_385], %mul3A_380 {strides = array<i32>} : memref<4x32x128xf32, #tpu.memory_space<vmem>>, vector<16xf32>,
        %add3A_387 = arith.constant 1 : i32
        %add3A_388 = vector.broadcast %add3A_387 : i32 to vector<16xi32>
        %add3A_389 = arith.addi %add3A_378, %add3A_388 : vector<16xi32>
        %gather3A_390 = tpu.vector_load_idx %arg10[%add3A_134, %add3A_389] : memref<512x128xf32, #tpu.memory_space<vmem>>[vector<16xi32>, vector<16xi32>], vector<16xf32>,
        %mul3A_391 = arith.mulf %gather3A_390, %get3A_130 : vector<16xf32>
        %swap3A_392 = arith.constant 3 : i32
        %swap3A_393 = arith.constant 23 : i32
        %swap3A_394 = arith.index_cast %swap3A_392 : i32 to index
        %swap3A_395 = arith.index_cast %swap3A_393 : i32 to index
        %swap3A_396 = arith.index_cast %mul3A_127 : i32 to index
        %swap3A_397 = tpu.vector_load %arg11[%swap3A_394, %swap3A_395, %swap3A_396] {strides = array<i32>} : memref<4x32x128xf32, #tpu.memory_space<vmem>>, vector<16xf32>,
        tpu.vector_store %arg11[%swap3A_394, %swap3A_395, %swap3A_396], %mul3A_391 {strides = array<i32>} : memref<4x32x128xf32, #tpu.memory_space<vmem>>, vector<16xf32>,
        %add3A_398 = arith.constant 1 : i32
        %add3A_399 = vector.broadcast %add3A_398 : i32 to vector<16xi32>
        %add3A_400 = arith.addi %add3A_389, %add3A_399 : vector<16xi32>
        %gather3A_401 = tpu.vector_load_idx %arg10[%add3A_134, %add3A_400] : memref<512x128xf32, #tpu.memory_space<vmem>>[vector<16xi32>, vector<16xi32>], vector<16xf32>,
        %mul3A_402 = arith.mulf %gather3A_401, %get3A_130 : vector<16xf32>
        %swap3A_403 = arith.constant 3 : i32
        %swap3A_404 = arith.constant 24 : i32
        %swap3A_405 = arith.index_cast %swap3A_403 : i32 to index
        %swap3A_406 = arith.index_cast %swap3A_404 : i32 to index
        %swap3A_407 = arith.index_cast %mul3A_127 : i32 to index
        %swap3A_408 = tpu.vector_load %arg11[%swap3A_405, %swap3A_406, %swap3A_407] {strides = array<i32>} : memref<4x32x128xf32, #tpu.memory_space<vmem>>, vector<16xf32>,
        tpu.vector_store %arg11[%swap3A_405, %swap3A_406, %swap3A_407], %mul3A_402 {strides = array<i32>} : memref<4x32x128xf32, #tpu.memory_space<vmem>>, vector<16xf32>,
        %add3A_409 = arith.constant 1 : i32
        %add3A_410 = vector.broadcast %add3A_409 : i32 to vector<16xi32>
        %add3A_411 = arith.addi %add3A_400, %add3A_410 : vector<16xi32>
        %gather3A_412 = tpu.vector_load_idx %arg10[%add3A_134, %add3A_411] : memref<512x128xf32, #tpu.memory_space<vmem>>[vector<16xi32>, vector<16xi32>], vector<16xf32>,
        %mul3A_413 = arith.mulf %gather3A_412, %get3A_130 : vector<16xf32>
        %swap3A_414 = arith.constant 3 : i32
        %swap3A_415 = arith.constant 25 : i32
        %swap3A_416 = arith.index_cast %swap3A_414 : i32 to index
        %swap3A_417 = arith.index_cast %swap3A_415 : i32 to index
        %swap3A_418 = arith.index_cast %mul3A_127 : i32 to index
        %swap3A_419 = tpu.vector_load %arg11[%swap3A_416, %swap3A_417, %swap3A_418] {strides = array<i32>} : memref<4x32x128xf32, #tpu.memory_space<vmem>>, vector<16xf32>,
        tpu.vector_store %arg11[%swap3A_416, %swap3A_417, %swap3A_418], %mul3A_413 {strides = array<i32>} : memref<4x32x128xf32, #tpu.memory_space<vmem>>, vector<16xf32>,
        %add3A_420 = arith.constant 1 : i32
        %add3A_421 = vector.broadcast %add3A_420 : i32 to vector<16xi32>
        %add3A_422 = arith.addi %add3A_411, %add3A_421 : vector<16xi32>
        %gather3A_423 = tpu.vector_load_idx %arg10[%add3A_134, %add3A_422] : memref<512x128xf32, #tpu.memory_space<vmem>>[vector<16xi32>, vector<16xi32>], vector<16xf32>,
        %mul3A_424 = arith.mulf %gather3A_423, %get3A_130 : vector<16xf32>
        %swap3A_425 = arith.constant 3 : i32
        %swap3A_426 = arith.constant 26 : i32
        %swap3A_427 = arith.index_cast %swap3A_425 : i32 to index
        %swap3A_428 = arith.index_cast %swap3A_426 : i32 to index
        %swap3A_429 = arith.index_cast %mul3A_127 : i32 to index
        %swap3A_430 = tpu.vector_load %arg11[%swap3A_427, %swap3A_428, %swap3A_429] {strides = array<i32>} : memref<4x32x128xf32, #tpu.memory_space<vmem>>, vector<16xf32>,
        tpu.vector_store %arg11[%swap3A_427, %swap3A_428, %swap3A_429], %mul3A_424 {strides = array<i32>} : memref<4x32x128xf32, #tpu.memory_space<vmem>>, vector<16xf32>,
        %add3A_431 = arith.constant 1 : i32
        %add3A_432 = vector.broadcast %add3A_431 : i32 to vector<16xi32>
        %add3A_433 = arith.addi %add3A_422, %add3A_432 : vector<16xi32>
        %gather3A_434 = tpu.vector_load_idx %arg10[%add3A_134, %add3A_433] : memref<512x128xf32, #tpu.memory_space<vmem>>[vector<16xi32>, vector<16xi32>], vector<16xf32>,
        %mul3A_435 = arith.mulf %gather3A_434, %get3A_130 : vector<16xf32>
        %swap3A_436 = arith.constant 3 : i32
        %swap3A_437 = arith.constant 27 : i32
        %swap3A_438 = arith.index_cast %swap3A_436 : i32 to index
        %swap3A_439 = arith.index_cast %swap3A_437 : i32 to index
        %swap3A_440 = arith.index_cast %mul3A_127 : i32 to index
        %swap3A_441 = tpu.vector_load %arg11[%swap3A_438, %swap3A_439, %swap3A_440] {strides = array<i32>} : memref<4x32x128xf32, #tpu.memory_space<vmem>>, vector<16xf32>,
        tpu.vector_store %arg11[%swap3A_438, %swap3A_439, %swap3A_440], %mul3A_435 {strides = array<i32>} : memref<4x32x128xf32, #tpu.memory_space<vmem>>, vector<16xf32>,
        %add3A_442 = arith.constant 1 : i32
        %add3A_443 = vector.broadcast %add3A_442 : i32 to vector<16xi32>
        %add3A_444 = arith.addi %add3A_433, %add3A_443 : vector<16xi32>
        %gather3A_445 = tpu.vector_load_idx %arg10[%add3A_134, %add3A_444] : memref<512x128xf32, #tpu.memory_space<vmem>>[vector<16xi32>, vector<16xi32>], vector<16xf32>,
        %mul3A_446 = arith.mulf %gather3A_445, %get3A_130 : vector<16xf32>
        %swap3A_447 = arith.constant 3 : i32
        %swap3A_448 = arith.constant 28 : i32
        %swap3A_449 = arith.index_cast %swap3A_447 : i32 to index
        %swap3A_450 = arith.index_cast %swap3A_448 : i32 to index
        %swap3A_451 = arith.index_cast %mul3A_127 : i32 to index
        %swap3A_452 = tpu.vector_load %arg11[%swap3A_449, %swap3A_450, %swap3A_451] {strides = array<i32>} : memref<4x32x128xf32, #tpu.memory_space<vmem>>, vector<16xf32>,
        tpu.vector_store %arg11[%swap3A_449, %swap3A_450, %swap3A_451], %mul3A_446 {strides = array<i32>} : memref<4x32x128xf32, #tpu.memory_space<vmem>>, vector<16xf32>,
        %add3A_453 = arith.constant 1 : i32
        %add3A_454 = vector.broadcast %add3A_453 : i32 to vector<16xi32>
        %add3A_455 = arith.addi %add3A_444, %add3A_454 : vector<16xi32>
        %gather3A_456 = tpu.vector_load_idx %arg10[%add3A_134, %add3A_455] : memref<512x128xf32, #tpu.memory_space<vmem>>[vector<16xi32>, vector<16xi32>], vector<16xf32>,
        %mul3A_457 = arith.mulf %gather3A_456, %get3A_130 : vector<16xf32>
        %swap3A_458 = arith.constant 3 : i32
        %swap3A_459 = arith.constant 29 : i32
        %swap3A_460 = arith.index_cast %swap3A_458 : i32 to index
        %swap3A_461 = arith.index_cast %swap3A_459 : i32 to index
        %swap3A_462 = arith.index_cast %mul3A_127 : i32 to index
        %swap3A_463 = tpu.vector_load %arg11[%swap3A_460, %swap3A_461, %swap3A_462] {strides = array<i32>} : memref<4x32x128xf32, #tpu.memory_space<vmem>>, vector<16xf32>,
        tpu.vector_store %arg11[%swap3A_460, %swap3A_461, %swap3A_462], %mul3A_457 {strides = array<i32>} : memref<4x32x128xf32, #tpu.memory_space<vmem>>, vector<16xf32>,
        %add3A_464 = arith.constant 1 : i32
        %add3A_465 = vector.broadcast %add3A_464 : i32 to vector<16xi32>
        %add3A_466 = arith.addi %add3A_455, %add3A_465 : vector<16xi32>
        %gather3A_467 = tpu.vector_load_idx %arg10[%add3A_134, %add3A_466] : memref<512x128xf32, #tpu.memory_space<vmem>>[vector<16xi32>, vector<16xi32>], vector<16xf32>,
        %mul3A_468 = arith.mulf %gather3A_467, %get3A_130 : vector<16xf32>
        %swap3A_469 = arith.constant 3 : i32
        %swap3A_470 = arith.constant 30 : i32
        %swap3A_471 = arith.index_cast %swap3A_469 : i32 to index
        %swap3A_472 = arith.index_cast %swap3A_470 : i32 to index
        %swap3A_473 = arith.index_cast %mul3A_127 : i32 to index
        %swap3A_474 = tpu.vector_load %arg11[%swap3A_471, %swap3A_472, %swap3A_473] {strides = array<i32>} : memref<4x32x128xf32, #tpu.memory_space<vmem>>, vector<16xf32>,
        tpu.vector_store %arg11[%swap3A_471, %swap3A_472, %swap3A_473], %mul3A_468 {strides = array<i32>} : memref<4x32x128xf32, #tpu.memory_space<vmem>>, vector<16xf32>,
        %add3A_475 = arith.constant 1 : i32
        %add3A_476 = vector.broadcast %add3A_475 : i32 to vector<16xi32>
        %add3A_477 = arith.addi %add3A_466, %add3A_476 : vector<16xi32>
        %gather3A_478 = tpu.vector_load_idx %arg10[%add3A_134, %add3A_477] : memref<512x128xf32, #tpu.memory_space<vmem>>[vector<16xi32>, vector<16xi32>], vector<16xf32>,
        %mul3A_479 = arith.mulf %gather3A_478, %get3A_130 : vector<16xf32>
        %swap3A_480 = arith.constant 3 : i32
        %swap3A_481 = arith.constant 31 : i32
        %swap3A_482 = arith.index_cast %swap3A_480 : i32 to index
        %swap3A_483 = arith.index_cast %swap3A_481 : i32 to index
        %swap3A_484 = arith.index_cast %mul3A_127 : i32 to index
        %swap3A_485 = tpu.vector_load %arg11[%swap3A_482, %swap3A_483, %swap3A_484] {strides = array<i32>} : memref<4x32x128xf32, #tpu.memory_space<vmem>>, vector<16xf32>,
        tpu.vector_store %arg11[%swap3A_482, %swap3A_483, %swap3A_484], %mul3A_479 {strides = array<i32>} : memref<4x32x128xf32, #tpu.memory_space<vmem>>, vector<16xf32>,
      }
      %scan3A_120 = arith.constant 8 : i32
      %dma_start3A_121 = arith.constant 0 : i32
      %dma_start3A_122 = tpu.memref_slice %arg6[%mul3A_15, %dma_start3A_121, %mul3A_2] : memref<200x32x4096xf32, #tpu.memory_space<hbm>> -> memref<4x32x128xf32, #tpu.memory_space<hbm>>
      %dma_start3A_123 = arith.constant 0 : i32
      %dma_start3A_124 = tpu.memref_slice %arg6[%mul3A_15, %dma_start3A_123, %mul3A_2] : memref<200x32x4096xf32, #tpu.memory_space<hbm>> -> memref<4x32x128xf32, #tpu.memory_space<hbm>>
      tpu.enqueue_dma source(%arg11 : memref<4x32x128xf32, #tpu.memory_space<vmem>>) target(%dma_start3A_124 : memref<4x32x128xf32, #tpu.memory_space<hbm>>) target_semaphore(%arg16 : memref<!tpu.dma_semaphore, #tpu.memory_space<semaphore_mem>>)
    }
    %scan3A_7 = arith.constant 50 : i32
    %dma_wait3A = arith.constant 0 : i32
    %dma_wait3A_8 = arith.constant 0 : i32
    %dma_wait3A_9 = tpu.memref_slice %arg6[%dma_wait3A, %dma_wait3A_8, %mul3A_2] : memref<200x32x4096xf32, #tpu.memory_space<hbm>> -> memref<4x32x128xf32, #tpu.memory_space<hbm>>
    %dma_wait3A_10 = arith.constant 0 : i32
    %dma_wait3A_11 = arith.constant 0 : i32
    %dma_wait3A_12 = tpu.memref_slice %arg6[%dma_wait3A_10, %dma_wait3A_11, %mul3A_2] : memref<200x32x4096xf32, #tpu.memory_space<hbm>> -> memref<4x32x128xf32, #tpu.memory_space<hbm>>
    tpu.wait_dma2 semaphore(%arg16 : memref<!tpu.dma_semaphore, #tpu.memory_space<semaphore_mem>>) src(%arg11 : memref<4x32x128xf32, #tpu.memory_space<vmem>>) dst(%dma_wait3A_12 : memref<4x32x128xf32, #tpu.memory_space<hbm>>)
    return
  }
}

</mosaic_0001>

<sc_bundles>
// kernel: kernel.3.cloned.1.call-start
scs
__scs_entry_jumppad:
0x0: {  	(pc) =	sbr.rel $0x88, $3  }
0x1: {  	(tag) =	ssettag $0x0;
	lr =	simm.s32 $0x1  }
0x2: {  	[smem:$0x3F9E] =	sst lr;
	_ =	strace $0xD0000000  }
0x3: {  	_ = 	snop  }
0x4: {  	_ = 	snop  }
0x5: {  	_ = 	snop  }
0x6: {  	_ = 	snop  }
0x7: {  	_ = 	snop  }
__scs_overlays_trampoline_lowered:
0x8: {  	[smem:$0x3FAD] =	sst s0  }
0x9: {  	[smem:$0x3FAE] =	sst s1  }
0xa: {  	[smem:$0x3FAF] =	sst s2  }
0xb: {  	[smem:$0x3FB0] =	sst s3  }
0xc: {  	[smem:$0x3FB1] =	sst s4  }
0xd: {  	[smem:$0x3FB2] =	sst s5  }
0xe: {  	[smem:$0x3FB3] =	sst s6  }
0xf: {  	[smem:$0x3FB4] =	sst s7  }
0x10: {  	[smem:$0x3FB5] =	sst s8  }
0x11: {  	[smem:$0x3FB6] =	sst s9;
	s0 =	simm.s32 @!p0 $0x0  }
0x12: {  	s1 =	sld [smem:$0x3F9C];
	s0 =	simm.s32 @p0 $0x1  }
0x13: {  	[smem:$0x3FB7] =	sst s0;
	s0 =	simm.s32 @!p1 $0x0  }
0x14: {  	s2 =	sld [smem:$0x3F9B];
	s0 =	simm.s32 @p1 $0x1  }
0x15: {  	[smem:$0x3FB8] =	sst s0;
	s0 =	simm.s32 @!p2 $0x0  }
0x16: {  	s3 =	sld [smem:$0x3FDB];
	s0 =	simm.s32 @p2 $0x1  }
0x17: {  	s4 =	simm.s32 $0x1BF5;
	[smem:$0x3FBA] =	sst s0  }
0x18: {  	s0 =	sld [smem:$0x3F9D];
	_ =	swait.ge [sflag:s4], $0x0  }
0x19: {  	s7 =	sld [smem:$0x3F9E]  }
0x1a: {  	s8 =	sadd.s32 $0xFFFFE003, lr  }
0x1b: {  	s9 =	sadd.s32 $0xFFFFFEF7, lr;
	s5 =	simm.s32 $0xFFFFFFFF;
	p2 =	slt.u32 s8, $0xFFFFF086  }
0x1c: {  	p1 =	slt.u32 s9, $0xF7A;
	s5 =	simm.s32 @!p2 $0x0  }
0x1d: {  	s5 =	simm.s32 @p1 $0x1;
	p0 =	seq.s32 s7, s2  }
0x1e: {  	s7 =	smul.u32 @!p0 $0xF7A, s2;
	p2 =	seq.s32 @!p0 s5, $0x0  }
0x1f: {  	s9 =	smul.u32 $0xF7A, s1;
	s8 =	simm.s32 @!p0 $0x1BF5;
	p2 =	por !p2, p0  }
0x20: {  	[sflag:s8] =	ssyncset.s32 @!p0 $0xFFFFF086;
	s6 =	sadd.s32 @!p0 s3, s7;
	s7 =	simm.s32 @!p0 $0x108  }
0x21: {  	s3 =	sadd.s32 s3, s9;
	s6 =	sadd.s32 @!p0 $0x88, s6;
	s7 =	simm.s32 @p2 $0x1082  }
0x22: {  	[simem:s7], [sflag:s8] =	dma.local @!p0 [hbm:s6], $0xF7A  }
0x23: {  	s9 =	sor.u32 $0xD0000000, s2;
	s6 =	simm.s32 $0x108;
	_ =	swait.ge @!p0 [sflag:s8], $0x0  }
0x24: {  	s3 =	sadd.s32 $0x88, s3;
	s6 =	simm.s32 @!p1 $0x1082;
	[sflag:s4] =	ssyncset.s32 $0xFFFFF086  }
0x25: {  	[simem:s6], [sflag:s4] =	dma.local [hbm:s3], $0xF7A  }
0x26: {  	[smem:$0x3F9E] =	sst s1;
	(tag) =	ssettag s2;
	_ =	strace s9  }
0x27: {  	s1 =	sld [smem:$0x3FAE]  }
0x28: {  	s2 =	sld [smem:$0x3FAF]  }
0x29: {  	s4 =	sld [smem:$0x3FB1]  }
0x2a: {  	p0 =	seq.s32 s5, $0x0;
	s5 =	sld [smem:$0x3FB2]  }
0x2b: {  	s6 =	sld [smem:$0x3FB3]  }
0x2c: {  	s7 =	sld [smem:$0x3FB4]  }
0x2d: {  	s3 =	simm.s32 $0x108;
	s8 =	sld [smem:$0x3FB5]  }
0x2e: {  	s3 =	simm.s32 @!p0 $0x1082;
	s9 =	sld [smem:$0x3FB6]  }
0x2f: {  	lr =	sadd.s32 s0, s3;
	s0 =	sld [smem:$0x3FAD]  }
0x30: {  	s3 =	sld [smem:$0x3FB0]  }
0x31: {  	[smem:$0x3FB9] =	sst s10  }
0x32: {  	s10 =	sld [smem:$0x3FB7];
	_ =	sdelay $0x3  }
0x33: {  	p0 =	seq.s32 s10, $0x1;
	s10 =	sld [smem:$0x3FB9];
	_ =	sdelay $0x3  }
0x34: {  	[smem:$0x3FB9] =	sst s10  }
0x35: {  	s10 =	sld [smem:$0x3FB8];
	_ =	sdelay $0x3  }
0x36: {  	p1 =	seq.s32 s10, $0x1;
	s10 =	sld [smem:$0x3FB9];
	_ =	sdelay $0x3  }
0x37: {  	[smem:$0x3FB9] =	sst s10  }
0x38: {  	s10 =	sld [smem:$0x3FBA]  }
0x39: {  	_ = 	snop;
	(pc) =	sbr.ind lr, $3  }
0x3a: {  	_ = 	snop  }
0x3b: {  	_ = 	snop  }
0x3c: {  	p2 =	seq.s32 s10, $0x1;
	s10 =	sld [smem:$0x3FB9]  }
0x3d: {  	_ =	shalt  }
0x3e: {  	_ =	shalt  }
0x3f: {  	_ =	shalt  }
0x40: {  	_ =	shalt  }
0x41: {  	_ =	shalt  }
0x42: {  	_ =	shalt  }
0x43: {  	_ =	shalt  }
0x44: {  	_ =	shalt  }
0x45: {  	_ =	shalt  }
0x46: {  	_ =	shalt  }
0x47: {  	_ =	shalt  }
0x48: {  	_ =	shalt  }
0x49: {  	_ =	shalt  }
0x4a: {  	_ =	shalt  }
0x4b: {  	_ =	shalt  }
0x4c: {  	_ =	shalt  }
0x4d: {  	_ =	shalt  }
0x4e: {  	_ =	shalt  }
0x4f: {  	_ =	shalt  }
0x50: {  	_ =	shalt  }
0x51: {  	_ =	shalt  }
0x52: {  	_ =	shalt  }
0x53: {  	_ =	shalt  }
0x54: {  	_ =	shalt  }
0x55: {  	_ =	shalt  }
0x56: {  	_ =	shalt  }
0x57: {  	_ =	shalt  }
0x58: {  	_ =	shalt  }
0x59: {  	_ =	shalt  }
0x5a: {  	_ =	shalt  }
0x5b: {  	_ =	shalt  }
0x5c: {  	_ =	shalt  }
0x5d: {  	_ =	shalt  }
0x5e: {  	_ =	shalt  }
0x5f: {  	_ =	shalt  }
0x60: {  	_ =	shalt  }
0x61: {  	_ =	shalt  }
0x62: {  	_ =	shalt  }
0x63: {  	_ =	shalt  }
0x64: {  	_ =	shalt  }
0x65: {  	_ =	shalt  }
0x66: {  	_ =	shalt  }
0x67: {  	_ =	shalt  }
0x68: {  	_ =	shalt  }
0x69: {  	_ =	shalt  }
0x6a: {  	_ =	shalt  }
0x6b: {  	_ =	shalt  }
0x6c: {  	_ =	shalt  }
0x6d: {  	_ =	shalt  }
0x6e: {  	_ =	shalt  }
0x6f: {  	_ =	shalt  }
0x70: {  	_ =	shalt  }
0x71: {  	_ =	shalt  }
0x72: {  	_ =	shalt  }
0x73: {  	_ =	shalt  }
0x74: {  	_ =	shalt  }
0x75: {  	_ =	shalt  }
0x76: {  	_ =	shalt  }
0x77: {  	_ =	shalt  }
0x78: {  	_ =	shalt  }
0x79: {  	_ =	shalt  }
0x7a: {  	_ =	shalt  }
0x7b: {  	_ =	shalt  }
0x7c: {  	_ =	shalt  }
0x7d: {  	_ =	shalt  }
0x7e: {  	_ =	shalt  }
0x7f: {  	_ =	shalt  }
0x80: {  	_ =	shalt  }
0x81: {  	_ =	shalt  }
0x82: {  	_ =	shalt  }
0x83: {  	_ =	shalt  }
0x84: {  	_ =	shalt  }
0x85: {  	_ =	shalt  }
0x86: {  	_ =	shalt  }
0x87: {  	_ =	shalt  }
.Lfunc_end0:
.L_simem_size_0:
called_computation_lowered:
.L_overlay_start_0:
0x88: {  	s2 =	sld [smem:$0x3FD9]  }
0x89: {  	s3 =	sld [smem:$0x3FFE];
	_ =	sdelay $0x1  }
0x8a: {  	s1 =	srdreg.scid  }
0x8b: {  	s0 =	sand.u32 $0x1, s1  }
0x8c: {  	s17 =	sshll.u32 s0, $0xA;
	s2 =	sadd.s32 s3, s2  }
0x8d: {  	s2 =	sadd.s32 s2, s17  }
0x8e: {  	[smem:$0x3FC5] =	sst s2  }
0x8f: {  	_ = 	snop  }
0x90: {  	s2 =	sld [smem:$0x3FC8]  }
0x91: {  	s18 =	sld [smem:$0x3FD0];
	(tm) =	ssettm $0x1  }
0x92: {  	s4 =	sld [smem:$0x3FFB];
	_ =	sdelay $0x3  }
0x93: {  	_ =	strace s4  }
0x94: {  	s4 =	sld [smem:$0x3FFC];
	_ =	sdelay $0x3  }
0x95: {  	_ =	strace s4  }
0x96: {  	s4 =	sld [smem:$0x3FFD];
	_ =	sdelay $0x3  }
0x97: {  	_ =	strace s4  }
0x98: {  	_ =	strace $0x8FFFFFFF  }
0x99: {  	s19 =	sld [smem:$0x3FDB];
	_ =	sdelay $0x1  }
0x9a: {  	s5 =	simm.s32 $_scs_section_size  }
0x9b: {  	s6 =	simm.s32 $_size__tile_overlayer_lowered;
	s7 =	simm.s32 $_tile_overlayer_lowered  }
0x9c: {  	s22 =	simm.s32 $0x1BFF;
	s21 =	sshll.u32 s7, $0x1;
	s4 =	sadd.s32 s5, s19  }
0x9d: {  	s8 =	simm.s32 $0x0;
	s20 =	sshll.u32 s6, $0x1;
	s6 =	sadd.s32 s21, s4  }
0x9e: {  	[timem:s8], [sflag:s22] =	dma.local [hbm:s6], s20  }
0x9f: {  	_ =	swait.ge [sflag:s22], s20  }
0xa0: {  	s5 =	ssub.s32 $0x0, s20;
	[sflag:s22] =	ssyncset.done $0x0  }
0xa1: {  	[sflag:s22] =	ssyncadd.s32 s5;
	_ =	sdelay $0x1  }
0xa2: {  	s23 =	simm.s32 $0x1B8B  }
0xa3: {  	_ =	swait.ge [sflag:s23], $0x1  }
0xa4: {  	[sflag:s23] =	ssyncset.done $0x0  }
0xa5: {  	s25 =	simm.s32 $0x1B8E;
	s24 =	sld [smem:$0x3FFE];
	[sflag:s23] =	ssyncadd.s32 $0xFFFFFFFF  }
0xa6: {  	s26 =	simm.s32 $execute0_lowered;
	[smem:$0x3FD2] =	sst s25  }
0xa7: {  	s6 =	sshll.u32 s26, $0x1;
	_ =	strace $0x80000046;
	[dreg:$0x1] =	wrdreg $0xFFFFFFFF  }
0xa8: {  	s28 =	simm.s32 $_size_execute0_lowered;
	s4 =	sadd.s32 s4, s6;
	[dreg:$0x0] =	wrdreg $0x0  }
0xa9: {  	s6 =	sshll.u32 s28, $0x1;
	[dreg:$0x2] =	wrdreg s4  }
0xaa: {  	[dreg:$0x3] =	wrdreg s6  }
0xab: {  	[dreg:$0x4] =	wrdreg $0xC0  }
0xac: {  	_ =	task [dreg:s8], $0x5FFFF  }
0xad: {  	[dreg:$0x1] =	wrdreg $0xFFFFFFFF  }
0xae: {  	[dreg:$0x0] =	wrdreg $0x60  }
0xaf: {  	[dreg:$0x2] =	wrdreg s24  }
0xb0: {  	[dreg:$0x3] =	wrdreg s2  }
0xb1: {  	[dreg:$0x4] =	wrdreg s18  }
0xb2: {  	[dreg:$0x5] =	wrdreg $0x9  }
0xb3: {  	_ =	task.clear_ibuf [dreg:s8], $0x6FFFF;
	_ =	strace $0x90000046  }
0xb4: {  	s29 =	simm.s32 $0x9;
	_ =	strace $0x80000048  }
0xb5: {  	_ =	swait.ge [sflag:s29], $0x1  }
0xb6: {  	[sflag:s29] =	ssyncadd.s32 $0xFFFFFFFF  }
0xb7: {  	_ =	strace $0x90000048  }
0xb8: {  	_ =	sfence  }
0xb9: {  	s30 =	sld [smem:$0x0];
	_ =	sdelay $0x2  }
0xba: {  	s31 =	sshll.u32 s1, $0xD;
	s1 =	sshrl.u32 s1, $0x2  }
0xbb: {  	s3 =	sand.u32 $0x4000, s31;
	s1 =	sadd.s32 s1, s30  }
0xbc: {  	s0 =	sor.u32 s3, s0;
	s1 =	sshll.u32 s1, $0x11  }
0xbd: {  	s0 =	sor.u32 s1, s0  }
0xbe: {  	s0 =	sadd.s32 $0x8F2B, s0  }
0xbf: {  	[sflag:s0] =	ssyncadd.remote.s32 $0x1  }
0xc0: {  	_ =	sfence.sel $0xFFFF  }
0xc1: {  	[dreg:$0x0] =	wrdreg $0xFFFFFFFF;
	(pc) =	sbr.abs _section_cstart, $3  }
0xc2: {  	[dreg:$0x1] =	wrdreg $0xFFFFFFFF  }
0xc3: {  	_ =	task.clear_ibuf [dreg:s8], $0x2FFFF;
	_ =	strace $0x9FFFFFFF  }
0xc4: {  	(tm) =	ssettm $0x7FFFFFFF  }
0xc5: {  	_ =	shalt  }
tec
execute0_lowered:
.L_overlay_start_1:
0x0: {  	(tag) =	ssettag $0x1  }
0x1: {  	s0 =	rddreg [dreg:$0x0]  }
0x2: {  	s1 =	rddreg [dreg:$0x1]  }
0x3: {  	s2 =	rddreg [dreg:$0x2];
	s3 =	simm.s32 $0x0;
	s4 =	srdreg.scid  }
0x4: {  	s10 =	stileid.u32;
	s11 =	simm.s32 $0x200;
	s12 =	simm.s32 $0x400  }
0x5: {  	s13 =	simm.s32 $0x80;
	s14 =	simm.s32 $0x600;
	s15 =	simm.s32 $0x4600  }
0x6: {  	s16 =	simm.s32 $0x100;
	s17 =	simm.s32 $0x8600;
	s18 =	simm.s32 $0x180  }
0x7: {  	s19 =	simm.s32 $0xC600;
	s20 =	simm.s32 $0x1;
	s21 =	simm.s32 $0x2  }
0x8: {  	s22 =	simm.s32 $0x3;
	s23 =	simm.s32 $0x4;
	s24 =	simm.s32 $0x8000  }
0x9: {  	s25 =	simm.s32 $0x10600;
	s26 =	simm.s32 $0x5;
	s4 =	sand.u32 $0x1, s4  }
0xa: {  	s28 =	simm.s32 $0x0;
	[smem:$0x7FF] =	sst s3;
	s7 =	ssub.s32 $0x2, s4  }
0xb: {  	s5 =	sadd.s32 $0x19600, s0;
	s6 =	sadd.s32 $0x600, s0;
	s8 =	sshrl.u32 s7, $0x1  }
0xc: {  	s30 =	sshll.u32 s10, $0xB;
	s10 =	simm.s32 $0x6;
	s9 =	ssub.s32 s7, s8  }
0xd: {  	v0 =	vlaneseq.u32;
	_ =	strace $0x80000047;
	s4 =	sshll.u32 s4, $0xA;
	s31 =	smax.u32 s9, $0x1  }
0xe: {  	v0 =	vmul.u32 $0x80, v0;
	s7 =	sadd.s32 $0xF74A00, s0;
	s8 =	sor.u32 s4, s30;
	[dreg:$0x4] =	wrdreg s31  }
.LBB2_1:
0xf: {  	s29 =	simm.s32 $0x0  }
.LBB2_2:
0x10: {  	s0 =	sshll.u32 s29, $0x9;
	s4 =	sshll.u32 s29, $0xE  }
0x11: {  	s0 =	sand.u32 $0x200, s0;
	s4 =	sand.u32 $0xF8000, s4  }
0x12: {  	s0 =	sor.u32 s4, s0  }
0x13: {  	s0 =	sor.u32 s8, s0  }
0x14: {  	s0 =	sshrl.u32 s0, $0x3  }
0x15: {  	s9 =	sadd.s32 s5, s0  }
0x16: {  	[tilespmem:s3], [sflag:$0x6] =	stream.linear.gather [hbm4b:s9+s3], $0x200, $0x38;
	[tilespmem:$0x14600] =	vst v63  }
0x17: {  	_ =	swait.ge [sflag:s10], $0x200  }
0x18: {  	[sflag:s10] =	ssyncset.done $0x0  }
0x19: {  	s9 =	sadd.s32 s6, s0;
	[sflag:s10] =	ssyncadd.s32 $0xFFFFFE00  }
0x1a: {  	[tilespmem:s11], [sflag:$0x6] =	stream.linear.gather [hbm4b:s9+s3], $0x200, $0x38;
	[tilespmem:$0x14600] =	vst v63  }
0x1b: {  	_ =	swait.ge [sflag:s10], $0x200  }
0x1c: {  	[sflag:s10] =	ssyncset.done $0x0  }
0x1d: {  	s0 =	sadd.s32 s1, s0;
	[sflag:s10] =	ssyncadd.s32 $0xFFFFFE00  }
0x1e: {  	[tilespmem:s12], [sflag:$0x6] =	stream.linear.gather [hbm4b:s0+s3], $0x200, $0x38;
	[tilespmem:$0x14600] =	vst v63  }
0x1f: {  	_ =	swait.ge [sflag:s10], $0x200  }
0x20: {  	[sflag:s10] =	ssyncset.done $0x0  }
0x21: {  	[sflag:s10] =	ssyncadd.s32 $0xFFFFFE00  }
0x22: {  	[tilespmem:s14], [sflag:$0x1] =	stream.indirect.gather [hbm4b:s7+s13], $0x80, s3, s13, $0xb8;
	[tilespmem:$0x14600] =	vst v63  }
0x23: {  	_ = 	snop  }
0x24: {  	[tilespmem:s15], [sflag:$0x2] =	stream.indirect.gather [hbm4b:s7+s13], $0x80, s13, s13, $0xb8;
	[tilespmem:$0x14600] =	vst v63  }
0x25: {  	p0 =	seq.s32 s29, $0x0  }
0x26: {  	[tilespmem:s17], [sflag:$0x3] =	stream.indirect.gather [hbm4b:s7+s13], $0x80, s16, s13, $0xb8;
	[tilespmem:$0x14600] =	vst v63  }
0x27: {  	s0 =	simm.s32 @!p0 $0x5  }
0x28: {  	[tilespmem:s19], [sflag:$0x4] =	stream.indirect.gather [hbm4b:s7+s13], $0x80, s18, s13, $0xb8;
	[tilespmem:$0x14600] =	vst v63  }
0x29: {  	_ =	swait.ge @!p0 [sflag:s0], $0x4000  }
0x2a: {  	[sflag:s0] =	ssyncset.done @!p0 $0x0  }
0x2b: {  	[sflag:s0] =	ssyncadd.s32 @!p0 $0xFFFFC000  }
0x2c: {  	_ =	swait.ge [sflag:s20], $0x4000  }
0x2d: {  	[sflag:s20] =	ssyncset.done $0x0  }
0x2e: {  	s30 =	simm.s32 $0x200;
	[sflag:s20] =	ssyncadd.s32 $0xFFFFC000  }
0x2f: {  	v1 =	vld [tilespmem:s30+$0x0];
	_ =	sdelay $0x1  }
0x30: {  	s9 =	simm.s32 $0x0  }
0x31: {  	v2 =	vmov s9  }
0x32: {  	v2 =	vshll.u32 v2, $0x7  }
0x33: {  	v2 =	vor.u32 v0, v2;
	v3 =	vand.u32 $0xFFFFFF80, v1  }
0x34: {  	v4 =	vand.u32 $0x7F, v1;
	v3 =	vadd.s32 v2, v3  }
0x35: {  	v3 =	vor.u32 v4, v3;
	_ =	sdelay $0x4  }
0x36: {  	s31 =	simm.s32 $0x400;
	v4 =	vld.idx.msk [tilespmem:v3+s14+$0x0], $0xffff  }
0x37: {  	v5 =	vadd.s32 $0x1, v1;
	v3 =	vld [tilespmem:s31+$0x0]  }
0x38: {  	v6 =	vand.u32 $0xFFFFFF80, v5  }
0x39: {  	v5 =	vand.u32 $0x7F, v5;
	v6 =	vadd.s32 v2, v6  }
0x3a: {  	v5 =	vor.u32 v5, v6;
	_ =	sdelay $0x1  }
0x3b: {  	v4 =	vmul.f32 v4, v3  }
0x3c: {  	s0 =	simm.s32 $0x10E00  }
0x3d: {  	[tilespmem:s0+$0xFFFFF800] =	vst v4  }
0x3e: {  	v60 =	vadd.s32 $0x2, v1;
	v5 =	vld.idx.msk [tilespmem:v5+s14+$0x0], $0xffff  }
0x3f: {  	v61 =	vand.u32 $0xFFFFFF80, v60  }
0x40: {  	v6 =	vadd.s32 v2, v61;
	v4 =	vand.u32 $0x7F, v60  }
0x41: {  	v4 =	vor.u32 v4, v6;
	_ =	sdelay $0x1  }
0x42: {  	v5 =	vmul.f32 v5, v3;
	_ =	sdelay $0x1  }
0x43: {  	[tilespmem:s0+$0xFFFFF880] =	vst v5  }
0x44: {  	v62 =	vadd.s32 $0x3, v1;
	v4 =	vld.idx.msk [tilespmem:v4+s14+$0x0], $0xffff  }
0x45: {  	v63 =	vand.u32 $0xFFFFFF80, v62  }
0x46: {  	v6 =	vadd.s32 v2, v63;
	v5 =	vand.u32 $0x7F, v62  }
0x47: {  	v5 =	vor.u32 v5, v6;
	_ =	sdelay $0x1  }
0x48: {  	v4 =	vmul.f32 v4, v3;
	_ =	sdelay $0x1  }
0x49: {  	[tilespmem:s0+$0xFFFFF900] =	vst v4  }
0x4a: {  	v9 =	vadd.s32 $0x4, v1;
	v5 =	vld.idx.msk [tilespmem:v5+s14+$0x0], $0xffff  }
0x4b: {  	v10 =	vand.u32 $0xFFFFFF80, v9  }
0x4c: {  	v6 =	vadd.s32 v2, v10;
	v4 =	vand.u32 $0x7F, v9  }
0x4d: {  	v4 =	vor.u32 v4, v6;
	_ =	sdelay $0x1  }
0x4e: {  	v5 =	vmul.f32 v5, v3;
	_ =	sdelay $0x1  }
0x4f: {  	[tilespmem:s0+$0xFFFFF980] =	vst v5  }
0x50: {  	v11 =	vadd.s32 $0x5, v1;
	v4 =	vld.idx.msk [tilespmem:v4+s14+$0x0], $0xffff  }
0x51: {  	v12 =	vand.u32 $0xFFFFFF80, v11  }
0x52: {  	v6 =	vadd.s32 v2, v12;
	v5 =	vand.u32 $0x7F, v11  }
0x53: {  	v5 =	vor.u32 v5, v6;
	_ =	sdelay $0x1  }
0x54: {  	v4 =	vmul.f32 v4, v3;
	_ =	sdelay $0x1  }
0x55: {  	[tilespmem:s0+$0xFFFFFA00] =	vst v4  }
0x56: {  	v13 =	vadd.s32 $0x6, v1;
	v5 =	vld.idx.msk [tilespmem:v5+s14+$0x0], $0xffff  }
0x57: {  	v14 =	vand.u32 $0xFFFFFF80, v13  }
0x58: {  	v6 =	vadd.s32 v2, v14;
	v4 =	vand.u32 $0x7F, v13  }
0x59: {  	v4 =	vor.u32 v4, v6;
	_ =	sdelay $0x1  }
0x5a: {  	v5 =	vmul.f32 v5, v3;
	_ =	sdelay $0x1  }
0x5b: {  	[tilespmem:s0+$0xFFFFFA80] =	vst v5  }
0x5c: {  	v15 =	vadd.s32 $0x7, v1;
	v4 =	vld.idx.msk [tilespmem:v4+s14+$0x0], $0xffff  }
0x5d: {  	v16 =	vand.u32 $0xFFFFFF80, v15  }
0x5e: {  	v6 =	vadd.s32 v2, v16;
	v5 =	vand.u32 $0x7F, v15  }
0x5f: {  	v5 =	vor.u32 v5, v6;
	_ =	sdelay $0x1  }
0x60: {  	v4 =	vmul.f32 v4, v3;
	_ =	sdelay $0x1  }
0x61: {  	[tilespmem:s0+$0xFFFFFB00] =	vst v4  }
0x62: {  	v17 =	vadd.s32 $0x8, v1;
	v5 =	vld.idx.msk [tilespmem:v5+s14+$0x0], $0xffff  }
0x63: {  	v18 =	vand.u32 $0xFFFFFF80, v17  }
0x64: {  	v6 =	vadd.s32 v2, v18;
	v4 =	vand.u32 $0x7F, v17  }
0x65: {  	v4 =	vor.u32 v4, v6;
	_ =	sdelay $0x1  }
0x66: {  	v5 =	vmul.f32 v5, v3;
	_ =	sdelay $0x1  }
0x67: {  	[tilespmem:s0+$0xFFFFFB80] =	vst v5  }
0x68: {  	v19 =	vadd.s32 $0x9, v1;
	v4 =	vld.idx.msk [tilespmem:v4+s14+$0x0], $0xffff  }
0x69: {  	v20 =	vand.u32 $0xFFFFFF80, v19  }
0x6a: {  	v6 =	vadd.s32 v2, v20;
	v5 =	vand.u32 $0x7F, v19  }
0x6b: {  	v5 =	vor.u32 v5, v6;
	_ =	sdelay $0x1  }
0x6c: {  	v4 =	vmul.f32 v4, v3;
	_ =	sdelay $0x1  }
0x6d: {  	[tilespmem:s0+$0xFFFFFC00] =	vst v4  }
0x6e: {  	v21 =	vadd.s32 $0xA, v1;
	v5 =	vld.idx.msk [tilespmem:v5+s14+$0x0], $0xffff  }
0x6f: {  	v22 =	vand.u32 $0xFFFFFF80, v21  }
0x70: {  	v6 =	vadd.s32 v2, v22;
	v4 =	vand.u32 $0x7F, v21  }
0x71: {  	v4 =	vor.u32 v4, v6;
	_ =	sdelay $0x1  }
0x72: {  	v5 =	vmul.f32 v5, v3;
	_ =	sdelay $0x1  }
0x73: {  	[tilespmem:s0+$0xFFFFFC80] =	vst v5  }
0x74: {  	v23 =	vadd.s32 $0xB, v1;
	v4 =	vld.idx.msk [tilespmem:v4+s14+$0x0], $0xffff  }
0x75: {  	v24 =	vand.u32 $0xFFFFFF80, v23  }
0x76: {  	v6 =	vadd.s32 v2, v24;
	v5 =	vand.u32 $0x7F, v23  }
0x77: {  	v5 =	vor.u32 v5, v6;
	_ =	sdelay $0x1  }
0x78: {  	v4 =	vmul.f32 v4, v3;
	_ =	sdelay $0x1  }
0x79: {  	[tilespmem:s0+$0xFFFFFD00] =	vst v4  }
0x7a: {  	v25 =	vadd.s32 $0xC, v1;
	v5 =	vld.idx.msk [tilespmem:v5+s14+$0x0], $0xffff  }
0x7b: {  	v26 =	vand.u32 $0xFFFFFF80, v25  }
0x7c: {  	v6 =	vadd.s32 v2, v26;
	v4 =	vand.u32 $0x7F, v25  }
0x7d: {  	v4 =	vor.u32 v4, v6;
	_ =	sdelay $0x1  }
0x7e: {  	v5 =	vmul.f32 v5, v3;
	_ =	sdelay $0x1  }
0x7f: {  	[tilespmem:s0+$0xFFFFFD80] =	vst v5  }
0x80: {  	v27 =	vadd.s32 $0xD, v1;
	v4 =	vld.idx.msk [tilespmem:v4+s14+$0x0], $0xffff  }
0x81: {  	v28 =	vand.u32 $0xFFFFFF80, v27  }
0x82: {  	v6 =	vadd.s32 v2, v28;
	v5 =	vand.u32 $0x7F, v27  }
0x83: {  	v5 =	vor.u32 v5, v6;
	_ =	sdelay $0x1  }
0x84: {  	v4 =	vmul.f32 v4, v3;
	_ =	sdelay $0x1  }
0x85: {  	[tilespmem:s0+$0xFFFFFE00] =	vst v4  }
0x86: {  	v29 =	vadd.s32 $0xE, v1;
	v5 =	vld.idx.msk [tilespmem:v5+s14+$0x0], $0xffff  }
0x87: {  	v30 =	vand.u32 $0xFFFFFF80, v29  }
0x88: {  	v6 =	vadd.s32 v2, v30;
	v4 =	vand.u32 $0x7F, v29  }
0x89: {  	v4 =	vor.u32 v4, v6;
	_ =	sdelay $0x1  }
0x8a: {  	v5 =	vmul.f32 v5, v3;
	_ =	sdelay $0x1  }
0x8b: {  	[tilespmem:s0+$0xFFFFFE80] =	vst v5  }
0x8c: {  	v31 =	vadd.s32 $0xF, v1;
	v4 =	vld.idx.msk [tilespmem:v4+s14+$0x0], $0xffff  }
0x8d: {  	v32 =	vand.u32 $0xFFFFFF80, v31  }
0x8e: {  	v6 =	vadd.s32 v2, v32;
	v5 =	vand.u32 $0x7F, v31  }
0x8f: {  	v5 =	vor.u32 v5, v6;
	_ =	sdelay $0x1  }
0x90: {  	v4 =	vmul.f32 v4, v3;
	_ =	sdelay $0x1  }
0x91: {  	[tilespmem:s0+$0xFFFFFF00] =	vst v4  }
0x92: {  	v33 =	vadd.s32 $0x10, v1;
	v5 =	vld.idx.msk [tilespmem:v5+s14+$0x0], $0xffff  }
0x93: {  	v34 =	vand.u32 $0xFFFFFF80, v33  }
0x94: {  	v6 =	vadd.s32 v2, v34;
	v4 =	vand.u32 $0x7F, v33  }
0x95: {  	v4 =	vor.u32 v4, v6;
	_ =	sdelay $0x1  }
0x96: {  	v5 =	vmul.f32 v5, v3;
	_ =	sdelay $0x1  }
0x97: {  	[tilespmem:s0+$0xFFFFFF80] =	vst v5  }
0x98: {  	v35 =	vadd.s32 $0x11, v1;
	v4 =	vld.idx.msk [tilespmem:v4+s14+$0x0], $0xffff  }
0x99: {  	v36 =	vand.u32 $0xFFFFFF80, v35  }
0x9a: {  	v6 =	vadd.s32 v2, v36;
	v5 =	vand.u32 $0x7F, v35  }
0x9b: {  	v5 =	vor.u32 v5, v6;
	_ =	sdelay $0x1  }
0x9c: {  	v4 =	vmul.f32 v4, v3;
	_ =	sdelay $0x1  }
0x9d: {  	[tilespmem:s0+$0x0] =	vst v4  }
0x9e: {  	v37 =	vadd.s32 $0x12, v1;
	v5 =	vld.idx.msk [tilespmem:v5+s14+$0x0], $0xffff  }
0x9f: {  	v38 =	vand.u32 $0xFFFFFF80, v37  }
0xa0: {  	v6 =	vadd.s32 v2, v38;
	v4 =	vand.u32 $0x7F, v37  }
0xa1: {  	v4 =	vor.u32 v4, v6;
	_ =	sdelay $0x1  }
0xa2: {  	v5 =	vmul.f32 v5, v3;
	_ =	sdelay $0x1  }
0xa3: {  	[tilespmem:s0+$0x80] =	vst v5  }
0xa4: {  	v39 =	vadd.s32 $0x13, v1;
	v4 =	vld.idx.msk [tilespmem:v4+s14+$0x0], $0xffff  }
0xa5: {  	v40 =	vand.u32 $0xFFFFFF80, v39  }
0xa6: {  	v6 =	vadd.s32 v2, v40;
	v5 =	vand.u32 $0x7F, v39  }
0xa7: {  	v5 =	vor.u32 v5, v6;
	_ =	sdelay $0x1  }
0xa8: {  	v4 =	vmul.f32 v4, v3;
	_ =	sdelay $0x1  }
0xa9: {  	[tilespmem:s0+$0x100] =	vst v4  }
0xaa: {  	v41 =	vadd.s32 $0x14, v1;
	v5 =	vld.idx.msk [tilespmem:v5+s14+$0x0], $0xffff  }
0xab: {  	v42 =	vand.u32 $0xFFFFFF80, v41  }
0xac: {  	v6 =	vadd.s32 v2, v42;
	v4 =	vand.u32 $0x7F, v41  }
0xad: {  	v4 =	vor.u32 v4, v6;
	_ =	sdelay $0x1  }
0xae: {  	v5 =	vmul.f32 v5, v3;
	_ =	sdelay $0x1  }
0xaf: {  	[tilespmem:s0+$0x180] =	vst v5  }
0xb0: {  	v43 =	vadd.s32 $0x15, v1;
	v4 =	vld.idx.msk [tilespmem:v4+s14+$0x0], $0xffff  }
0xb1: {  	v44 =	vand.u32 $0xFFFFFF80, v43  }
0xb2: {  	v6 =	vadd.s32 v2, v44;
	v5 =	vand.u32 $0x7F, v43  }
0xb3: {  	v5 =	vor.u32 v5, v6;
	_ =	sdelay $0x1  }
0xb4: {  	v4 =	vmul.f32 v4, v3;
	_ =	sdelay $0x1  }
0xb5: {  	[tilespmem:s0+$0x200] =	vst v4  }
0xb6: {  	v45 =	vadd.s32 $0x16, v1;
	v5 =	vld.idx.msk [tilespmem:v5+s14+$0x0], $0xffff  }
0xb7: {  	v46 =	vand.u32 $0xFFFFFF80, v45  }
0xb8: {  	v6 =	vadd.s32 v2, v46;
	v4 =	vand.u32 $0x7F, v45  }
0xb9: {  	v4 =	vor.u32 v4, v6;
	_ =	sdelay $0x1  }
0xba: {  	v5 =	vmul.f32 v5, v3;
	_ =	sdelay $0x1  }
0xbb: {  	[tilespmem:s0+$0x280] =	vst v5  }
0xbc: {  	v47 =	vadd.s32 $0x17, v1;
	v4 =	vld.idx.msk [tilespmem:v4+s14+$0x0], $0xffff  }
0xbd: {  	v48 =	vand.u32 $0xFFFFFF80, v47  }
0xbe: {  	v6 =	vadd.s32 v2, v48;
	v5 =	vand.u32 $0x7F, v47  }
0xbf: {  	v5 =	vor.u32 v5, v6;
	_ =	sdelay $0x1  }
0xc0: {  	v4 =	vmul.f32 v4, v3;
	_ =	sdelay $0x1  }
0xc1: {  	[tilespmem:s0+$0x300] =	vst v4  }
0xc2: {  	v49 =	vadd.s32 $0x18, v1;
	v5 =	vld.idx.msk [tilespmem:v5+s14+$0x0], $0xffff  }
0xc3: {  	v50 =	vand.u32 $0xFFFFFF80, v49  }
0xc4: {  	v6 =	vadd.s32 v2, v50;
	v4 =	vand.u32 $0x7F, v49  }
0xc5: {  	v4 =	vor.u32 v4, v6;
	_ =	sdelay $0x1  }
0xc6: {  	v5 =	vmul.f32 v5, v3;
	_ =	sdelay $0x1  }
0xc7: {  	[tilespmem:s0+$0x380] =	vst v5  }
0xc8: {  	v51 =	vadd.s32 $0x19, v1;
	v4 =	vld.idx.msk [tilespmem:v4+s14+$0x0], $0xffff  }
0xc9: {  	v52 =	vand.u32 $0xFFFFFF80, v51  }
0xca: {  	v6 =	vadd.s32 v2, v52;
	v5 =	vand.u32 $0x7F, v51  }
0xcb: {  	v5 =	vor.u32 v5, v6;
	_ =	sdelay $0x1  }
0xcc: {  	v4 =	vmul.f32 v4, v3;
	_ =	sdelay $0x1  }
0xcd: {  	[tilespmem:s0+$0x400] =	vst v4  }
0xce: {  	v53 =	vadd.s32 $0x1A, v1;
	v5 =	vld.idx.msk [tilespmem:v5+s14+$0x0], $0xffff  }
0xcf: {  	v54 =	vand.u32 $0xFFFFFF80, v53  }
0xd0: {  	v6 =	vadd.s32 v2, v54;
	v4 =	vand.u32 $0x7F, v53  }
0xd1: {  	v4 =	vor.u32 v4, v6;
	_ =	sdelay $0x1  }
0xd2: {  	v5 =	vmul.f32 v5, v3;
	_ =	sdelay $0x1  }
0xd3: {  	[tilespmem:s0+$0x480] =	vst v5  }
0xd4: {  	v55 =	vadd.s32 $0x1B, v1;
	v4 =	vld.idx.msk [tilespmem:v4+s14+$0x0], $0xffff  }
0xd5: {  	v56 =	vand.u32 $0xFFFFFF80, v55  }
0xd6: {  	v6 =	vadd.s32 v2, v56;
	v5 =	vand.u32 $0x7F, v55  }
0xd7: {  	v5 =	vor.u32 v5, v6;
	_ =	sdelay $0x1  }
0xd8: {  	v4 =	vmul.f32 v4, v3;
	_ =	sdelay $0x1  }
0xd9: {  	[tilespmem:s0+$0x500] =	vst v4  }
0xda: {  	v57 =	vadd.s32 $0x1C, v1;
	v5 =	vld.idx.msk [tilespmem:v5+s14+$0x0], $0xffff  }
0xdb: {  	v58 =	vand.u32 $0xFFFFFF80, v57  }
0xdc: {  	v6 =	vadd.s32 v2, v58;
	v4 =	vand.u32 $0x7F, v57  }
0xdd: {  	v4 =	vor.u32 v4, v6;
	_ =	sdelay $0x1  }
0xde: {  	v5 =	vmul.f32 v5, v3;
	_ =	sdelay $0x1  }
0xdf: {  	[tilespmem:s0+$0x580] =	vst v5  }
0xe0: {  	v59 =	vadd.s32 $0x1D, v1;
	v4 =	vld.idx.msk [tilespmem:v4+s14+$0x0], $0xffff  }
0xe1: {  	v60 =	vand.u32 $0xFFFFFF80, v59  }
0xe2: {  	v6 =	vadd.s32 v2, v60;
	v5 =	vand.u32 $0x7F, v59  }
0xe3: {  	v5 =	vor.u32 v5, v6;
	_ =	sdelay $0x1  }
0xe4: {  	v4 =	vmul.f32 v4, v3;
	_ =	sdelay $0x1  }
0xe5: {  	[tilespmem:s0+$0x600] =	vst v4  }
0xe6: {  	v61 =	vadd.s32 $0x1E, v1;
	v5 =	vld.idx.msk [tilespmem:v5+s14+$0x0], $0xffff  }
0xe7: {  	v62 =	vand.u32 $0xFFFFFF80, v61  }
0xe8: {  	v6 =	vadd.s32 v2, v62;
	v4 =	vand.u32 $0x7F, v61  }
0xe9: {  	v4 =	vor.u32 v4, v6;
	_ =	sdelay $0x1  }
0xea: {  	v5 =	vmul.f32 v5, v3;
	_ =	sdelay $0x1  }
0xeb: {  	[tilespmem:s0+$0x680] =	vst v5  }
0xec: {  	v1 =	vadd.s32 $0x1F, v1;
	v4 =	vld.idx.msk [tilespmem:v4+s14+$0x0], $0xffff  }
0xed: {  	v63 =	vand.u32 $0xFFFFFF80, v1  }
0xee: {  	v1 =	vand.u32 $0x7F, v1;
	v2 =	vadd.s32 v2, v63  }
0xef: {  	v1 =	vor.u32 v1, v2;
	_ =	sdelay $0x1  }
0xf0: {  	v2 =	vmul.f32 v4, v3;
	_ =	sdelay $0x1  }
0xf1: {  	[tilespmem:s0+$0x700] =	vst v2  }
0xf2: {  	v1 =	vld.idx.msk [tilespmem:v1+s14+$0x0], $0xffff;
	_ =	sdelay $0x4  }
0xf3: {  	s4 =	simm.s32 $0x10;
	v1 =	vmul.f32 v1, v3  }
.LBB2_3:
0xf4: {  	_ = 	snop  }
0xf5: {  	s30 =	sadd.s32 $0x10, s30;
	s31 =	sadd.s32 $0x10, s31;
	[tilespmem:s0+$0x780] =	vst v1;
	s0 =	sadd.s32 $0x10, s0  }
0xf6: {  	p0 =	sne.s32 s4, $0x70;
	s9 =	smov.u32 s4;
	s4 =	sadd.s32 $0x10, s4;
	v2 =	vld [tilespmem:s30+$0x0]  }
0xf7: {  	_ =	sdelay $0x1  }
0xf8: {  	v1 =	vmov s9  }
0xf9: {  	v1 =	vshll.u32 v1, $0x7  }
0xfa: {  	v3 =	vor.u32 v0, v1;
	v4 =	vand.u32 $0xFFFFFF80, v2;
	v5 =	vadd.s32 $0x1, v2  }
0xfb: {  	v1 =	vand.u32 $0x7F, v2;
	v4 =	vadd.s32 v3, v4;
	v6 =	vand.u32 $0xFFFFFF80, v5  }
0xfc: {  	v1 =	vor.u32 v1, v4;
	v4 =	vadd.s32 v3, v6;
	v6 =	vadd.s32 $0x2, v2  }
0xfd: {  	v8 =	vadd.s32 $0x3, v2;
	v56 =	vadd.s32 $0x4, v2;
	v7 =	vand.u32 $0xFFFFFF80, v6  }
0xfe: {  	v9 =	vand.u32 $0xFFFFFF80, v8;
	v10 =	vand.u32 $0xFFFFFF80, v56;
	v7 =	vadd.s32 v3, v7  }
0xff: {  	v54 =	vadd.s32 $0x5, v2;
	v9 =	vadd.s32 v3, v9;
	v57 =	vadd.s32 v3, v10  }
0x100: {  	v52 =	vadd.s32 $0x6, v2;
	v49 =	vadd.s32 $0x7, v2;
	v10 =	vand.u32 $0xFFFFFF80, v54  }
0x101: {  	v12 =	vand.u32 $0xFFFFFF80, v49;
	v55 =	vadd.s32 v3, v10;
	v10 =	vand.u32 $0xFFFFFF80, v52;
	v11 =	vld.idx.msk [tilespmem:v1+s14+$0x0], $0xffff  }
0x102: {  	v48 =	vadd.s32 $0x8, v2;
	v51 =	vadd.s32 v3, v12;
	v53 =	vadd.s32 v3, v10;
	v1 =	vld [tilespmem:s31+$0x0]  }
0x103: {  	v46 =	vadd.s32 $0x9, v2;
	v43 =	vadd.s32 $0xA, v2;
	v10 =	vand.u32 $0xFFFFFF80, v48  }
0x104: {  	v5 =	vand.u32 $0x7F, v5;
	v50 =	vadd.s32 v3, v10;
	v10 =	vand.u32 $0xFFFFFF80, v46  }
0x105: {  	v4 =	vor.u32 v5, v4;
	v5 =	vand.u32 $0xFFFFFF80, v43;
	v47 =	vadd.s32 v3, v10  }
0x106: {  	v42 =	vadd.s32 $0xB, v2;
	v39 =	vadd.s32 $0xC, v2;
	v45 =	vadd.s32 v3, v5  }
0x107: {  	v10 =	vand.u32 $0xFFFFFF80, v42;
	v5 =	vmul.f32 v11, v1;
	v11 =	vand.u32 $0xFFFFFF80, v39  }
0x108: {  	v38 =	vadd.s32 $0xD, v2;
	v44 =	vadd.s32 v3, v10;
	v41 =	vadd.s32 v3, v11  }
0x109: {  	v36 =	vadd.s32 $0xE, v2;
	v33 =	vadd.s32 $0xF, v2;
	[tilespmem:s0+$0xFFFFF800] =	vst v5;
	v5 =	vand.u32 $0xFFFFFF80, v38  }
0x10a: {  	v10 =	vand.u32 $0xFFFFFF80, v33;
	v4 =	vld.idx.msk [tilespmem:v4+s14+$0x0], $0xffff;
	v40 =	vadd.s32 v3, v5;
	v5 =	vand.u32 $0xFFFFFF80, v36  }
0x10b: {  	v32 =	vadd.s32 $0x10, v2;
	v35 =	vadd.s32 v3, v10;
	v37 =	vadd.s32 v3, v5  }
0x10c: {  	v30 =	vadd.s32 $0x11, v2;
	v27 =	vadd.s32 $0x12, v2;
	v5 =	vand.u32 $0xFFFFFF80, v32  }
0x10d: {  	v6 =	vand.u32 $0x7F, v6;
	v34 =	vadd.s32 v3, v5;
	v5 =	vand.u32 $0xFFFFFF80, v30  }
0x10e: {  	v6 =	vor.u32 v6, v7;
	v31 =	vadd.s32 v3, v5;
	v5 =	vand.u32 $0xFFFFFF80, v27  }
0x10f: {  	v26 =	vadd.s32 $0x13, v2;
	v23 =	vadd.s32 $0x14, v2;
	v29 =	vadd.s32 v3, v5  }
0x110: {  	v7 =	vand.u32 $0xFFFFFF80, v23;
	v5 =	vand.u32 $0xFFFFFF80, v26;
	v4 =	vmul.f32 v4, v1  }
0x111: {  	v22 =	vadd.s32 $0x15, v2;
	v25 =	vadd.s32 v3, v7;
	v28 =	vadd.s32 v3, v5  }
0x112: {  	v20 =	vadd.s32 $0x16, v2;
	v17 =	vadd.s32 $0x17, v2;
	[tilespmem:s0+$0xFFFFF880] =	vst v4;
	v4 =	vand.u32 $0xFFFFFF80, v22  }
0x113: {  	v5 =	vld.idx.msk [tilespmem:v6+s14+$0x0], $0xffff;
	v24 =	vadd.s32 v3, v4;
	v4 =	vand.u32 $0xFFFFFF80, v20;
	v6 =	vand.u32 $0xFFFFFF80, v17  }
0x114: {  	v16 =	vadd.s32 $0x18, v2;
	v21 =	vadd.s32 v3, v4;
	v19 =	vadd.s32 v3, v6  }
0x115: {  	v14 =	vadd.s32 $0x19, v2;
	v11 =	vadd.s32 $0x1A, v2;
	v4 =	vand.u32 $0xFFFFFF80, v16  }
0x116: {  	v6 =	vand.u32 $0x7F, v8;
	v18 =	vadd.s32 v3, v4;
	v4 =	vand.u32 $0xFFFFFF80, v14  }
0x117: {  	v8 =	vor.u32 v6, v9;
	v15 =	vadd.s32 v3, v4;
	v4 =	vand.u32 $0xFFFFFF80, v11  }
0x118: {  	v7 =	vadd.s32 $0x1C, v2;
	v10 =	vadd.s32 $0x1B, v2;
	v13 =	vadd.s32 v3, v4  }
0x119: {  	v6 =	vand.u32 $0xFFFFFF80, v7;
	v4 =	vmul.f32 v5, v1;
	v5 =	vand.u32 $0xFFFFFF80, v10  }
0x11a: {  	v9 =	vadd.s32 v3, v6;
	v6 =	vadd.s32 $0x1D, v2;
	v12 =	vadd.s32 v3, v5  }
0x11b: {  	v5 =	vand.u32 $0xFFFFFF80, v6;
	[tilespmem:s0+$0xFFFFF900] =	vst v4;
	v4 =	vadd.s32 $0x1E, v2;
	v2 =	vadd.s32 $0x1F, v2  }
0x11c: {  	v58 =	vld.idx.msk [tilespmem:v8+s14+$0x0], $0xffff;
	v8 =	vadd.s32 v3, v5;
	v5 =	vand.u32 $0xFFFFFF80, v4;
	v59 =	vand.u32 $0xFFFFFF80, v2  }
0x11d: {  	v5 =	vadd.s32 v3, v5;
	v3 =	vadd.s32 v3, v59;
	_ =	sdelay $0x1  }
0x11e: {  	v56 =	vand.u32 $0x7F, v56  }
0x11f: {  	v56 =	vor.u32 v56, v57;
	_ =	sdelay $0x1  }
0x120: {  	v57 =	vmul.f32 v58, v1;
	_ =	sdelay $0x1  }
0x121: {  	[tilespmem:s0+$0xFFFFF980] =	vst v57  }
0x122: {  	v56 =	vld.idx.msk [tilespmem:v56+s14+$0x0], $0xffff;
	_ =	sdelay $0x2  }
0x123: {  	v54 =	vand.u32 $0x7F, v54  }
0x124: {  	v54 =	vor.u32 v54, v55;
	_ =	sdelay $0x1  }
0x125: {  	v55 =	vmul.f32 v56, v1;
	_ =	sdelay $0x1  }
0x126: {  	[tilespmem:s0+$0xFFFFFA00] =	vst v55  }
0x127: {  	v54 =	vld.idx.msk [tilespmem:v54+s14+$0x0], $0xffff;
	_ =	sdelay $0x2  }
0x128: {  	v52 =	vand.u32 $0x7F, v52  }
0x129: {  	v52 =	vor.u32 v52, v53;
	_ =	sdelay $0x1  }
0x12a: {  	v53 =	vmul.f32 v54, v1;
	_ =	sdelay $0x1  }
0x12b: {  	[tilespmem:s0+$0xFFFFFA80] =	vst v53  }
0x12c: {  	v52 =	vld.idx.msk [tilespmem:v52+s14+$0x0], $0xffff;
	_ =	sdelay $0x2  }
0x12d: {  	v49 =	vand.u32 $0x7F, v49  }
0x12e: {  	v49 =	vor.u32 v49, v51;
	_ =	sdelay $0x1  }
0x12f: {  	v51 =	vmul.f32 v52, v1;
	_ =	sdelay $0x1  }
0x130: {  	[tilespmem:s0+$0xFFFFFB00] =	vst v51  }
0x131: {  	v49 =	vld.idx.msk [tilespmem:v49+s14+$0x0], $0xffff;
	_ =	sdelay $0x2  }
0x132: {  	v48 =	vand.u32 $0x7F, v48  }
0x133: {  	v48 =	vor.u32 v48, v50;
	_ =	sdelay $0x1  }
0x134: {  	v49 =	vmul.f32 v49, v1;
	_ =	sdelay $0x1  }
0x135: {  	[tilespmem:s0+$0xFFFFFB80] =	vst v49  }
0x136: {  	v48 =	vld.idx.msk [tilespmem:v48+s14+$0x0], $0xffff;
	_ =	sdelay $0x2  }
0x137: {  	v46 =	vand.u32 $0x7F, v46  }
0x138: {  	v46 =	vor.u32 v46, v47;
	_ =	sdelay $0x1  }
0x139: {  	v47 =	vmul.f32 v48, v1;
	_ =	sdelay $0x1  }
0x13a: {  	[tilespmem:s0+$0xFFFFFC00] =	vst v47  }
0x13b: {  	v46 =	vld.idx.msk [tilespmem:v46+s14+$0x0], $0xffff;
	_ =	sdelay $0x2  }
0x13c: {  	v43 =	vand.u32 $0x7F, v43  }
0x13d: {  	v43 =	vor.u32 v43, v45;
	_ =	sdelay $0x1  }
0x13e: {  	v45 =	vmul.f32 v46, v1;
	_ =	sdelay $0x1  }
0x13f: {  	[tilespmem:s0+$0xFFFFFC80] =	vst v45  }
0x140: {  	v43 =	vld.idx.msk [tilespmem:v43+s14+$0x0], $0xffff;
	_ =	sdelay $0x2  }
0x141: {  	v42 =	vand.u32 $0x7F, v42  }
0x142: {  	v42 =	vor.u32 v42, v44;
	_ =	sdelay $0x1  }
0x143: {  	v43 =	vmul.f32 v43, v1;
	_ =	sdelay $0x1  }
0x144: {  	[tilespmem:s0+$0xFFFFFD00] =	vst v43  }
0x145: {  	v42 =	vld.idx.msk [tilespmem:v42+s14+$0x0], $0xffff;
	_ =	sdelay $0x2  }
0x146: {  	v39 =	vand.u32 $0x7F, v39  }
0x147: {  	v39 =	vor.u32 v39, v41;
	_ =	sdelay $0x1  }
0x148: {  	v41 =	vmul.f32 v42, v1;
	_ =	sdelay $0x1  }
0x149: {  	[tilespmem:s0+$0xFFFFFD80] =	vst v41  }
0x14a: {  	v39 =	vld.idx.msk [tilespmem:v39+s14+$0x0], $0xffff;
	_ =	sdelay $0x2  }
0x14b: {  	v38 =	vand.u32 $0x7F, v38  }
0x14c: {  	v38 =	vor.u32 v38, v40;
	_ =	sdelay $0x1  }
0x14d: {  	v39 =	vmul.f32 v39, v1;
	_ =	sdelay $0x1  }
0x14e: {  	[tilespmem:s0+$0xFFFFFE00] =	vst v39  }
0x14f: {  	v38 =	vld.idx.msk [tilespmem:v38+s14+$0x0], $0xffff;
	_ =	sdelay $0x2  }
0x150: {  	v36 =	vand.u32 $0x7F, v36  }
0x151: {  	v36 =	vor.u32 v36, v37;
	_ =	sdelay $0x1  }
0x152: {  	v37 =	vmul.f32 v38, v1;
	_ =	sdelay $0x1  }
0x153: {  	[tilespmem:s0+$0xFFFFFE80] =	vst v37  }
0x154: {  	v36 =	vld.idx.msk [tilespmem:v36+s14+$0x0], $0xffff;
	_ =	sdelay $0x2  }
0x155: {  	v33 =	vand.u32 $0x7F, v33  }
0x156: {  	v33 =	vor.u32 v33, v35;
	_ =	sdelay $0x1  }
0x157: {  	v35 =	vmul.f32 v36, v1;
	_ =	sdelay $0x1  }
0x158: {  	[tilespmem:s0+$0xFFFFFF00] =	vst v35  }
0x159: {  	v33 =	vld.idx.msk [tilespmem:v33+s14+$0x0], $0xffff;
	_ =	sdelay $0x2  }
0x15a: {  	v32 =	vand.u32 $0x7F, v32  }
0x15b: {  	v32 =	vor.u32 v32, v34;
	_ =	sdelay $0x1  }
0x15c: {  	v33 =	vmul.f32 v33, v1;
	_ =	sdelay $0x1  }
0x15d: {  	[tilespmem:s0+$0xFFFFFF80] =	vst v33  }
0x15e: {  	v32 =	vld.idx.msk [tilespmem:v32+s14+$0x0], $0xffff;
	_ =	sdelay $0x2  }
0x15f: {  	v30 =	vand.u32 $0x7F, v30  }
0x160: {  	v30 =	vor.u32 v30, v31;
	_ =	sdelay $0x1  }
0x161: {  	v31 =	vmul.f32 v32, v1;
	_ =	sdelay $0x1  }
0x162: {  	[tilespmem:s0+$0x0] =	vst v31  }
0x163: {  	v30 =	vld.idx.msk [tilespmem:v30+s14+$0x0], $0xffff;
	_ =	sdelay $0x2  }
0x164: {  	v27 =	vand.u32 $0x7F, v27  }
0x165: {  	v27 =	vor.u32 v27, v29;
	_ =	sdelay $0x1  }
0x166: {  	v29 =	vmul.f32 v30, v1;
	_ =	sdelay $0x1  }
0x167: {  	[tilespmem:s0+$0x80] =	vst v29  }
0x168: {  	v27 =	vld.idx.msk [tilespmem:v27+s14+$0x0], $0xffff;
	_ =	sdelay $0x2  }
0x169: {  	v26 =	vand.u32 $0x7F, v26  }
0x16a: {  	v26 =	vor.u32 v26, v28;
	_ =	sdelay $0x1  }
0x16b: {  	v27 =	vmul.f32 v27, v1;
	_ =	sdelay $0x1  }
0x16c: {  	[tilespmem:s0+$0x100] =	vst v27  }
0x16d: {  	v26 =	vld.idx.msk [tilespmem:v26+s14+$0x0], $0xffff;
	_ =	sdelay $0x2  }
0x16e: {  	v23 =	vand.u32 $0x7F, v23  }
0x16f: {  	v23 =	vor.u32 v23, v25;
	_ =	sdelay $0x1  }
0x170: {  	v25 =	vmul.f32 v26, v1;
	_ =	sdelay $0x1  }
0x171: {  	[tilespmem:s0+$0x180] =	vst v25  }
0x172: {  	v23 =	vld.idx.msk [tilespmem:v23+s14+$0x0], $0xffff;
	_ =	sdelay $0x2  }
0x173: {  	v22 =	vand.u32 $0x7F, v22  }
0x174: {  	v22 =	vor.u32 v22, v24;
	_ =	sdelay $0x1  }
0x175: {  	v23 =	vmul.f32 v23, v1;
	_ =	sdelay $0x1  }
0x176: {  	[tilespmem:s0+$0x200] =	vst v23  }
0x177: {  	v22 =	vld.idx.msk [tilespmem:v22+s14+$0x0], $0xffff;
	_ =	sdelay $0x2  }
0x178: {  	v20 =	vand.u32 $0x7F, v20  }
0x179: {  	v20 =	vor.u32 v20, v21;
	_ =	sdelay $0x1  }
0x17a: {  	v21 =	vmul.f32 v22, v1;
	_ =	sdelay $0x1  }
0x17b: {  	[tilespmem:s0+$0x280] =	vst v21  }
0x17c: {  	v20 =	vld.idx.msk [tilespmem:v20+s14+$0x0], $0xffff;
	_ =	sdelay $0x2  }
0x17d: {  	v17 =	vand.u32 $0x7F, v17  }
0x17e: {  	v17 =	vor.u32 v17, v19;
	_ =	sdelay $0x1  }
0x17f: {  	v19 =	vmul.f32 v20, v1;
	_ =	sdelay $0x1  }
0x180: {  	[tilespmem:s0+$0x300] =	vst v19  }
0x181: {  	v17 =	vld.idx.msk [tilespmem:v17+s14+$0x0], $0xffff;
	_ =	sdelay $0x2  }
0x182: {  	v16 =	vand.u32 $0x7F, v16  }
0x183: {  	v16 =	vor.u32 v16, v18;
	_ =	sdelay $0x1  }
0x184: {  	v17 =	vmul.f32 v17, v1;
	_ =	sdelay $0x1  }
0x185: {  	[tilespmem:s0+$0x380] =	vst v17  }
0x186: {  	v16 =	vld.idx.msk [tilespmem:v16+s14+$0x0], $0xffff;
	_ =	sdelay $0x2  }
0x187: {  	v14 =	vand.u32 $0x7F, v14  }
0x188: {  	v14 =	vor.u32 v14, v15;
	_ =	sdelay $0x1  }
0x189: {  	v15 =	vmul.f32 v16, v1;
	_ =	sdelay $0x1  }
0x18a: {  	[tilespmem:s0+$0x400] =	vst v15  }
0x18b: {  	v14 =	vld.idx.msk [tilespmem:v14+s14+$0x0], $0xffff;
	_ =	sdelay $0x2  }
0x18c: {  	v11 =	vand.u32 $0x7F, v11  }
0x18d: {  	v11 =	vor.u32 v11, v13;
	_ =	sdelay $0x1  }
0x18e: {  	v13 =	vmul.f32 v14, v1;
	_ =	sdelay $0x1  }
0x18f: {  	[tilespmem:s0+$0x480] =	vst v13  }
0x190: {  	v11 =	vld.idx.msk [tilespmem:v11+s14+$0x0], $0xffff;
	_ =	sdelay $0x2  }
0x191: {  	v10 =	vand.u32 $0x7F, v10  }
0x192: {  	v10 =	vor.u32 v10, v12;
	_ =	sdelay $0x1  }
0x193: {  	v11 =	vmul.f32 v11, v1;
	_ =	sdelay $0x1  }
0x194: {  	[tilespmem:s0+$0x500] =	vst v11  }
0x195: {  	v10 =	vld.idx.msk [tilespmem:v10+s14+$0x0], $0xffff;
	_ =	sdelay $0x2  }
0x196: {  	v7 =	vand.u32 $0x7F, v7  }
0x197: {  	v7 =	vor.u32 v7, v9;
	_ =	sdelay $0x1  }
0x198: {  	v9 =	vmul.f32 v10, v1;
	_ =	sdelay $0x1  }
0x199: {  	[tilespmem:s0+$0x580] =	vst v9  }
0x19a: {  	v7 =	vld.idx.msk [tilespmem:v7+s14+$0x0], $0xffff;
	_ =	sdelay $0x2  }
0x19b: {  	v6 =	vand.u32 $0x7F, v6  }
0x19c: {  	v6 =	vor.u32 v6, v8;
	_ =	sdelay $0x1  }
0x19d: {  	v7 =	vmul.f32 v7, v1;
	_ =	sdelay $0x1  }
0x19e: {  	[tilespmem:s0+$0x600] =	vst v7  }
0x19f: {  	v6 =	vld.idx.msk [tilespmem:v6+s14+$0x0], $0xffff;
	_ =	sdelay $0x2  }
0x1a0: {  	v4 =	vand.u32 $0x7F, v4  }
0x1a1: {  	v4 =	vor.u32 v4, v5;
	_ =	sdelay $0x1  }
0x1a2: {  	v5 =	vmul.f32 v6, v1;
	_ =	sdelay $0x1  }
0x1a3: {  	[tilespmem:s0+$0x680] =	vst v5  }
0x1a4: {  	v4 =	vld.idx.msk [tilespmem:v4+s14+$0x0], $0xffff;
	_ =	sdelay $0x2  }
0x1a5: {  	v2 =	vand.u32 $0x7F, v2  }
0x1a6: {  	v2 =	vor.u32 v2, v3;
	_ =	sdelay $0x1  }
0x1a7: {  	v3 =	vmul.f32 v4, v1;
	_ =	sdelay $0x1  }
0x1a8: {  	[tilespmem:s0+$0x700] =	vst v3  }
0x1a9: {  	v2 =	vld.idx.msk [tilespmem:v2+s14+$0x0], $0xffff;
	_ =	sdelay $0x1  }
.Ltmp0:
0x1aa: {  	(pc) =	sbr.rel @p0 .LBB2_3-.Ltmp0, $2  }
0x1ab: {  	_ =	sdelay $0x2  }
0x1ac: {  	v1 =	vmul.f32 v2, v1  }
0x1ad: {  	_ = 	snop  }
0x1ae: {  	[tilespmem:s0+$0x780] =	vst v1  }
0x1af: {  	_ =	swait.ge [sflag:s21], $0x4000  }
0x1b0: {  	[sflag:s21] =	ssyncset.done $0x0  }
0x1b1: {  	s30 =	simm.s32 $0x280;
	[sflag:s21] =	ssyncadd.s32 $0xFFFFC000  }
0x1b2: {  	v1 =	vld [tilespmem:s30+$0x0];
	_ =	sdelay $0x1  }
0x1b3: {  	s9 =	simm.s32 $0x80  }
0x1b4: {  	v2 =	vmov s9  }
0x1b5: {  	v2 =	vshll.u32 v2, $0x7  }
0x1b6: {  	v2 =	vor.u32 v0, v2;
	v3 =	vand.u32 $0xFFFFFF80, v1  }
0x1b7: {  	v4 =	vand.u32 $0x7F, v1;
	v3 =	vadd.s32 v2, v3  }
0x1b8: {  	v3 =	vor.u32 v4, v3;
	_ =	sdelay $0x4  }
0x1b9: {  	s31 =	simm.s32 $0x480;
	v4 =	vld.idx.msk [tilespmem:v3+s14+$0x0], $0xffff  }
0x1ba: {  	v5 =	vadd.s32 $0x1, v1;
	v3 =	vld [tilespmem:s31+$0x0]  }
0x1bb: {  	v6 =	vand.u32 $0xFFFFFF80, v5  }
0x1bc: {  	v5 =	vand.u32 $0x7F, v5;
	v6 =	vadd.s32 v2, v6  }
0x1bd: {  	v5 =	vor.u32 v5, v6;
	_ =	sdelay $0x1  }
0x1be: {  	v4 =	vmul.f32 v4, v3  }
0x1bf: {  	s0 =	simm.s32 $0x12580  }
0x1c0: {  	[tilespmem:s0+$0xFFFFF080] =	vst v4  }
0x1c1: {  	v60 =	vadd.s32 $0x2, v1;
	v5 =	vld.idx.msk [tilespmem:v5+s14+$0x0], $0xffff  }
0x1c2: {  	v61 =	vand.u32 $0xFFFFFF80, v60  }
0x1c3: {  	v6 =	vadd.s32 v2, v61;
	v4 =	vand.u32 $0x7F, v60  }
0x1c4: {  	v4 =	vor.u32 v4, v6;
	_ =	sdelay $0x1  }
0x1c5: {  	v5 =	vmul.f32 v5, v3;
	_ =	sdelay $0x1  }
0x1c6: {  	[tilespmem:s0+$0xFFFFF100] =	vst v5  }
0x1c7: {  	v62 =	vadd.s32 $0x3, v1;
	v4 =	vld.idx.msk [tilespmem:v4+s14+$0x0], $0xffff  }
0x1c8: {  	v63 =	vand.u32 $0xFFFFFF80, v62  }
0x1c9: {  	v6 =	vadd.s32 v2, v63;
	v5 =	vand.u32 $0x7F, v62  }
0x1ca: {  	v5 =	vor.u32 v5, v6;
	_ =	sdelay $0x1  }
0x1cb: {  	v4 =	vmul.f32 v4, v3;
	_ =	sdelay $0x1  }
0x1cc: {  	[tilespmem:s0+$0xFFFFF180] =	vst v4  }
0x1cd: {  	v9 =	vadd.s32 $0x4, v1;
	v5 =	vld.idx.msk [tilespmem:v5+s14+$0x0], $0xffff  }
0x1ce: {  	v10 =	vand.u32 $0xFFFFFF80, v9  }
0x1cf: {  	v6 =	vadd.s32 v2, v10;
	v4 =	vand.u32 $0x7F, v9  }
0x1d0: {  	v4 =	vor.u32 v4, v6;
	_ =	sdelay $0x1  }
0x1d1: {  	v5 =	vmul.f32 v5, v3;
	_ =	sdelay $0x1  }
0x1d2: {  	[tilespmem:s0+$0xFFFFF200] =	vst v5  }
0x1d3: {  	v11 =	vadd.s32 $0x5, v1;
	v4 =	vld.idx.msk [tilespmem:v4+s14+$0x0], $0xffff  }
0x1d4: {  	v12 =	vand.u32 $0xFFFFFF80, v11  }
0x1d5: {  	v6 =	vadd.s32 v2, v12;
	v5 =	vand.u32 $0x7F, v11  }
0x1d6: {  	v5 =	vor.u32 v5, v6;
	_ =	sdelay $0x1  }
0x1d7: {  	v4 =	vmul.f32 v4, v3;
	_ =	sdelay $0x1  }
0x1d8: {  	[tilespmem:s0+$0xFFFFF280] =	vst v4  }
0x1d9: {  	v13 =	vadd.s32 $0x6, v1;
	v5 =	vld.idx.msk [tilespmem:v5+s14+$0x0], $0xffff  }
0x1da: {  	v14 =	vand.u32 $0xFFFFFF80, v13  }
0x1db: {  	v6 =	vadd.s32 v2, v14;
	v4 =	vand.u32 $0x7F, v13  }
0x1dc: {  	v4 =	vor.u32 v4, v6;
	_ =	sdelay $0x1  }
0x1dd: {  	v5 =	vmul.f32 v5, v3;
	_ =	sdelay $0x1  }
0x1de: {  	[tilespmem:s0+$0xFFFFF300] =	vst v5  }
0x1df: {  	v15 =	vadd.s32 $0x7, v1;
	v4 =	vld.idx.msk [tilespmem:v4+s14+$0x0], $0xffff  }
0x1e0: {  	v16 =	vand.u32 $0xFFFFFF80, v15  }
0x1e1: {  	v6 =	vadd.s32 v2, v16;
	v5 =	vand.u32 $0x7F, v15  }
0x1e2: {  	v5 =	vor.u32 v5, v6;
	_ =	sdelay $0x1  }
0x1e3: {  	v4 =	vmul.f32 v4, v3;
	_ =	sdelay $0x1  }
0x1e4: {  	[tilespmem:s0+$0xFFFFF380] =	vst v4  }
0x1e5: {  	v17 =	vadd.s32 $0x8, v1;
	v5 =	vld.idx.msk [tilespmem:v5+s14+$0x0], $0xffff  }
0x1e6: {  	v18 =	vand.u32 $0xFFFFFF80, v17  }
0x1e7: {  	v6 =	vadd.s32 v2, v18;
	v4 =	vand.u32 $0x7F, v17  }
0x1e8: {  	v4 =	vor.u32 v4, v6;
	_ =	sdelay $0x1  }
0x1e9: {  	v5 =	vmul.f32 v5, v3;
	_ =	sdelay $0x1  }
0x1ea: {  	[tilespmem:s0+$0xFFFFF400] =	vst v5  }
0x1eb: {  	v19 =	vadd.s32 $0x9, v1;
	v4 =	vld.idx.msk [tilespmem:v4+s14+$0x0], $0xffff  }
0x1ec: {  	v20 =	vand.u32 $0xFFFFFF80, v19  }
0x1ed: {  	v6 =	vadd.s32 v2, v20;
	v5 =	vand.u32 $0x7F, v19  }
0x1ee: {  	v5 =	vor.u32 v5, v6;
	_ =	sdelay $0x1  }
0x1ef: {  	v4 =	vmul.f32 v4, v3;
	_ =	sdelay $0x1  }
0x1f0: {  	[tilespmem:s0+$0xFFFFF480] =	vst v4  }
0x1f1: {  	v21 =	vadd.s32 $0xA, v1;
	v5 =	vld.idx.msk [tilespmem:v5+s14+$0x0], $0xffff  }
0x1f2: {  	v22 =	vand.u32 $0xFFFFFF80, v21  }
0x1f3: {  	v6 =	vadd.s32 v2, v22;
	v4 =	vand.u32 $0x7F, v21  }
0x1f4: {  	v4 =	vor.u32 v4, v6;
	_ =	sdelay $0x1  }
0x1f5: {  	v5 =	vmul.f32 v5, v3;
	_ =	sdelay $0x1  }
0x1f6: {  	[tilespmem:s0+$0xFFFFF500] =	vst v5  }
0x1f7: {  	v23 =	vadd.s32 $0xB, v1;
	v4 =	vld.idx.msk [tilespmem:v4+s14+$0x0], $0xffff  }
0x1f8: {  	v24 =	vand.u32 $0xFFFFFF80, v23  }
0x1f9: {  	v6 =	vadd.s32 v2, v24;
	v5 =	vand.u32 $0x7F, v23  }
0x1fa: {  	v5 =	vor.u32 v5, v6;
	_ =	sdelay $0x1  }
0x1fb: {  	v4 =	vmul.f32 v4, v3;
	_ =	sdelay $0x1  }
0x1fc: {  	[tilespmem:s0+$0xFFFFF580] =	vst v4  }
0x1fd: {  	v25 =	vadd.s32 $0xC, v1;
	v5 =	vld.idx.msk [tilespmem:v5+s14+$0x0], $0xffff  }
0x1fe: {  	v26 =	vand.u32 $0xFFFFFF80, v25  }
0x1ff: {  	v6 =	vadd.s32 v2, v26;
	v4 =	vand.u32 $0x7F, v25  }
0x200: {  	v4 =	vor.u32 v4, v6;
	_ =	sdelay $0x1  }
0x201: {  	v5 =	vmul.f32 v5, v3;
	_ =	sdelay $0x1  }
0x202: {  	[tilespmem:s0+$0xFFFFF600] =	vst v5  }
0x203: {  	v27 =	vadd.s32 $0xD, v1;
	v4 =	vld.idx.msk [tilespmem:v4+s14+$0x0], $0xffff  }
0x204: {  	v28 =	vand.u32 $0xFFFFFF80, v27  }
0x205: {  	v6 =	vadd.s32 v2, v28;
	v5 =	vand.u32 $0x7F, v27  }
0x206: {  	v5 =	vor.u32 v5, v6;
	_ =	sdelay $0x1  }
0x207: {  	v4 =	vmul.f32 v4, v3;
	_ =	sdelay $0x1  }
0x208: {  	[tilespmem:s0+$0xFFFFF680] =	vst v4  }
0x209: {  	v29 =	vadd.s32 $0xE, v1;
	v5 =	vld.idx.msk [tilespmem:v5+s14+$0x0], $0xffff  }
0x20a: {  	v30 =	vand.u32 $0xFFFFFF80, v29  }
0x20b: {  	v6 =	vadd.s32 v2, v30;
	v4 =	vand.u32 $0x7F, v29  }
0x20c: {  	v4 =	vor.u32 v4, v6;
	_ =	sdelay $0x1  }
0x20d: {  	v5 =	vmul.f32 v5, v3;
	_ =	sdelay $0x1  }
0x20e: {  	[tilespmem:s0+$0xFFFFF700] =	vst v5  }
0x20f: {  	v31 =	vadd.s32 $0xF, v1;
	v4 =	vld.idx.msk [tilespmem:v4+s14+$0x0], $0xffff  }
0x210: {  	v32 =	vand.u32 $0xFFFFFF80, v31  }
0x211: {  	v6 =	vadd.s32 v2, v32;
	v5 =	vand.u32 $0x7F, v31  }
0x212: {  	v5 =	vor.u32 v5, v6;
	_ =	sdelay $0x1  }
0x213: {  	v4 =	vmul.f32 v4, v3;
	_ =	sdelay $0x1  }
0x214: {  	[tilespmem:s0+$0xFFFFF780] =	vst v4  }
0x215: {  	v33 =	vadd.s32 $0x10, v1;
	v5 =	vld.idx.msk [tilespmem:v5+s14+$0x0], $0xffff  }
0x216: {  	v34 =	vand.u32 $0xFFFFFF80, v33  }
0x217: {  	v6 =	vadd.s32 v2, v34;
	v4 =	vand.u32 $0x7F, v33  }
0x218: {  	v4 =	vor.u32 v4, v6;
	_ =	sdelay $0x1  }
0x219: {  	v5 =	vmul.f32 v5, v3;
	_ =	sdelay $0x1  }
0x21a: {  	[tilespmem:s0+$0xFFFFF800] =	vst v5  }
0x21b: {  	v35 =	vadd.s32 $0x11, v1;
	v4 =	vld.idx.msk [tilespmem:v4+s14+$0x0], $0xffff  }
0x21c: {  	v36 =	vand.u32 $0xFFFFFF80, v35  }
0x21d: {  	v6 =	vadd.s32 v2, v36;
	v5 =	vand.u32 $0x7F, v35  }
0x21e: {  	v5 =	vor.u32 v5, v6;
	_ =	sdelay $0x1  }
0x21f: {  	v4 =	vmul.f32 v4, v3;
	_ =	sdelay $0x1  }
0x220: {  	[tilespmem:s0+$0xFFFFF880] =	vst v4  }
0x221: {  	v37 =	vadd.s32 $0x12, v1;
	v5 =	vld.idx.msk [tilespmem:v5+s14+$0x0], $0xffff  }
0x222: {  	v38 =	vand.u32 $0xFFFFFF80, v37  }
0x223: {  	v6 =	vadd.s32 v2, v38;
	v4 =	vand.u32 $0x7F, v37  }
0x224: {  	v4 =	vor.u32 v4, v6;
	_ =	sdelay $0x1  }
0x225: {  	v5 =	vmul.f32 v5, v3;
	_ =	sdelay $0x1  }
0x226: {  	[tilespmem:s0+$0xFFFFF900] =	vst v5  }
0x227: {  	v39 =	vadd.s32 $0x13, v1;
	v4 =	vld.idx.msk [tilespmem:v4+s14+$0x0], $0xffff  }
0x228: {  	v40 =	vand.u32 $0xFFFFFF80, v39  }
0x229: {  	v6 =	vadd.s32 v2, v40;
	v5 =	vand.u32 $0x7F, v39  }
0x22a: {  	v5 =	vor.u32 v5, v6;
	_ =	sdelay $0x1  }
0x22b: {  	v4 =	vmul.f32 v4, v3;
	_ =	sdelay $0x1  }
0x22c: {  	[tilespmem:s0+$0xFFFFF980] =	vst v4  }
0x22d: {  	v41 =	vadd.s32 $0x14, v1;
	v5 =	vld.idx.msk [tilespmem:v5+s14+$0x0], $0xffff  }
0x22e: {  	v42 =	vand.u32 $0xFFFFFF80, v41  }
0x22f: {  	v6 =	vadd.s32 v2, v42;
	v4 =	vand.u32 $0x7F, v41  }
0x230: {  	v4 =	vor.u32 v4, v6;
	_ =	sdelay $0x1  }
0x231: {  	v5 =	vmul.f32 v5, v3;
	_ =	sdelay $0x1  }
0x232: {  	[tilespmem:s0+$0xFFFFFA00] =	vst v5  }
0x233: {  	v43 =	vadd.s32 $0x15, v1;
	v4 =	vld.idx.msk [tilespmem:v4+s14+$0x0], $0xffff  }
0x234: {  	v44 =	vand.u32 $0xFFFFFF80, v43  }
0x235: {  	v6 =	vadd.s32 v2, v44;
	v5 =	vand.u32 $0x7F, v43  }
0x236: {  	v5 =	vor.u32 v5, v6;
	_ =	sdelay $0x1  }
0x237: {  	v4 =	vmul.f32 v4, v3;
	_ =	sdelay $0x1  }
0x238: {  	[tilespmem:s0+$0xFFFFFA80] =	vst v4  }
0x239: {  	v45 =	vadd.s32 $0x16, v1;
	v5 =	vld.idx.msk [tilespmem:v5+s14+$0x0], $0xffff  }
0x23a: {  	v46 =	vand.u32 $0xFFFFFF80, v45  }
0x23b: {  	v6 =	vadd.s32 v2, v46;
	v4 =	vand.u32 $0x7F, v45  }
0x23c: {  	v4 =	vor.u32 v4, v6;
	_ =	sdelay $0x1  }
0x23d: {  	v5 =	vmul.f32 v5, v3;
	_ =	sdelay $0x1  }
0x23e: {  	[tilespmem:s0+$0xFFFFFB00] =	vst v5  }
0x23f: {  	v47 =	vadd.s32 $0x17, v1;
	v4 =	vld.idx.msk [tilespmem:v4+s14+$0x0], $0xffff  }
0x240: {  	v48 =	vand.u32 $0xFFFFFF80, v47  }
0x241: {  	v6 =	vadd.s32 v2, v48;
	v5 =	vand.u32 $0x7F, v47  }
0x242: {  	v5 =	vor.u32 v5, v6;
	_ =	sdelay $0x1  }
0x243: {  	v4 =	vmul.f32 v4, v3;
	_ =	sdelay $0x1  }
0x244: {  	[tilespmem:s0+$0xFFFFFB80] =	vst v4  }
0x245: {  	v49 =	vadd.s32 $0x18, v1;
	v5 =	vld.idx.msk [tilespmem:v5+s14+$0x0], $0xffff  }
0x246: {  	v50 =	vand.u32 $0xFFFFFF80, v49  }
0x247: {  	v6 =	vadd.s32 v2, v50;
	v4 =	vand.u32 $0x7F, v49  }
0x248: {  	v4 =	vor.u32 v4, v6;
	_ =	sdelay $0x1  }
0x249: {  	v5 =	vmul.f32 v5, v3;
	_ =	sdelay $0x1  }
0x24a: {  	[tilespmem:s0+$0xFFFFFC00] =	vst v5  }
0x24b: {  	v51 =	vadd.s32 $0x19, v1;
	v4 =	vld.idx.msk [tilespmem:v4+s14+$0x0], $0xffff  }
0x24c: {  	v52 =	vand.u32 $0xFFFFFF80, v51  }
0x24d: {  	v6 =	vadd.s32 v2, v52;
	v5 =	vand.u32 $0x7F, v51  }
0x24e: {  	v5 =	vor.u32 v5, v6;
	_ =	sdelay $0x1  }
0x24f: {  	v4 =	vmul.f32 v4, v3;
	_ =	sdelay $0x1  }
0x250: {  	[tilespmem:s0+$0xFFFFFC80] =	vst v4  }
0x251: {  	v53 =	vadd.s32 $0x1A, v1;
	v5 =	vld.idx.msk [tilespmem:v5+s14+$0x0], $0xffff  }
0x252: {  	v54 =	vand.u32 $0xFFFFFF80, v53  }
0x253: {  	v6 =	vadd.s32 v2, v54;
	v4 =	vand.u32 $0x7F, v53  }
0x254: {  	v4 =	vor.u32 v4, v6;
	_ =	sdelay $0x1  }
0x255: {  	v5 =	vmul.f32 v5, v3;
	_ =	sdelay $0x1  }
0x256: {  	[tilespmem:s0+$0xFFFFFD00] =	vst v5  }
0x257: {  	v55 =	vadd.s32 $0x1B, v1;
	v4 =	vld.idx.msk [tilespmem:v4+s14+$0x0], $0xffff  }
0x258: {  	v56 =	vand.u32 $0xFFFFFF80, v55  }
0x259: {  	v6 =	vadd.s32 v2, v56;
	v5 =	vand.u32 $0x7F, v55  }
0x25a: {  	v5 =	vor.u32 v5, v6;
	_ =	sdelay $0x1  }
0x25b: {  	v4 =	vmul.f32 v4, v3;
	_ =	sdelay $0x1  }
0x25c: {  	[tilespmem:s0+$0xFFFFFD80] =	vst v4  }
0x25d: {  	v57 =	vadd.s32 $0x1C, v1;
	v5 =	vld.idx.msk [tilespmem:v5+s14+$0x0], $0xffff  }
0x25e: {  	v58 =	vand.u32 $0xFFFFFF80, v57  }
0x25f: {  	v6 =	vadd.s32 v2, v58;
	v4 =	vand.u32 $0x7F, v57  }
0x260: {  	v4 =	vor.u32 v4, v6;
	_ =	sdelay $0x1  }
0x261: {  	v5 =	vmul.f32 v5, v3;
	_ =	sdelay $0x1  }
0x262: {  	[tilespmem:s0+$0xFFFFFE00] =	vst v5  }
0x263: {  	v59 =	vadd.s32 $0x1D, v1;
	v4 =	vld.idx.msk [tilespmem:v4+s14+$0x0], $0xffff  }
0x264: {  	v60 =	vand.u32 $0xFFFFFF80, v59  }
0x265: {  	v6 =	vadd.s32 v2, v60;
	v5 =	vand.u32 $0x7F, v59  }
0x266: {  	v5 =	vor.u32 v5, v6;
	_ =	sdelay $0x1  }
0x267: {  	v4 =	vmul.f32 v4, v3;
	_ =	sdelay $0x1  }
0x268: {  	[tilespmem:s0+$0xFFFFFE80] =	vst v4  }
0x269: {  	v61 =	vadd.s32 $0x1E, v1;
	v5 =	vld.idx.msk [tilespmem:v5+s14+$0x0], $0xffff  }
0x26a: {  	v62 =	vand.u32 $0xFFFFFF80, v61  }
0x26b: {  	v6 =	vadd.s32 v2, v62;
	v4 =	vand.u32 $0x7F, v61  }
0x26c: {  	v4 =	vor.u32 v4, v6;
	_ =	sdelay $0x1  }
0x26d: {  	v5 =	vmul.f32 v5, v3;
	_ =	sdelay $0x1  }
0x26e: {  	[tilespmem:s0+$0xFFFFFF00] =	vst v5  }
0x26f: {  	v1 =	vadd.s32 $0x1F, v1;
	v4 =	vld.idx.msk [tilespmem:v4+s14+$0x0], $0xffff  }
0x270: {  	v63 =	vand.u32 $0xFFFFFF80, v1  }
0x271: {  	v1 =	vand.u32 $0x7F, v1;
	v2 =	vadd.s32 v2, v63  }
0x272: {  	v1 =	vor.u32 v1, v2;
	_ =	sdelay $0x1  }
0x273: {  	v2 =	vmul.f32 v4, v3;
	_ =	sdelay $0x1  }
0x274: {  	[tilespmem:s0+$0xFFFFFF80] =	vst v2  }
0x275: {  	v1 =	vld.idx.msk [tilespmem:v1+s14+$0x0], $0xffff;
	_ =	sdelay $0x4  }
0x276: {  	s4 =	simm.s32 $0x90;
	v1 =	vmul.f32 v1, v3  }
.LBB2_5:
0x277: {  	_ = 	snop  }
0x278: {  	s31 =	sadd.s32 $0x10, s31;
	s30 =	sadd.s32 $0x10, s30;
	[tilespmem:s0+$0x0] =	vst v1;
	s0 =	sadd.s32 $0x10, s0  }
0x279: {  	p0 =	sne.s32 s4, $0xF0;
	s9 =	smov.u32 s4;
	s4 =	sadd.s32 $0x10, s4;
	v2 =	vld [tilespmem:s30+$0x0]  }
0x27a: {  	_ =	sdelay $0x1  }
0x27b: {  	v1 =	vmov s9  }
0x27c: {  	v1 =	vshll.u32 v1, $0x7  }
0x27d: {  	v3 =	vor.u32 v0, v1;
	v4 =	vand.u32 $0xFFFFFF80, v2;
	v5 =	vadd.s32 $0x1, v2  }
0x27e: {  	v1 =	vand.u32 $0x7F, v2;
	v4 =	vadd.s32 v3, v4;
	v6 =	vand.u32 $0xFFFFFF80, v5  }
0x27f: {  	v1 =	vor.u32 v1, v4;
	v4 =	vadd.s32 v3, v6;
	v6 =	vadd.s32 $0x2, v2  }
0x280: {  	v8 =	vadd.s32 $0x3, v2;
	v56 =	vadd.s32 $0x4, v2;
	v7 =	vand.u32 $0xFFFFFF80, v6  }
0x281: {  	v9 =	vand.u32 $0xFFFFFF80, v8;
	v10 =	vand.u32 $0xFFFFFF80, v56;
	v7 =	vadd.s32 v3, v7  }
0x282: {  	v54 =	vadd.s32 $0x5, v2;
	v9 =	vadd.s32 v3, v9;
	v57 =	vadd.s32 v3, v10  }
0x283: {  	v52 =	vadd.s32 $0x6, v2;
	v49 =	vadd.s32 $0x7, v2;
	v10 =	vand.u32 $0xFFFFFF80, v54  }
0x284: {  	v12 =	vand.u32 $0xFFFFFF80, v49;
	v55 =	vadd.s32 v3, v10;
	v10 =	vand.u32 $0xFFFFFF80, v52;
	v11 =	vld.idx.msk [tilespmem:v1+s14+$0x0], $0xffff  }
0x285: {  	v48 =	vadd.s32 $0x8, v2;
	v51 =	vadd.s32 v3, v12;
	v53 =	vadd.s32 v3, v10;
	v1 =	vld [tilespmem:s31+$0x0]  }
0x286: {  	v46 =	vadd.s32 $0x9, v2;
	v43 =	vadd.s32 $0xA, v2;
	v10 =	vand.u32 $0xFFFFFF80, v48  }
0x287: {  	v5 =	vand.u32 $0x7F, v5;
	v50 =	vadd.s32 v3, v10;
	v10 =	vand.u32 $0xFFFFFF80, v46  }
0x288: {  	v4 =	vor.u32 v5, v4;
	v5 =	vand.u32 $0xFFFFFF80, v43;
	v47 =	vadd.s32 v3, v10  }
0x289: {  	v42 =	vadd.s32 $0xB, v2;
	v39 =	vadd.s32 $0xC, v2;
	v45 =	vadd.s32 v3, v5  }
0x28a: {  	v10 =	vand.u32 $0xFFFFFF80, v42;
	v5 =	vmul.f32 v11, v1;
	v11 =	vand.u32 $0xFFFFFF80, v39  }
0x28b: {  	v38 =	vadd.s32 $0xD, v2;
	v44 =	vadd.s32 v3, v10;
	v41 =	vadd.s32 v3, v11  }
0x28c: {  	v36 =	vadd.s32 $0xE, v2;
	v33 =	vadd.s32 $0xF, v2;
	[tilespmem:s0+$0xFFFFF080] =	vst v5;
	v5 =	vand.u32 $0xFFFFFF80, v38  }
0x28d: {  	v10 =	vand.u32 $0xFFFFFF80, v33;
	v4 =	vld.idx.msk [tilespmem:v4+s14+$0x0], $0xffff;
	v40 =	vadd.s32 v3, v5;
	v5 =	vand.u32 $0xFFFFFF80, v36  }
0x28e: {  	v32 =	vadd.s32 $0x10, v2;
	v35 =	vadd.s32 v3, v10;
	v37 =	vadd.s32 v3, v5  }
0x28f: {  	v30 =	vadd.s32 $0x11, v2;
	v27 =	vadd.s32 $0x12, v2;
	v5 =	vand.u32 $0xFFFFFF80, v32  }
0x290: {  	v6 =	vand.u32 $0x7F, v6;
	v34 =	vadd.s32 v3, v5;
	v5 =	vand.u32 $0xFFFFFF80, v30  }
0x291: {  	v6 =	vor.u32 v6, v7;
	v31 =	vadd.s32 v3, v5;
	v5 =	vand.u32 $0xFFFFFF80, v27  }
0x292: {  	v26 =	vadd.s32 $0x13, v2;
	v23 =	vadd.s32 $0x14, v2;
	v29 =	vadd.s32 v3, v5  }
0x293: {  	v7 =	vand.u32 $0xFFFFFF80, v23;
	v5 =	vand.u32 $0xFFFFFF80, v26;
	v4 =	vmul.f32 v4, v1  }
0x294: {  	v22 =	vadd.s32 $0x15, v2;
	v25 =	vadd.s32 v3, v7;
	v28 =	vadd.s32 v3, v5  }
0x295: {  	v20 =	vadd.s32 $0x16, v2;
	v17 =	vadd.s32 $0x17, v2;
	[tilespmem:s0+$0xFFFFF100] =	vst v4;
	v4 =	vand.u32 $0xFFFFFF80, v22  }
0x296: {  	v5 =	vld.idx.msk [tilespmem:v6+s14+$0x0], $0xffff;
	v24 =	vadd.s32 v3, v4;
	v4 =	vand.u32 $0xFFFFFF80, v20;
	v6 =	vand.u32 $0xFFFFFF80, v17  }
0x297: {  	v16 =	vadd.s32 $0x18, v2;
	v21 =	vadd.s32 v3, v4;
	v19 =	vadd.s32 v3, v6  }
0x298: {  	v14 =	vadd.s32 $0x19, v2;
	v11 =	vadd.s32 $0x1A, v2;
	v4 =	vand.u32 $0xFFFFFF80, v16  }
0x299: {  	v6 =	vand.u32 $0x7F, v8;
	v18 =	vadd.s32 v3, v4;
	v4 =	vand.u32 $0xFFFFFF80, v14  }
0x29a: {  	v8 =	vor.u32 v6, v9;
	v15 =	vadd.s32 v3, v4;
	v4 =	vand.u32 $0xFFFFFF80, v11  }
0x29b: {  	v7 =	vadd.s32 $0x1C, v2;
	v10 =	vadd.s32 $0x1B, v2;
	v13 =	vadd.s32 v3, v4  }
0x29c: {  	v6 =	vand.u32 $0xFFFFFF80, v7;
	v4 =	vmul.f32 v5, v1;
	v5 =	vand.u32 $0xFFFFFF80, v10  }
0x29d: {  	v9 =	vadd.s32 v3, v6;
	v6 =	vadd.s32 $0x1D, v2;
	v12 =	vadd.s32 v3, v5  }
0x29e: {  	v5 =	vand.u32 $0xFFFFFF80, v6;
	[tilespmem:s0+$0xFFFFF180] =	vst v4;
	v4 =	vadd.s32 $0x1E, v2;
	v2 =	vadd.s32 $0x1F, v2  }
0x29f: {  	v58 =	vld.idx.msk [tilespmem:v8+s14+$0x0], $0xffff;
	v8 =	vadd.s32 v3, v5;
	v5 =	vand.u32 $0xFFFFFF80, v4;
	v59 =	vand.u32 $0xFFFFFF80, v2  }
0x2a0: {  	v5 =	vadd.s32 v3, v5;
	v3 =	vadd.s32 v3, v59;
	_ =	sdelay $0x1  }
0x2a1: {  	v56 =	vand.u32 $0x7F, v56  }
0x2a2: {  	v56 =	vor.u32 v56, v57;
	_ =	sdelay $0x1  }
0x2a3: {  	v57 =	vmul.f32 v58, v1;
	_ =	sdelay $0x1  }
0x2a4: {  	[tilespmem:s0+$0xFFFFF200] =	vst v57  }
0x2a5: {  	v56 =	vld.idx.msk [tilespmem:v56+s14+$0x0], $0xffff;
	_ =	sdelay $0x2  }
0x2a6: {  	v54 =	vand.u32 $0x7F, v54  }
0x2a7: {  	v54 =	vor.u32 v54, v55;
	_ =	sdelay $0x1  }
0x2a8: {  	v55 =	vmul.f32 v56, v1;
	_ =	sdelay $0x1  }
0x2a9: {  	[tilespmem:s0+$0xFFFFF280] =	vst v55  }
0x2aa: {  	v54 =	vld.idx.msk [tilespmem:v54+s14+$0x0], $0xffff;
	_ =	sdelay $0x2  }
0x2ab: {  	v52 =	vand.u32 $0x7F, v52  }
0x2ac: {  	v52 =	vor.u32 v52, v53;
	_ =	sdelay $0x1  }
0x2ad: {  	v53 =	vmul.f32 v54, v1;
	_ =	sdelay $0x1  }
0x2ae: {  	[tilespmem:s0+$0xFFFFF300] =	vst v53  }
0x2af: {  	v52 =	vld.idx.msk [tilespmem:v52+s14+$0x0], $0xffff;
	_ =	sdelay $0x2  }
0x2b0: {  	v49 =	vand.u32 $0x7F, v49  }
0x2b1: {  	v49 =	vor.u32 v49, v51;
	_ =	sdelay $0x1  }
0x2b2: {  	v51 =	vmul.f32 v52, v1;
	_ =	sdelay $0x1  }
0x2b3: {  	[tilespmem:s0+$0xFFFFF380] =	vst v51  }
0x2b4: {  	v49 =	vld.idx.msk [tilespmem:v49+s14+$0x0], $0xffff;
	_ =	sdelay $0x2  }
0x2b5: {  	v48 =	vand.u32 $0x7F, v48  }
0x2b6: {  	v48 =	vor.u32 v48, v50;
	_ =	sdelay $0x1  }
0x2b7: {  	v49 =	vmul.f32 v49, v1;
	_ =	sdelay $0x1  }
0x2b8: {  	[tilespmem:s0+$0xFFFFF400] =	vst v49  }
0x2b9: {  	v48 =	vld.idx.msk [tilespmem:v48+s14+$0x0], $0xffff;
	_ =	sdelay $0x2  }
0x2ba: {  	v46 =	vand.u32 $0x7F, v46  }
0x2bb: {  	v46 =	vor.u32 v46, v47;
	_ =	sdelay $0x1  }
0x2bc: {  	v47 =	vmul.f32 v48, v1;
	_ =	sdelay $0x1  }
0x2bd: {  	[tilespmem:s0+$0xFFFFF480] =	vst v47  }
0x2be: {  	v46 =	vld.idx.msk [tilespmem:v46+s14+$0x0], $0xffff;
	_ =	sdelay $0x2  }
0x2bf: {  	v43 =	vand.u32 $0x7F, v43  }
0x2c0: {  	v43 =	vor.u32 v43, v45;
	_ =	sdelay $0x1  }
0x2c1: {  	v45 =	vmul.f32 v46, v1;
	_ =	sdelay $0x1  }
0x2c2: {  	[tilespmem:s0+$0xFFFFF500] =	vst v45  }
0x2c3: {  	v43 =	vld.idx.msk [tilespmem:v43+s14+$0x0], $0xffff;
	_ =	sdelay $0x2  }
0x2c4: {  	v42 =	vand.u32 $0x7F, v42  }
0x2c5: {  	v42 =	vor.u32 v42, v44;
	_ =	sdelay $0x1  }
0x2c6: {  	v43 =	vmul.f32 v43, v1;
	_ =	sdelay $0x1  }
0x2c7: {  	[tilespmem:s0+$0xFFFFF580] =	vst v43  }
0x2c8: {  	v42 =	vld.idx.msk [tilespmem:v42+s14+$0x0], $0xffff;
	_ =	sdelay $0x2  }
0x2c9: {  	v39 =	vand.u32 $0x7F, v39  }
0x2ca: {  	v39 =	vor.u32 v39, v41;
	_ =	sdelay $0x1  }
0x2cb: {  	v41 =	vmul.f32 v42, v1;
	_ =	sdelay $0x1  }
0x2cc: {  	[tilespmem:s0+$0xFFFFF600] =	vst v41  }
0x2cd: {  	v39 =	vld.idx.msk [tilespmem:v39+s14+$0x0], $0xffff;
	_ =	sdelay $0x2  }
0x2ce: {  	v38 =	vand.u32 $0x7F, v38  }
0x2cf: {  	v38 =	vor.u32 v38, v40;
	_ =	sdelay $0x1  }
0x2d0: {  	v39 =	vmul.f32 v39, v1;
	_ =	sdelay $0x1  }
0x2d1: {  	[tilespmem:s0+$0xFFFFF680] =	vst v39  }
0x2d2: {  	v38 =	vld.idx.msk [tilespmem:v38+s14+$0x0], $0xffff;
	_ =	sdelay $0x2  }
0x2d3: {  	v36 =	vand.u32 $0x7F, v36  }
0x2d4: {  	v36 =	vor.u32 v36, v37;
	_ =	sdelay $0x1  }
0x2d5: {  	v37 =	vmul.f32 v38, v1;
	_ =	sdelay $0x1  }
0x2d6: {  	[tilespmem:s0+$0xFFFFF700] =	vst v37  }
0x2d7: {  	v36 =	vld.idx.msk [tilespmem:v36+s14+$0x0], $0xffff;
	_ =	sdelay $0x2  }
0x2d8: {  	v33 =	vand.u32 $0x7F, v33  }
0x2d9: {  	v33 =	vor.u32 v33, v35;
	_ =	sdelay $0x1  }
0x2da: {  	v35 =	vmul.f32 v36, v1;
	_ =	sdelay $0x1  }
0x2db: {  	[tilespmem:s0+$0xFFFFF780] =	vst v35  }
0x2dc: {  	v33 =	vld.idx.msk [tilespmem:v33+s14+$0x0], $0xffff;
	_ =	sdelay $0x2  }
0x2dd: {  	v32 =	vand.u32 $0x7F, v32  }
0x2de: {  	v32 =	vor.u32 v32, v34;
	_ =	sdelay $0x1  }
0x2df: {  	v33 =	vmul.f32 v33, v1;
	_ =	sdelay $0x1  }
0x2e0: {  	[tilespmem:s0+$0xFFFFF800] =	vst v33  }
0x2e1: {  	v32 =	vld.idx.msk [tilespmem:v32+s14+$0x0], $0xffff;
	_ =	sdelay $0x2  }
0x2e2: {  	v30 =	vand.u32 $0x7F, v30  }
0x2e3: {  	v30 =	vor.u32 v30, v31;
	_ =	sdelay $0x1  }
0x2e4: {  	v31 =	vmul.f32 v32, v1;
	_ =	sdelay $0x1  }
0x2e5: {  	[tilespmem:s0+$0xFFFFF880] =	vst v31  }
0x2e6: {  	v30 =	vld.idx.msk [tilespmem:v30+s14+$0x0], $0xffff;
	_ =	sdelay $0x2  }
0x2e7: {  	v27 =	vand.u32 $0x7F, v27  }
0x2e8: {  	v27 =	vor.u32 v27, v29;
	_ =	sdelay $0x1  }
0x2e9: {  	v29 =	vmul.f32 v30, v1;
	_ =	sdelay $0x1  }
0x2ea: {  	[tilespmem:s0+$0xFFFFF900] =	vst v29  }
0x2eb: {  	v27 =	vld.idx.msk [tilespmem:v27+s14+$0x0], $0xffff;
	_ =	sdelay $0x2  }
0x2ec: {  	v26 =	vand.u32 $0x7F, v26  }
0x2ed: {  	v26 =	vor.u32 v26, v28;
	_ =	sdelay $0x1  }
0x2ee: {  	v27 =	vmul.f32 v27, v1;
	_ =	sdelay $0x1  }
0x2ef: {  	[tilespmem:s0+$0xFFFFF980] =	vst v27  }
0x2f0: {  	v26 =	vld.idx.msk [tilespmem:v26+s14+$0x0], $0xffff;
	_ =	sdelay $0x2  }
0x2f1: {  	v23 =	vand.u32 $0x7F, v23  }
0x2f2: {  	v23 =	vor.u32 v23, v25;
	_ =	sdelay $0x1  }
0x2f3: {  	v25 =	vmul.f32 v26, v1;
	_ =	sdelay $0x1  }
0x2f4: {  	[tilespmem:s0+$0xFFFFFA00] =	vst v25  }
0x2f5: {  	v23 =	vld.idx.msk [tilespmem:v23+s14+$0x0], $0xffff;
	_ =	sdelay $0x2  }
0x2f6: {  	v22 =	vand.u32 $0x7F, v22  }
0x2f7: {  	v22 =	vor.u32 v22, v24;
	_ =	sdelay $0x1  }
0x2f8: {  	v23 =	vmul.f32 v23, v1;
	_ =	sdelay $0x1  }
0x2f9: {  	[tilespmem:s0+$0xFFFFFA80] =	vst v23  }
0x2fa: {  	v22 =	vld.idx.msk [tilespmem:v22+s14+$0x0], $0xffff;
	_ =	sdelay $0x2  }
0x2fb: {  	v20 =	vand.u32 $0x7F, v20  }
0x2fc: {  	v20 =	vor.u32 v20, v21;
	_ =	sdelay $0x1  }
0x2fd: {  	v21 =	vmul.f32 v22, v1;
	_ =	sdelay $0x1  }
0x2fe: {  	[tilespmem:s0+$0xFFFFFB00] =	vst v21  }
0x2ff: {  	v20 =	vld.idx.msk [tilespmem:v20+s14+$0x0], $0xffff;
	_ =	sdelay $0x2  }
0x300: {  	v17 =	vand.u32 $0x7F, v17  }
0x301: {  	v17 =	vor.u32 v17, v19;
	_ =	sdelay $0x1  }
0x302: {  	v19 =	vmul.f32 v20, v1;
	_ =	sdelay $0x1  }
0x303: {  	[tilespmem:s0+$0xFFFFFB80] =	vst v19  }
0x304: {  	v17 =	vld.idx.msk [tilespmem:v17+s14+$0x0], $0xffff;
	_ =	sdelay $0x2  }
0x305: {  	v16 =	vand.u32 $0x7F, v16  }
0x306: {  	v16 =	vor.u32 v16, v18;
	_ =	sdelay $0x1  }
0x307: {  	v17 =	vmul.f32 v17, v1;
	_ =	sdelay $0x1  }
0x308: {  	[tilespmem:s0+$0xFFFFFC00] =	vst v17  }
0x309: {  	v16 =	vld.idx.msk [tilespmem:v16+s14+$0x0], $0xffff;
	_ =	sdelay $0x2  }
0x30a: {  	v14 =	vand.u32 $0x7F, v14  }
0x30b: {  	v14 =	vor.u32 v14, v15;
	_ =	sdelay $0x1  }
0x30c: {  	v15 =	vmul.f32 v16, v1;
	_ =	sdelay $0x1  }
0x30d: {  	[tilespmem:s0+$0xFFFFFC80] =	vst v15  }
0x30e: {  	v14 =	vld.idx.msk [tilespmem:v14+s14+$0x0], $0xffff;
	_ =	sdelay $0x2  }
0x30f: {  	v11 =	vand.u32 $0x7F, v11  }
0x310: {  	v11 =	vor.u32 v11, v13;
	_ =	sdelay $0x1  }
0x311: {  	v13 =	vmul.f32 v14, v1;
	_ =	sdelay $0x1  }
0x312: {  	[tilespmem:s0+$0xFFFFFD00] =	vst v13  }
0x313: {  	v11 =	vld.idx.msk [tilespmem:v11+s14+$0x0], $0xffff;
	_ =	sdelay $0x2  }
0x314: {  	v10 =	vand.u32 $0x7F, v10  }
0x315: {  	v10 =	vor.u32 v10, v12;
	_ =	sdelay $0x1  }
0x316: {  	v11 =	vmul.f32 v11, v1;
	_ =	sdelay $0x1  }
0x317: {  	[tilespmem:s0+$0xFFFFFD80] =	vst v11  }
0x318: {  	v10 =	vld.idx.msk [tilespmem:v10+s14+$0x0], $0xffff;
	_ =	sdelay $0x2  }
0x319: {  	v7 =	vand.u32 $0x7F, v7  }
0x31a: {  	v7 =	vor.u32 v7, v9;
	_ =	sdelay $0x1  }
0x31b: {  	v9 =	vmul.f32 v10, v1;
	_ =	sdelay $0x1  }
0x31c: {  	[tilespmem:s0+$0xFFFFFE00] =	vst v9  }
0x31d: {  	v7 =	vld.idx.msk [tilespmem:v7+s14+$0x0], $0xffff;
	_ =	sdelay $0x2  }
0x31e: {  	v6 =	vand.u32 $0x7F, v6  }
0x31f: {  	v6 =	vor.u32 v6, v8;
	_ =	sdelay $0x1  }
0x320: {  	v7 =	vmul.f32 v7, v1;
	_ =	sdelay $0x1  }
0x321: {  	[tilespmem:s0+$0xFFFFFE80] =	vst v7  }
0x322: {  	v6 =	vld.idx.msk [tilespmem:v6+s14+$0x0], $0xffff;
	_ =	sdelay $0x2  }
0x323: {  	v4 =	vand.u32 $0x7F, v4  }
0x324: {  	v4 =	vor.u32 v4, v5;
	_ =	sdelay $0x1  }
0x325: {  	v5 =	vmul.f32 v6, v1;
	_ =	sdelay $0x1  }
0x326: {  	[tilespmem:s0+$0xFFFFFF00] =	vst v5  }
0x327: {  	v4 =	vld.idx.msk [tilespmem:v4+s14+$0x0], $0xffff;
	_ =	sdelay $0x2  }
0x328: {  	v2 =	vand.u32 $0x7F, v2  }
0x329: {  	v2 =	vor.u32 v2, v3;
	_ =	sdelay $0x1  }
0x32a: {  	v3 =	vmul.f32 v4, v1;
	_ =	sdelay $0x1  }
0x32b: {  	[tilespmem:s0+$0xFFFFFF80] =	vst v3  }
0x32c: {  	v2 =	vld.idx.msk [tilespmem:v2+s14+$0x0], $0xffff;
	_ =	sdelay $0x1  }
.Ltmp1:
0x32d: {  	(pc) =	sbr.rel @p0 .LBB2_5-.Ltmp1, $2  }
0x32e: {  	_ =	sdelay $0x2  }
0x32f: {  	v1 =	vmul.f32 v2, v1  }
0x330: {  	_ = 	snop  }
0x331: {  	[tilespmem:s0+$0x0] =	vst v1  }
0x332: {  	_ =	swait.ge [sflag:s22], $0x4000  }
0x333: {  	[sflag:s22] =	ssyncset.done $0x0  }
0x334: {  	s30 =	simm.s32 $0x300;
	[sflag:s22] =	ssyncadd.s32 $0xFFFFC000  }
0x335: {  	v1 =	vld [tilespmem:s30+$0x0];
	_ =	sdelay $0x1  }
0x336: {  	s9 =	simm.s32 $0x100  }
0x337: {  	v2 =	vmov s9  }
0x338: {  	v2 =	vshll.u32 v2, $0x7  }
0x339: {  	v2 =	vor.u32 v0, v2;
	v3 =	vand.u32 $0xFFFFFF80, v1  }
0x33a: {  	v4 =	vand.u32 $0x7F, v1;
	v3 =	vadd.s32 v2, v3  }
0x33b: {  	v3 =	vor.u32 v4, v3;
	_ =	sdelay $0x4  }
0x33c: {  	s31 =	simm.s32 $0x500;
	v4 =	vld.idx.msk [tilespmem:v3+s14+$0x0], $0xffff  }
0x33d: {  	v5 =	vadd.s32 $0x1, v1;
	v3 =	vld [tilespmem:s31+$0x0]  }
0x33e: {  	v6 =	vand.u32 $0xFFFFFF80, v5  }
0x33f: {  	v5 =	vand.u32 $0x7F, v5;
	v6 =	vadd.s32 v2, v6  }
0x340: {  	v5 =	vor.u32 v5, v6;
	_ =	sdelay $0x1  }
0x341: {  	v4 =	vmul.f32 v4, v3  }
0x342: {  	s0 =	simm.s32 $0x13580  }
0x343: {  	[tilespmem:s0+$0xFFFFF080] =	vst v4  }
0x344: {  	v60 =	vadd.s32 $0x2, v1;
	v5 =	vld.idx.msk [tilespmem:v5+s14+$0x0], $0xffff  }
0x345: {  	v61 =	vand.u32 $0xFFFFFF80, v60  }
0x346: {  	v6 =	vadd.s32 v2, v61;
	v4 =	vand.u32 $0x7F, v60  }
0x347: {  	v4 =	vor.u32 v4, v6;
	_ =	sdelay $0x1  }
0x348: {  	v5 =	vmul.f32 v5, v3;
	_ =	sdelay $0x1  }
0x349: {  	[tilespmem:s0+$0xFFFFF100] =	vst v5  }
0x34a: {  	v62 =	vadd.s32 $0x3, v1;
	v4 =	vld.idx.msk [tilespmem:v4+s14+$0x0], $0xffff  }
0x34b: {  	v63 =	vand.u32 $0xFFFFFF80, v62  }
0x34c: {  	v6 =	vadd.s32 v2, v63;
	v5 =	vand.u32 $0x7F, v62  }
0x34d: {  	v5 =	vor.u32 v5, v6;
	_ =	sdelay $0x1  }
0x34e: {  	v4 =	vmul.f32 v4, v3;
	_ =	sdelay $0x1  }
0x34f: {  	[tilespmem:s0+$0xFFFFF180] =	vst v4  }
0x350: {  	v9 =	vadd.s32 $0x4, v1;
	v5 =	vld.idx.msk [tilespmem:v5+s14+$0x0], $0xffff  }
0x351: {  	v10 =	vand.u32 $0xFFFFFF80, v9  }
0x352: {  	v6 =	vadd.s32 v2, v10;
	v4 =	vand.u32 $0x7F, v9  }
0x353: {  	v4 =	vor.u32 v4, v6;
	_ =	sdelay $0x1  }
0x354: {  	v5 =	vmul.f32 v5, v3;
	_ =	sdelay $0x1  }
0x355: {  	[tilespmem:s0+$0xFFFFF200] =	vst v5  }
0x356: {  	v11 =	vadd.s32 $0x5, v1;
	v4 =	vld.idx.msk [tilespmem:v4+s14+$0x0], $0xffff  }
0x357: {  	v12 =	vand.u32 $0xFFFFFF80, v11  }
0x358: {  	v6 =	vadd.s32 v2, v12;
	v5 =	vand.u32 $0x7F, v11  }
0x359: {  	v5 =	vor.u32 v5, v6;
	_ =	sdelay $0x1  }
0x35a: {  	v4 =	vmul.f32 v4, v3;
	_ =	sdelay $0x1  }
0x35b: {  	[tilespmem:s0+$0xFFFFF280] =	vst v4  }
0x35c: {  	v13 =	vadd.s32 $0x6, v1;
	v5 =	vld.idx.msk [tilespmem:v5+s14+$0x0], $0xffff  }
0x35d: {  	v14 =	vand.u32 $0xFFFFFF80, v13  }
0x35e: {  	v6 =	vadd.s32 v2, v14;
	v4 =	vand.u32 $0x7F, v13  }
0x35f: {  	v4 =	vor.u32 v4, v6;
	_ =	sdelay $0x1  }
0x360: {  	v5 =	vmul.f32 v5, v3;
	_ =	sdelay $0x1  }
0x361: {  	[tilespmem:s0+$0xFFFFF300] =	vst v5  }
0x362: {  	v15 =	vadd.s32 $0x7, v1;
	v4 =	vld.idx.msk [tilespmem:v4+s14+$0x0], $0xffff  }
0x363: {  	v16 =	vand.u32 $0xFFFFFF80, v15  }
0x364: {  	v6 =	vadd.s32 v2, v16;
	v5 =	vand.u32 $0x7F, v15  }
0x365: {  	v5 =	vor.u32 v5, v6;
	_ =	sdelay $0x1  }
0x366: {  	v4 =	vmul.f32 v4, v3;
	_ =	sdelay $0x1  }
0x367: {  	[tilespmem:s0+$0xFFFFF380] =	vst v4  }
0x368: {  	v17 =	vadd.s32 $0x8, v1;
	v5 =	vld.idx.msk [tilespmem:v5+s14+$0x0], $0xffff  }
0x369: {  	v18 =	vand.u32 $0xFFFFFF80, v17  }
0x36a: {  	v6 =	vadd.s32 v2, v18;
	v4 =	vand.u32 $0x7F, v17  }
0x36b: {  	v4 =	vor.u32 v4, v6;
	_ =	sdelay $0x1  }
0x36c: {  	v5 =	vmul.f32 v5, v3;
	_ =	sdelay $0x1  }
0x36d: {  	[tilespmem:s0+$0xFFFFF400] =	vst v5  }
0x36e: {  	v19 =	vadd.s32 $0x9, v1;
	v4 =	vld.idx.msk [tilespmem:v4+s14+$0x0], $0xffff  }
0x36f: {  	v20 =	vand.u32 $0xFFFFFF80, v19  }
0x370: {  	v6 =	vadd.s32 v2, v20;
	v5 =	vand.u32 $0x7F, v19  }
0x371: {  	v5 =	vor.u32 v5, v6;
	_ =	sdelay $0x1  }
0x372: {  	v4 =	vmul.f32 v4, v3;
	_ =	sdelay $0x1  }
0x373: {  	[tilespmem:s0+$0xFFFFF480] =	vst v4  }
0x374: {  	v21 =	vadd.s32 $0xA, v1;
	v5 =	vld.idx.msk [tilespmem:v5+s14+$0x0], $0xffff  }
0x375: {  	v22 =	vand.u32 $0xFFFFFF80, v21  }
0x376: {  	v6 =	vadd.s32 v2, v22;
	v4 =	vand.u32 $0x7F, v21  }
0x377: {  	v4 =	vor.u32 v4, v6;
	_ =	sdelay $0x1  }
0x378: {  	v5 =	vmul.f32 v5, v3;
	_ =	sdelay $0x1  }
0x379: {  	[tilespmem:s0+$0xFFFFF500] =	vst v5  }
0x37a: {  	v23 =	vadd.s32 $0xB, v1;
	v4 =	vld.idx.msk [tilespmem:v4+s14+$0x0], $0xffff  }
0x37b: {  	v24 =	vand.u32 $0xFFFFFF80, v23  }
0x37c: {  	v6 =	vadd.s32 v2, v24;
	v5 =	vand.u32 $0x7F, v23  }
0x37d: {  	v5 =	vor.u32 v5, v6;
	_ =	sdelay $0x1  }
0x37e: {  	v4 =	vmul.f32 v4, v3;
	_ =	sdelay $0x1  }
0x37f: {  	[tilespmem:s0+$0xFFFFF580] =	vst v4  }
0x380: {  	v25 =	vadd.s32 $0xC, v1;
	v5 =	vld.idx.msk [tilespmem:v5+s14+$0x0], $0xffff  }
0x381: {  	v26 =	vand.u32 $0xFFFFFF80, v25  }
0x382: {  	v6 =	vadd.s32 v2, v26;
	v4 =	vand.u32 $0x7F, v25  }
0x383: {  	v4 =	vor.u32 v4, v6;
	_ =	sdelay $0x1  }
0x384: {  	v5 =	vmul.f32 v5, v3;
	_ =	sdelay $0x1  }
0x385: {  	[tilespmem:s0+$0xFFFFF600] =	vst v5  }
0x386: {  	v27 =	vadd.s32 $0xD, v1;
	v4 =	vld.idx.msk [tilespmem:v4+s14+$0x0], $0xffff  }
0x387: {  	v28 =	vand.u32 $0xFFFFFF80, v27  }
0x388: {  	v6 =	vadd.s32 v2, v28;
	v5 =	vand.u32 $0x7F, v27  }
0x389: {  	v5 =	vor.u32 v5, v6;
	_ =	sdelay $0x1  }
0x38a: {  	v4 =	vmul.f32 v4, v3;
	_ =	sdelay $0x1  }
0x38b: {  	[tilespmem:s0+$0xFFFFF680] =	vst v4  }
0x38c: {  	v29 =	vadd.s32 $0xE, v1;
	v5 =	vld.idx.msk [tilespmem:v5+s14+$0x0], $0xffff  }
0x38d: {  	v30 =	vand.u32 $0xFFFFFF80, v29  }
0x38e: {  	v6 =	vadd.s32 v2, v30;
	v4 =	vand.u32 $0x7F, v29  }
0x38f: {  	v4 =	vor.u32 v4, v6;
	_ =	sdelay $0x1  }
0x390: {  	v5 =	vmul.f32 v5, v3;
	_ =	sdelay $0x1  }
0x391: {  	[tilespmem:s0+$0xFFFFF700] =	vst v5  }
0x392: {  	v31 =	vadd.s32 $0xF, v1;
	v4 =	vld.idx.msk [tilespmem:v4+s14+$0x0], $0xffff  }
0x393: {  	v32 =	vand.u32 $0xFFFFFF80, v31  }
0x394: {  	v6 =	vadd.s32 v2, v32;
	v5 =	vand.u32 $0x7F, v31  }
0x395: {  	v5 =	vor.u32 v5, v6;
	_ =	sdelay $0x1  }
0x396: {  	v4 =	vmul.f32 v4, v3;
	_ =	sdelay $0x1  }
0x397: {  	[tilespmem:s0+$0xFFFFF780] =	vst v4  }
0x398: {  	v33 =	vadd.s32 $0x10, v1;
	v5 =	vld.idx.msk [tilespmem:v5+s14+$0x0], $0xffff  }
0x399: {  	v34 =	vand.u32 $0xFFFFFF80, v33  }
0x39a: {  	v6 =	vadd.s32 v2, v34;
	v4 =	vand.u32 $0x7F, v33  }
0x39b: {  	v4 =	vor.u32 v4, v6;
	_ =	sdelay $0x1  }
0x39c: {  	v5 =	vmul.f32 v5, v3;
	_ =	sdelay $0x1  }
0x39d: {  	[tilespmem:s0+$0xFFFFF800] =	vst v5  }
0x39e: {  	v35 =	vadd.s32 $0x11, v1;
	v4 =	vld.idx.msk [tilespmem:v4+s14+$0x0], $0xffff  }
0x39f: {  	v36 =	vand.u32 $0xFFFFFF80, v35  }
0x3a0: {  	v6 =	vadd.s32 v2, v36;
	v5 =	vand.u32 $0x7F, v35  }
0x3a1: {  	v5 =	vor.u32 v5, v6;
	_ =	sdelay $0x1  }
0x3a2: {  	v4 =	vmul.f32 v4, v3;
	_ =	sdelay $0x1  }
0x3a3: {  	[tilespmem:s0+$0xFFFFF880] =	vst v4  }
0x3a4: {  	v37 =	vadd.s32 $0x12, v1;
	v5 =	vld.idx.msk [tilespmem:v5+s14+$0x0], $0xffff  }
0x3a5: {  	v38 =	vand.u32 $0xFFFFFF80, v37  }
0x3a6: {  	v6 =	vadd.s32 v2, v38;
	v4 =	vand.u32 $0x7F, v37  }
0x3a7: {  	v4 =	vor.u32 v4, v6;
	_ =	sdelay $0x1  }
0x3a8: {  	v5 =	vmul.f32 v5, v3;
	_ =	sdelay $0x1  }
0x3a9: {  	[tilespmem:s0+$0xFFFFF900] =	vst v5  }
0x3aa: {  	v39 =	vadd.s32 $0x13, v1;
	v4 =	vld.idx.msk [tilespmem:v4+s14+$0x0], $0xffff  }
0x3ab: {  	v40 =	vand.u32 $0xFFFFFF80, v39  }
0x3ac: {  	v6 =	vadd.s32 v2, v40;
	v5 =	vand.u32 $0x7F, v39  }
0x3ad: {  	v5 =	vor.u32 v5, v6;
	_ =	sdelay $0x1  }
0x3ae: {  	v4 =	vmul.f32 v4, v3;
	_ =	sdelay $0x1  }
0x3af: {  	[tilespmem:s0+$0xFFFFF980] =	vst v4  }
0x3b0: {  	v41 =	vadd.s32 $0x14, v1;
	v5 =	vld.idx.msk [tilespmem:v5+s14+$0x0], $0xffff  }
0x3b1: {  	v42 =	vand.u32 $0xFFFFFF80, v41  }
0x3b2: {  	v6 =	vadd.s32 v2, v42;
	v4 =	vand.u32 $0x7F, v41  }
0x3b3: {  	v4 =	vor.u32 v4, v6;
	_ =	sdelay $0x1  }
0x3b4: {  	v5 =	vmul.f32 v5, v3;
	_ =	sdelay $0x1  }
0x3b5: {  	[tilespmem:s0+$0xFFFFFA00] =	vst v5  }
0x3b6: {  	v43 =	vadd.s32 $0x15, v1;
	v4 =	vld.idx.msk [tilespmem:v4+s14+$0x0], $0xffff  }
0x3b7: {  	v44 =	vand.u32 $0xFFFFFF80, v43  }
0x3b8: {  	v6 =	vadd.s32 v2, v44;
	v5 =	vand.u32 $0x7F, v43  }
0x3b9: {  	v5 =	vor.u32 v5, v6;
	_ =	sdelay $0x1  }
0x3ba: {  	v4 =	vmul.f32 v4, v3;
	_ =	sdelay $0x1  }
0x3bb: {  	[tilespmem:s0+$0xFFFFFA80] =	vst v4  }
0x3bc: {  	v45 =	vadd.s32 $0x16, v1;
	v5 =	vld.idx.msk [tilespmem:v5+s14+$0x0], $0xffff  }
0x3bd: {  	v46 =	vand.u32 $0xFFFFFF80, v45  }
0x3be: {  	v6 =	vadd.s32 v2, v46;
	v4 =	vand.u32 $0x7F, v45  }
0x3bf: {  	v4 =	vor.u32 v4, v6;
	_ =	sdelay $0x1  }
0x3c0: {  	v5 =	vmul.f32 v5, v3;
	_ =	sdelay $0x1  }
0x3c1: {  	[tilespmem:s0+$0xFFFFFB00] =	vst v5  }
0x3c2: {  	v47 =	vadd.s32 $0x17, v1;
	v4 =	vld.idx.msk [tilespmem:v4+s14+$0x0], $0xffff  }
0x3c3: {  	v48 =	vand.u32 $0xFFFFFF80, v47  }
0x3c4: {  	v6 =	vadd.s32 v2, v48;
	v5 =	vand.u32 $0x7F, v47  }
0x3c5: {  	v5 =	vor.u32 v5, v6;
	_ =	sdelay $0x1  }
0x3c6: {  	v4 =	vmul.f32 v4, v3;
	_ =	sdelay $0x1  }
0x3c7: {  	[tilespmem:s0+$0xFFFFFB80] =	vst v4  }
0x3c8: {  	v49 =	vadd.s32 $0x18, v1;
	v5 =	vld.idx.msk [tilespmem:v5+s14+$0x0], $0xffff  }
0x3c9: {  	v50 =	vand.u32 $0xFFFFFF80, v49  }
0x3ca: {  	v6 =	vadd.s32 v2, v50;
	v4 =	vand.u32 $0x7F, v49  }
0x3cb: {  	v4 =	vor.u32 v4, v6;
	_ =	sdelay $0x1  }
0x3cc: {  	v5 =	vmul.f32 v5, v3;
	_ =	sdelay $0x1  }
0x3cd: {  	[tilespmem:s0+$0xFFFFFC00] =	vst v5  }
0x3ce: {  	v51 =	vadd.s32 $0x19, v1;
	v4 =	vld.idx.msk [tilespmem:v4+s14+$0x0], $0xffff  }
0x3cf: {  	v52 =	vand.u32 $0xFFFFFF80, v51  }
0x3d0: {  	v6 =	vadd.s32 v2, v52;
	v5 =	vand.u32 $0x7F, v51  }
0x3d1: {  	v5 =	vor.u32 v5, v6;
	_ =	sdelay $0x1  }
0x3d2: {  	v4 =	vmul.f32 v4, v3;
	_ =	sdelay $0x1  }
0x3d3: {  	[tilespmem:s0+$0xFFFFFC80] =	vst v4  }
0x3d4: {  	v53 =	vadd.s32 $0x1A, v1;
	v5 =	vld.idx.msk [tilespmem:v5+s14+$0x0], $0xffff  }
0x3d5: {  	v54 =	vand.u32 $0xFFFFFF80, v53  }
0x3d6: {  	v6 =	vadd.s32 v2, v54;
	v4 =	vand.u32 $0x7F, v53  }
0x3d7: {  	v4 =	vor.u32 v4, v6;
	_ =	sdelay $0x1  }
0x3d8: {  	v5 =	vmul.f32 v5, v3;
	_ =	sdelay $0x1  }
0x3d9: {  	[tilespmem:s0+$0xFFFFFD00] =	vst v5  }
0x3da: {  	v55 =	vadd.s32 $0x1B, v1;
	v4 =	vld.idx.msk [tilespmem:v4+s14+$0x0], $0xffff  }
0x3db: {  	v56 =	vand.u32 $0xFFFFFF80, v55  }
0x3dc: {  	v6 =	vadd.s32 v2, v56;
	v5 =	vand.u32 $0x7F, v55  }
0x3dd: {  	v5 =	vor.u32 v5, v6;
	_ =	sdelay $0x1  }
0x3de: {  	v4 =	vmul.f32 v4, v3;
	_ =	sdelay $0x1  }
0x3df: {  	[tilespmem:s0+$0xFFFFFD80] =	vst v4  }
0x3e0: {  	v57 =	vadd.s32 $0x1C, v1;
	v5 =	vld.idx.msk [tilespmem:v5+s14+$0x0], $0xffff  }
0x3e1: {  	v58 =	vand.u32 $0xFFFFFF80, v57  }
0x3e2: {  	v6 =	vadd.s32 v2, v58;
	v4 =	vand.u32 $0x7F, v57  }
0x3e3: {  	v4 =	vor.u32 v4, v6;
	_ =	sdelay $0x1  }
0x3e4: {  	v5 =	vmul.f32 v5, v3;
	_ =	sdelay $0x1  }
0x3e5: {  	[tilespmem:s0+$0xFFFFFE00] =	vst v5  }
0x3e6: {  	v59 =	vadd.s32 $0x1D, v1;
	v4 =	vld.idx.msk [tilespmem:v4+s14+$0x0], $0xffff  }
0x3e7: {  	v60 =	vand.u32 $0xFFFFFF80, v59  }
0x3e8: {  	v6 =	vadd.s32 v2, v60;
	v5 =	vand.u32 $0x7F, v59  }
0x3e9: {  	v5 =	vor.u32 v5, v6;
	_ =	sdelay $0x1  }
0x3ea: {  	v4 =	vmul.f32 v4, v3;
	_ =	sdelay $0x1  }
0x3eb: {  	[tilespmem:s0+$0xFFFFFE80] =	vst v4  }
0x3ec: {  	v61 =	vadd.s32 $0x1E, v1;
	v5 =	vld.idx.msk [tilespmem:v5+s14+$0x0], $0xffff  }
0x3ed: {  	v62 =	vand.u32 $0xFFFFFF80, v61  }
0x3ee: {  	v6 =	vadd.s32 v2, v62;
	v4 =	vand.u32 $0x7F, v61  }
0x3ef: {  	v4 =	vor.u32 v4, v6;
	_ =	sdelay $0x1  }
0x3f0: {  	v5 =	vmul.f32 v5, v3;
	_ =	sdelay $0x1  }
0x3f1: {  	[tilespmem:s0+$0xFFFFFF00] =	vst v5  }
0x3f2: {  	v1 =	vadd.s32 $0x1F, v1;
	v4 =	vld.idx.msk [tilespmem:v4+s14+$0x0], $0xffff  }
0x3f3: {  	v63 =	vand.u32 $0xFFFFFF80, v1  }
0x3f4: {  	v1 =	vand.u32 $0x7F, v1;
	v2 =	vadd.s32 v2, v63  }
0x3f5: {  	v1 =	vor.u32 v1, v2;
	_ =	sdelay $0x1  }
0x3f6: {  	v2 =	vmul.f32 v4, v3;
	_ =	sdelay $0x1  }
0x3f7: {  	[tilespmem:s0+$0xFFFFFF80] =	vst v2  }
0x3f8: {  	v1 =	vld.idx.msk [tilespmem:v1+s14+$0x0], $0xffff;
	_ =	sdelay $0x4  }
0x3f9: {  	s4 =	simm.s32 $0x110;
	v1 =	vmul.f32 v1, v3  }
.LBB2_7:
0x3fa: {  	_ = 	snop  }
0x3fb: {  	s31 =	sadd.s32 $0x10, s31;
	s30 =	sadd.s32 $0x10, s30;
	[tilespmem:s0+$0x0] =	vst v1;
	s0 =	sadd.s32 $0x10, s0  }
0x3fc: {  	p0 =	sne.s32 s4, $0x170;
	s9 =	smov.u32 s4;
	s4 =	sadd.s32 $0x10, s4;
	v2 =	vld [tilespmem:s30+$0x0]  }
0x3fd: {  	_ =	sdelay $0x1  }
0x3fe: {  	v1 =	vmov s9  }
0x3ff: {  	v1 =	vshll.u32 v1, $0x7  }
0x400: {  	v3 =	vor.u32 v0, v1;
	v4 =	vand.u32 $0xFFFFFF80, v2;
	v5 =	vadd.s32 $0x1, v2  }
0x401: {  	v1 =	vand.u32 $0x7F, v2;
	v4 =	vadd.s32 v3, v4;
	v6 =	vand.u32 $0xFFFFFF80, v5  }
0x402: {  	v1 =	vor.u32 v1, v4;
	v4 =	vadd.s32 v3, v6;
	v6 =	vadd.s32 $0x2, v2  }
0x403: {  	v8 =	vadd.s32 $0x3, v2;
	v56 =	vadd.s32 $0x4, v2;
	v7 =	vand.u32 $0xFFFFFF80, v6  }
0x404: {  	v9 =	vand.u32 $0xFFFFFF80, v8;
	v10 =	vand.u32 $0xFFFFFF80, v56;
	v7 =	vadd.s32 v3, v7  }
0x405: {  	v54 =	vadd.s32 $0x5, v2;
	v9 =	vadd.s32 v3, v9;
	v57 =	vadd.s32 v3, v10  }
0x406: {  	v52 =	vadd.s32 $0x6, v2;
	v49 =	vadd.s32 $0x7, v2;
	v10 =	vand.u32 $0xFFFFFF80, v54  }
0x407: {  	v12 =	vand.u32 $0xFFFFFF80, v49;
	v55 =	vadd.s32 v3, v10;
	v10 =	vand.u32 $0xFFFFFF80, v52;
	v11 =	vld.idx.msk [tilespmem:v1+s14+$0x0], $0xffff  }
0x408: {  	v48 =	vadd.s32 $0x8, v2;
	v51 =	vadd.s32 v3, v12;
	v53 =	vadd.s32 v3, v10;
	v1 =	vld [tilespmem:s31+$0x0]  }
0x409: {  	v46 =	vadd.s32 $0x9, v2;
	v43 =	vadd.s32 $0xA, v2;
	v10 =	vand.u32 $0xFFFFFF80, v48  }
0x40a: {  	v5 =	vand.u32 $0x7F, v5;
	v50 =	vadd.s32 v3, v10;
	v10 =	vand.u32 $0xFFFFFF80, v46  }
0x40b: {  	v4 =	vor.u32 v5, v4;
	v5 =	vand.u32 $0xFFFFFF80, v43;
	v47 =	vadd.s32 v3, v10  }
0x40c: {  	v42 =	vadd.s32 $0xB, v2;
	v39 =	vadd.s32 $0xC, v2;
	v45 =	vadd.s32 v3, v5  }
0x40d: {  	v10 =	vand.u32 $0xFFFFFF80, v42;
	v5 =	vmul.f32 v11, v1;
	v11 =	vand.u32 $0xFFFFFF80, v39  }
0x40e: {  	v38 =	vadd.s32 $0xD, v2;
	v44 =	vadd.s32 v3, v10;
	v41 =	vadd.s32 v3, v11  }
0x40f: {  	v36 =	vadd.s32 $0xE, v2;
	v33 =	vadd.s32 $0xF, v2;
	[tilespmem:s0+$0xFFFFF080] =	vst v5;
	v5 =	vand.u32 $0xFFFFFF80, v38  }
0x410: {  	v10 =	vand.u32 $0xFFFFFF80, v33;
	v4 =	vld.idx.msk [tilespmem:v4+s14+$0x0], $0xffff;
	v40 =	vadd.s32 v3, v5;
	v5 =	vand.u32 $0xFFFFFF80, v36  }
0x411: {  	v32 =	vadd.s32 $0x10, v2;
	v35 =	vadd.s32 v3, v10;
	v37 =	vadd.s32 v3, v5  }
0x412: {  	v30 =	vadd.s32 $0x11, v2;
	v27 =	vadd.s32 $0x12, v2;
	v5 =	vand.u32 $0xFFFFFF80, v32  }
0x413: {  	v6 =	vand.u32 $0x7F, v6;
	v34 =	vadd.s32 v3, v5;
	v5 =	vand.u32 $0xFFFFFF80, v30  }
0x414: {  	v6 =	vor.u32 v6, v7;
	v31 =	vadd.s32 v3, v5;
	v5 =	vand.u32 $0xFFFFFF80, v27  }
0x415: {  	v26 =	vadd.s32 $0x13, v2;
	v23 =	vadd.s32 $0x14, v2;
	v29 =	vadd.s32 v3, v5  }
0x416: {  	v7 =	vand.u32 $0xFFFFFF80, v23;
	v5 =	vand.u32 $0xFFFFFF80, v26;
	v4 =	vmul.f32 v4, v1  }
0x417: {  	v22 =	vadd.s32 $0x15, v2;
	v25 =	vadd.s32 v3, v7;
	v28 =	vadd.s32 v3, v5  }
0x418: {  	v20 =	vadd.s32 $0x16, v2;
	v17 =	vadd.s32 $0x17, v2;
	[tilespmem:s0+$0xFFFFF100] =	vst v4;
	v4 =	vand.u32 $0xFFFFFF80, v22  }
0x419: {  	v5 =	vld.idx.msk [tilespmem:v6+s14+$0x0], $0xffff;
	v24 =	vadd.s32 v3, v4;
	v4 =	vand.u32 $0xFFFFFF80, v20;
	v6 =	vand.u32 $0xFFFFFF80, v17  }
0x41a: {  	v16 =	vadd.s32 $0x18, v2;
	v21 =	vadd.s32 v3, v4;
	v19 =	vadd.s32 v3, v6  }
0x41b: {  	v14 =	vadd.s32 $0x19, v2;
	v11 =	vadd.s32 $0x1A, v2;
	v4 =	vand.u32 $0xFFFFFF80, v16  }
0x41c: {  	v6 =	vand.u32 $0x7F, v8;
	v18 =	vadd.s32 v3, v4;
	v4 =	vand.u32 $0xFFFFFF80, v14  }
0x41d: {  	v8 =	vor.u32 v6, v9;
	v15 =	vadd.s32 v3, v4;
	v4 =	vand.u32 $0xFFFFFF80, v11  }
0x41e: {  	v7 =	vadd.s32 $0x1C, v2;
	v10 =	vadd.s32 $0x1B, v2;
	v13 =	vadd.s32 v3, v4  }
0x41f: {  	v6 =	vand.u32 $0xFFFFFF80, v7;
	v4 =	vmul.f32 v5, v1;
	v5 =	vand.u32 $0xFFFFFF80, v10  }
0x420: {  	v9 =	vadd.s32 v3, v6;
	v6 =	vadd.s32 $0x1D, v2;
	v12 =	vadd.s32 v3, v5  }
0x421: {  	v5 =	vand.u32 $0xFFFFFF80, v6;
	[tilespmem:s0+$0xFFFFF180] =	vst v4;
	v4 =	vadd.s32 $0x1E, v2;
	v2 =	vadd.s32 $0x1F, v2  }
0x422: {  	v58 =	vld.idx.msk [tilespmem:v8+s14+$0x0], $0xffff;
	v8 =	vadd.s32 v3, v5;
	v5 =	vand.u32 $0xFFFFFF80, v4;
	v59 =	vand.u32 $0xFFFFFF80, v2  }
0x423: {  	v5 =	vadd.s32 v3, v5;
	v3 =	vadd.s32 v3, v59;
	_ =	sdelay $0x1  }
0x424: {  	v56 =	vand.u32 $0x7F, v56  }
0x425: {  	v56 =	vor.u32 v56, v57;
	_ =	sdelay $0x1  }
0x426: {  	v57 =	vmul.f32 v58, v1;
	_ =	sdelay $0x1  }
0x427: {  	[tilespmem:s0+$0xFFFFF200] =	vst v57  }
0x428: {  	v56 =	vld.idx.msk [tilespmem:v56+s14+$0x0], $0xffff;
	_ =	sdelay $0x2  }
0x429: {  	v54 =	vand.u32 $0x7F, v54  }
0x42a: {  	v54 =	vor.u32 v54, v55;
	_ =	sdelay $0x1  }
0x42b: {  	v55 =	vmul.f32 v56, v1;
	_ =	sdelay $0x1  }
0x42c: {  	[tilespmem:s0+$0xFFFFF280] =	vst v55  }
0x42d: {  	v54 =	vld.idx.msk [tilespmem:v54+s14+$0x0], $0xffff;
	_ =	sdelay $0x2  }
0x42e: {  	v52 =	vand.u32 $0x7F, v52  }
0x42f: {  	v52 =	vor.u32 v52, v53;
	_ =	sdelay $0x1  }
0x430: {  	v53 =	vmul.f32 v54, v1;
	_ =	sdelay $0x1  }
0x431: {  	[tilespmem:s0+$0xFFFFF300] =	vst v53  }
0x432: {  	v52 =	vld.idx.msk [tilespmem:v52+s14+$0x0], $0xffff;
	_ =	sdelay $0x2  }
0x433: {  	v49 =	vand.u32 $0x7F, v49  }
0x434: {  	v49 =	vor.u32 v49, v51;
	_ =	sdelay $0x1  }
0x435: {  	v51 =	vmul.f32 v52, v1;
	_ =	sdelay $0x1  }
0x436: {  	[tilespmem:s0+$0xFFFFF380] =	vst v51  }
0x437: {  	v49 =	vld.idx.msk [tilespmem:v49+s14+$0x0], $0xffff;
	_ =	sdelay $0x2  }
0x438: {  	v48 =	vand.u32 $0x7F, v48  }
0x439: {  	v48 =	vor.u32 v48, v50;
	_ =	sdelay $0x1  }
0x43a: {  	v49 =	vmul.f32 v49, v1;
	_ =	sdelay $0x1  }
0x43b: {  	[tilespmem:s0+$0xFFFFF400] =	vst v49  }
0x43c: {  	v48 =	vld.idx.msk [tilespmem:v48+s14+$0x0], $0xffff;
	_ =	sdelay $0x2  }
0x43d: {  	v46 =	vand.u32 $0x7F, v46  }
0x43e: {  	v46 =	vor.u32 v46, v47;
	_ =	sdelay $0x1  }
0x43f: {  	v47 =	vmul.f32 v48, v1;
	_ =	sdelay $0x1  }
0x440: {  	[tilespmem:s0+$0xFFFFF480] =	vst v47  }
0x441: {  	v46 =	vld.idx.msk [tilespmem:v46+s14+$0x0], $0xffff;
	_ =	sdelay $0x2  }
0x442: {  	v43 =	vand.u32 $0x7F, v43  }
0x443: {  	v43 =	vor.u32 v43, v45;
	_ =	sdelay $0x1  }
0x444: {  	v45 =	vmul.f32 v46, v1;
	_ =	sdelay $0x1  }
0x445: {  	[tilespmem:s0+$0xFFFFF500] =	vst v45  }
0x446: {  	v43 =	vld.idx.msk [tilespmem:v43+s14+$0x0], $0xffff;
	_ =	sdelay $0x2  }
0x447: {  	v42 =	vand.u32 $0x7F, v42  }
0x448: {  	v42 =	vor.u32 v42, v44;
	_ =	sdelay $0x1  }
0x449: {  	v43 =	vmul.f32 v43, v1;
	_ =	sdelay $0x1  }
0x44a: {  	[tilespmem:s0+$0xFFFFF580] =	vst v43  }
0x44b: {  	v42 =	vld.idx.msk [tilespmem:v42+s14+$0x0], $0xffff;
	_ =	sdelay $0x2  }
0x44c: {  	v39 =	vand.u32 $0x7F, v39  }
0x44d: {  	v39 =	vor.u32 v39, v41;
	_ =	sdelay $0x1  }
0x44e: {  	v41 =	vmul.f32 v42, v1;
	_ =	sdelay $0x1  }
0x44f: {  	[tilespmem:s0+$0xFFFFF600] =	vst v41  }
0x450: {  	v39 =	vld.idx.msk [tilespmem:v39+s14+$0x0], $0xffff;
	_ =	sdelay $0x2  }
0x451: {  	v38 =	vand.u32 $0x7F, v38  }
0x452: {  	v38 =	vor.u32 v38, v40;
	_ =	sdelay $0x1  }
0x453: {  	v39 =	vmul.f32 v39, v1;
	_ =	sdelay $0x1  }
0x454: {  	[tilespmem:s0+$0xFFFFF680] =	vst v39  }
0x455: {  	v38 =	vld.idx.msk [tilespmem:v38+s14+$0x0], $0xffff;
	_ =	sdelay $0x2  }
0x456: {  	v36 =	vand.u32 $0x7F, v36  }
0x457: {  	v36 =	vor.u32 v36, v37;
	_ =	sdelay $0x1  }
0x458: {  	v37 =	vmul.f32 v38, v1;
	_ =	sdelay $0x1  }
0x459: {  	[tilespmem:s0+$0xFFFFF700] =	vst v37  }
0x45a: {  	v36 =	vld.idx.msk [tilespmem:v36+s14+$0x0], $0xffff;
	_ =	sdelay $0x2  }
0x45b: {  	v33 =	vand.u32 $0x7F, v33  }
0x45c: {  	v33 =	vor.u32 v33, v35;
	_ =	sdelay $0x1  }
0x45d: {  	v35 =	vmul.f32 v36, v1;
	_ =	sdelay $0x1  }
0x45e: {  	[tilespmem:s0+$0xFFFFF780] =	vst v35  }
0x45f: {  	v33 =	vld.idx.msk [tilespmem:v33+s14+$0x0], $0xffff;
	_ =	sdelay $0x2  }
0x460: {  	v32 =	vand.u32 $0x7F, v32  }
0x461: {  	v32 =	vor.u32 v32, v34;
	_ =	sdelay $0x1  }
0x462: {  	v33 =	vmul.f32 v33, v1;
	_ =	sdelay $0x1  }
0x463: {  	[tilespmem:s0+$0xFFFFF800] =	vst v33  }
0x464: {  	v32 =	vld.idx.msk [tilespmem:v32+s14+$0x0], $0xffff;
	_ =	sdelay $0x2  }
0x465: {  	v30 =	vand.u32 $0x7F, v30  }
0x466: {  	v30 =	vor.u32 v30, v31;
	_ =	sdelay $0x1  }
0x467: {  	v31 =	vmul.f32 v32, v1;
	_ =	sdelay $0x1  }
0x468: {  	[tilespmem:s0+$0xFFFFF880] =	vst v31  }
0x469: {  	v30 =	vld.idx.msk [tilespmem:v30+s14+$0x0], $0xffff;
	_ =	sdelay $0x2  }
0x46a: {  	v27 =	vand.u32 $0x7F, v27  }
0x46b: {  	v27 =	vor.u32 v27, v29;
	_ =	sdelay $0x1  }
0x46c: {  	v29 =	vmul.f32 v30, v1;
	_ =	sdelay $0x1  }
0x46d: {  	[tilespmem:s0+$0xFFFFF900] =	vst v29  }
0x46e: {  	v27 =	vld.idx.msk [tilespmem:v27+s14+$0x0], $0xffff;
	_ =	sdelay $0x2  }
0x46f: {  	v26 =	vand.u32 $0x7F, v26  }
0x470: {  	v26 =	vor.u32 v26, v28;
	_ =	sdelay $0x1  }
0x471: {  	v27 =	vmul.f32 v27, v1;
	_ =	sdelay $0x1  }
0x472: {  	[tilespmem:s0+$0xFFFFF980] =	vst v27  }
0x473: {  	v26 =	vld.idx.msk [tilespmem:v26+s14+$0x0], $0xffff;
	_ =	sdelay $0x2  }
0x474: {  	v23 =	vand.u32 $0x7F, v23  }
0x475: {  	v23 =	vor.u32 v23, v25;
	_ =	sdelay $0x1  }
0x476: {  	v25 =	vmul.f32 v26, v1;
	_ =	sdelay $0x1  }
0x477: {  	[tilespmem:s0+$0xFFFFFA00] =	vst v25  }
0x478: {  	v23 =	vld.idx.msk [tilespmem:v23+s14+$0x0], $0xffff;
	_ =	sdelay $0x2  }
0x479: {  	v22 =	vand.u32 $0x7F, v22  }
0x47a: {  	v22 =	vor.u32 v22, v24;
	_ =	sdelay $0x1  }
0x47b: {  	v23 =	vmul.f32 v23, v1;
	_ =	sdelay $0x1  }
0x47c: {  	[tilespmem:s0+$0xFFFFFA80] =	vst v23  }
0x47d: {  	v22 =	vld.idx.msk [tilespmem:v22+s14+$0x0], $0xffff;
	_ =	sdelay $0x2  }
0x47e: {  	v20 =	vand.u32 $0x7F, v20  }
0x47f: {  	v20 =	vor.u32 v20, v21;
	_ =	sdelay $0x1  }
0x480: {  	v21 =	vmul.f32 v22, v1;
	_ =	sdelay $0x1  }
0x481: {  	[tilespmem:s0+$0xFFFFFB00] =	vst v21  }
0x482: {  	v20 =	vld.idx.msk [tilespmem:v20+s14+$0x0], $0xffff;
	_ =	sdelay $0x2  }
0x483: {  	v17 =	vand.u32 $0x7F, v17  }
0x484: {  	v17 =	vor.u32 v17, v19;
	_ =	sdelay $0x1  }
0x485: {  	v19 =	vmul.f32 v20, v1;
	_ =	sdelay $0x1  }
0x486: {  	[tilespmem:s0+$0xFFFFFB80] =	vst v19  }
0x487: {  	v17 =	vld.idx.msk [tilespmem:v17+s14+$0x0], $0xffff;
	_ =	sdelay $0x2  }
0x488: {  	v16 =	vand.u32 $0x7F, v16  }
0x489: {  	v16 =	vor.u32 v16, v18;
	_ =	sdelay $0x1  }
0x48a: {  	v17 =	vmul.f32 v17, v1;
	_ =	sdelay $0x1  }
0x48b: {  	[tilespmem:s0+$0xFFFFFC00] =	vst v17  }
0x48c: {  	v16 =	vld.idx.msk [tilespmem:v16+s14+$0x0], $0xffff;
	_ =	sdelay $0x2  }
0x48d: {  	v14 =	vand.u32 $0x7F, v14  }
0x48e: {  	v14 =	vor.u32 v14, v15;
	_ =	sdelay $0x1  }
0x48f: {  	v15 =	vmul.f32 v16, v1;
	_ =	sdelay $0x1  }
0x490: {  	[tilespmem:s0+$0xFFFFFC80] =	vst v15  }
0x491: {  	v14 =	vld.idx.msk [tilespmem:v14+s14+$0x0], $0xffff;
	_ =	sdelay $0x2  }
0x492: {  	v11 =	vand.u32 $0x7F, v11  }
0x493: {  	v11 =	vor.u32 v11, v13;
	_ =	sdelay $0x1  }
0x494: {  	v13 =	vmul.f32 v14, v1;
	_ =	sdelay $0x1  }
0x495: {  	[tilespmem:s0+$0xFFFFFD00] =	vst v13  }
0x496: {  	v11 =	vld.idx.msk [tilespmem:v11+s14+$0x0], $0xffff;
	_ =	sdelay $0x2  }
0x497: {  	v10 =	vand.u32 $0x7F, v10  }
0x498: {  	v10 =	vor.u32 v10, v12;
	_ =	sdelay $0x1  }
0x499: {  	v11 =	vmul.f32 v11, v1;
	_ =	sdelay $0x1  }
0x49a: {  	[tilespmem:s0+$0xFFFFFD80] =	vst v11  }
0x49b: {  	v10 =	vld.idx.msk [tilespmem:v10+s14+$0x0], $0xffff;
	_ =	sdelay $0x2  }
0x49c: {  	v7 =	vand.u32 $0x7F, v7  }
0x49d: {  	v7 =	vor.u32 v7, v9;
	_ =	sdelay $0x1  }
0x49e: {  	v9 =	vmul.f32 v10, v1;
	_ =	sdelay $0x1  }
0x49f: {  	[tilespmem:s0+$0xFFFFFE00] =	vst v9  }
0x4a0: {  	v7 =	vld.idx.msk [tilespmem:v7+s14+$0x0], $0xffff;
	_ =	sdelay $0x2  }
0x4a1: {  	v6 =	vand.u32 $0x7F, v6  }
0x4a2: {  	v6 =	vor.u32 v6, v8;
	_ =	sdelay $0x1  }
0x4a3: {  	v7 =	vmul.f32 v7, v1;
	_ =	sdelay $0x1  }
0x4a4: {  	[tilespmem:s0+$0xFFFFFE80] =	vst v7  }
0x4a5: {  	v6 =	vld.idx.msk [tilespmem:v6+s14+$0x0], $0xffff;
	_ =	sdelay $0x2  }
0x4a6: {  	v4 =	vand.u32 $0x7F, v4  }
0x4a7: {  	v4 =	vor.u32 v4, v5;
	_ =	sdelay $0x1  }
0x4a8: {  	v5 =	vmul.f32 v6, v1;
	_ =	sdelay $0x1  }
0x4a9: {  	[tilespmem:s0+$0xFFFFFF00] =	vst v5  }
0x4aa: {  	v4 =	vld.idx.msk [tilespmem:v4+s14+$0x0], $0xffff;
	_ =	sdelay $0x2  }
0x4ab: {  	v2 =	vand.u32 $0x7F, v2  }
0x4ac: {  	v2 =	vor.u32 v2, v3;
	_ =	sdelay $0x1  }
0x4ad: {  	v3 =	vmul.f32 v4, v1;
	_ =	sdelay $0x1  }
0x4ae: {  	[tilespmem:s0+$0xFFFFFF80] =	vst v3  }
0x4af: {  	v2 =	vld.idx.msk [tilespmem:v2+s14+$0x0], $0xffff;
	_ =	sdelay $0x1  }
.Ltmp2:
0x4b0: {  	(pc) =	sbr.rel @p0 .LBB2_7-.Ltmp2, $2  }
0x4b1: {  	_ =	sdelay $0x2  }
0x4b2: {  	v1 =	vmul.f32 v2, v1  }
0x4b3: {  	_ = 	snop  }
0x4b4: {  	[tilespmem:s0+$0x0] =	vst v1  }
0x4b5: {  	_ =	swait.ge [sflag:s23], $0x4000  }
0x4b6: {  	[sflag:s23] =	ssyncset.done $0x0  }
0x4b7: {  	s30 =	simm.s32 $0x380;
	[sflag:s23] =	ssyncadd.s32 $0xFFFFC000  }
0x4b8: {  	v1 =	vld [tilespmem:s30+$0x0];
	_ =	sdelay $0x1  }
0x4b9: {  	s9 =	simm.s32 $0x180  }
0x4ba: {  	v2 =	vmov s9  }
0x4bb: {  	v2 =	vshll.u32 v2, $0x7  }
0x4bc: {  	v2 =	vor.u32 v0, v2;
	v3 =	vand.u32 $0xFFFFFF80, v1  }
0x4bd: {  	v4 =	vand.u32 $0x7F, v1;
	v3 =	vadd.s32 v2, v3  }
0x4be: {  	v3 =	vor.u32 v4, v3;
	_ =	sdelay $0x4  }
0x4bf: {  	s31 =	simm.s32 $0x580;
	v4 =	vld.idx.msk [tilespmem:v3+s14+$0x0], $0xffff  }
0x4c0: {  	v5 =	vadd.s32 $0x1, v1;
	v3 =	vld [tilespmem:s31+$0x0]  }
0x4c1: {  	v6 =	vand.u32 $0xFFFFFF80, v5  }
0x4c2: {  	v5 =	vand.u32 $0x7F, v5;
	v6 =	vadd.s32 v2, v6  }
0x4c3: {  	v5 =	vor.u32 v5, v6;
	_ =	sdelay $0x1  }
0x4c4: {  	v4 =	vmul.f32 v4, v3  }
0x4c5: {  	s0 =	simm.s32 $0x14580  }
0x4c6: {  	[tilespmem:s0+$0xFFFFF080] =	vst v4  }
0x4c7: {  	v60 =	vadd.s32 $0x2, v1;
	v5 =	vld.idx.msk [tilespmem:v5+s14+$0x0], $0xffff  }
0x4c8: {  	v61 =	vand.u32 $0xFFFFFF80, v60  }
0x4c9: {  	v6 =	vadd.s32 v2, v61;
	v4 =	vand.u32 $0x7F, v60  }
0x4ca: {  	v4 =	vor.u32 v4, v6;
	_ =	sdelay $0x1  }
0x4cb: {  	v5 =	vmul.f32 v5, v3;
	_ =	sdelay $0x1  }
0x4cc: {  	[tilespmem:s0+$0xFFFFF100] =	vst v5  }
0x4cd: {  	v62 =	vadd.s32 $0x3, v1;
	v4 =	vld.idx.msk [tilespmem:v4+s14+$0x0], $0xffff  }
0x4ce: {  	v63 =	vand.u32 $0xFFFFFF80, v62  }
0x4cf: {  	v6 =	vadd.s32 v2, v63;
	v5 =	vand.u32 $0x7F, v62  }
0x4d0: {  	v5 =	vor.u32 v5, v6;
	_ =	sdelay $0x1  }
0x4d1: {  	v4 =	vmul.f32 v4, v3;
	_ =	sdelay $0x1  }
0x4d2: {  	[tilespmem:s0+$0xFFFFF180] =	vst v4  }
0x4d3: {  	v9 =	vadd.s32 $0x4, v1;
	v5 =	vld.idx.msk [tilespmem:v5+s14+$0x0], $0xffff  }
0x4d4: {  	v10 =	vand.u32 $0xFFFFFF80, v9  }
0x4d5: {  	v6 =	vadd.s32 v2, v10;
	v4 =	vand.u32 $0x7F, v9  }
0x4d6: {  	v4 =	vor.u32 v4, v6;
	_ =	sdelay $0x1  }
0x4d7: {  	v5 =	vmul.f32 v5, v3;
	_ =	sdelay $0x1  }
0x4d8: {  	[tilespmem:s0+$0xFFFFF200] =	vst v5  }
0x4d9: {  	v11 =	vadd.s32 $0x5, v1;
	v4 =	vld.idx.msk [tilespmem:v4+s14+$0x0], $0xffff  }
0x4da: {  	v12 =	vand.u32 $0xFFFFFF80, v11  }
0x4db: {  	v6 =	vadd.s32 v2, v12;
	v5 =	vand.u32 $0x7F, v11  }
0x4dc: {  	v5 =	vor.u32 v5, v6;
	_ =	sdelay $0x1  }
0x4dd: {  	v4 =	vmul.f32 v4, v3;
	_ =	sdelay $0x1  }
0x4de: {  	[tilespmem:s0+$0xFFFFF280] =	vst v4  }
0x4df: {  	v13 =	vadd.s32 $0x6, v1;
	v5 =	vld.idx.msk [tilespmem:v5+s14+$0x0], $0xffff  }
0x4e0: {  	v14 =	vand.u32 $0xFFFFFF80, v13  }
0x4e1: {  	v6 =	vadd.s32 v2, v14;
	v4 =	vand.u32 $0x7F, v13  }
0x4e2: {  	v4 =	vor.u32 v4, v6;
	_ =	sdelay $0x1  }
0x4e3: {  	v5 =	vmul.f32 v5, v3;
	_ =	sdelay $0x1  }
0x4e4: {  	[tilespmem:s0+$0xFFFFF300] =	vst v5  }
0x4e5: {  	v15 =	vadd.s32 $0x7, v1;
	v4 =	vld.idx.msk [tilespmem:v4+s14+$0x0], $0xffff  }
0x4e6: {  	v16 =	vand.u32 $0xFFFFFF80, v15  }
0x4e7: {  	v6 =	vadd.s32 v2, v16;
	v5 =	vand.u32 $0x7F, v15  }
0x4e8: {  	v5 =	vor.u32 v5, v6;
	_ =	sdelay $0x1  }
0x4e9: {  	v4 =	vmul.f32 v4, v3;
	_ =	sdelay $0x1  }
0x4ea: {  	[tilespmem:s0+$0xFFFFF380] =	vst v4  }
0x4eb: {  	v17 =	vadd.s32 $0x8, v1;
	v5 =	vld.idx.msk [tilespmem:v5+s14+$0x0], $0xffff  }
0x4ec: {  	v18 =	vand.u32 $0xFFFFFF80, v17  }
0x4ed: {  	v6 =	vadd.s32 v2, v18;
	v4 =	vand.u32 $0x7F, v17  }
0x4ee: {  	v4 =	vor.u32 v4, v6;
	_ =	sdelay $0x1  }
0x4ef: {  	v5 =	vmul.f32 v5, v3;
	_ =	sdelay $0x1  }
0x4f0: {  	[tilespmem:s0+$0xFFFFF400] =	vst v5  }
0x4f1: {  	v19 =	vadd.s32 $0x9, v1;
	v4 =	vld.idx.msk [tilespmem:v4+s14+$0x0], $0xffff  }
0x4f2: {  	v20 =	vand.u32 $0xFFFFFF80, v19  }
0x4f3: {  	v6 =	vadd.s32 v2, v20;
	v5 =	vand.u32 $0x7F, v19  }
0x4f4: {  	v5 =	vor.u32 v5, v6;
	_ =	sdelay $0x1  }
0x4f5: {  	v4 =	vmul.f32 v4, v3;
	_ =	sdelay $0x1  }
0x4f6: {  	[tilespmem:s0+$0xFFFFF480] =	vst v4  }
0x4f7: {  	v21 =	vadd.s32 $0xA, v1;
	v5 =	vld.idx.msk [tilespmem:v5+s14+$0x0], $0xffff  }
0x4f8: {  	v22 =	vand.u32 $0xFFFFFF80, v21  }
0x4f9: {  	v6 =	vadd.s32 v2, v22;
	v4 =	vand.u32 $0x7F, v21  }
0x4fa: {  	v4 =	vor.u32 v4, v6;
	_ =	sdelay $0x1  }
0x4fb: {  	v5 =	vmul.f32 v5, v3;
	_ =	sdelay $0x1  }
0x4fc: {  	[tilespmem:s0+$0xFFFFF500] =	vst v5  }
0x4fd: {  	v23 =	vadd.s32 $0xB, v1;
	v4 =	vld.idx.msk [tilespmem:v4+s14+$0x0], $0xffff  }
0x4fe: {  	v24 =	vand.u32 $0xFFFFFF80, v23  }
0x4ff: {  	v6 =	vadd.s32 v2, v24;
	v5 =	vand.u32 $0x7F, v23  }
0x500: {  	v5 =	vor.u32 v5, v6;
	_ =	sdelay $0x1  }
0x501: {  	v4 =	vmul.f32 v4, v3;
	_ =	sdelay $0x1  }
0x502: {  	[tilespmem:s0+$0xFFFFF580] =	vst v4  }
0x503: {  	v25 =	vadd.s32 $0xC, v1;
	v5 =	vld.idx.msk [tilespmem:v5+s14+$0x0], $0xffff  }
0x504: {  	v26 =	vand.u32 $0xFFFFFF80, v25  }
0x505: {  	v6 =	vadd.s32 v2, v26;
	v4 =	vand.u32 $0x7F, v25  }
0x506: {  	v4 =	vor.u32 v4, v6;
	_ =	sdelay $0x1  }
0x507: {  	v5 =	vmul.f32 v5, v3;
	_ =	sdelay $0x1  }
0x508: {  	[tilespmem:s0+$0xFFFFF600] =	vst v5  }
0x509: {  	v27 =	vadd.s32 $0xD, v1;
	v4 =	vld.idx.msk [tilespmem:v4+s14+$0x0], $0xffff  }
0x50a: {  	v28 =	vand.u32 $0xFFFFFF80, v27  }
0x50b: {  	v6 =	vadd.s32 v2, v28;
	v5 =	vand.u32 $0x7F, v27  }
0x50c: {  	v5 =	vor.u32 v5, v6;
	_ =	sdelay $0x1  }
0x50d: {  	v4 =	vmul.f32 v4, v3;
	_ =	sdelay $0x1  }
0x50e: {  	[tilespmem:s0+$0xFFFFF680] =	vst v4  }
0x50f: {  	v29 =	vadd.s32 $0xE, v1;
	v5 =	vld.idx.msk [tilespmem:v5+s14+$0x0], $0xffff  }
0x510: {  	v30 =	vand.u32 $0xFFFFFF80, v29  }
0x511: {  	v6 =	vadd.s32 v2, v30;
	v4 =	vand.u32 $0x7F, v29  }
0x512: {  	v4 =	vor.u32 v4, v6;
	_ =	sdelay $0x1  }
0x513: {  	v5 =	vmul.f32 v5, v3;
	_ =	sdelay $0x1  }
0x514: {  	[tilespmem:s0+$0xFFFFF700] =	vst v5  }
0x515: {  	v31 =	vadd.s32 $0xF, v1;
	v4 =	vld.idx.msk [tilespmem:v4+s14+$0x0], $0xffff  }
0x516: {  	v32 =	vand.u32 $0xFFFFFF80, v31  }
0x517: {  	v6 =	vadd.s32 v2, v32;
	v5 =	vand.u32 $0x7F, v31  }
0x518: {  	v5 =	vor.u32 v5, v6;
	_ =	sdelay $0x1  }
0x519: {  	v4 =	vmul.f32 v4, v3;
	_ =	sdelay $0x1  }
0x51a: {  	[tilespmem:s0+$0xFFFFF780] =	vst v4  }
0x51b: {  	v33 =	vadd.s32 $0x10, v1;
	v5 =	vld.idx.msk [tilespmem:v5+s14+$0x0], $0xffff  }
0x51c: {  	v34 =	vand.u32 $0xFFFFFF80, v33  }
0x51d: {  	v6 =	vadd.s32 v2, v34;
	v4 =	vand.u32 $0x7F, v33  }
0x51e: {  	v4 =	vor.u32 v4, v6;
	_ =	sdelay $0x1  }
0x51f: {  	v5 =	vmul.f32 v5, v3;
	_ =	sdelay $0x1  }
0x520: {  	[tilespmem:s0+$0xFFFFF800] =	vst v5  }
0x521: {  	v35 =	vadd.s32 $0x11, v1;
	v4 =	vld.idx.msk [tilespmem:v4+s14+$0x0], $0xffff  }
0x522: {  	v36 =	vand.u32 $0xFFFFFF80, v35  }
0x523: {  	v6 =	vadd.s32 v2, v36;
	v5 =	vand.u32 $0x7F, v35  }
0x524: {  	v5 =	vor.u32 v5, v6;
	_ =	sdelay $0x1  }
0x525: {  	v4 =	vmul.f32 v4, v3;
	_ =	sdelay $0x1  }
0x526: {  	[tilespmem:s0+$0xFFFFF880] =	vst v4  }
0x527: {  	v37 =	vadd.s32 $0x12, v1;
	v5 =	vld.idx.msk [tilespmem:v5+s14+$0x0], $0xffff  }
0x528: {  	v38 =	vand.u32 $0xFFFFFF80, v37  }
0x529: {  	v6 =	vadd.s32 v2, v38;
	v4 =	vand.u32 $0x7F, v37  }
0x52a: {  	v4 =	vor.u32 v4, v6;
	_ =	sdelay $0x1  }
0x52b: {  	v5 =	vmul.f32 v5, v3;
	_ =	sdelay $0x1  }
0x52c: {  	[tilespmem:s0+$0xFFFFF900] =	vst v5  }
0x52d: {  	v39 =	vadd.s32 $0x13, v1;
	v4 =	vld.idx.msk [tilespmem:v4+s14+$0x0], $0xffff  }
0x52e: {  	v40 =	vand.u32 $0xFFFFFF80, v39  }
0x52f: {  	v6 =	vadd.s32 v2, v40;
	v5 =	vand.u32 $0x7F, v39  }
0x530: {  	v5 =	vor.u32 v5, v6;
	_ =	sdelay $0x1  }
0x531: {  	v4 =	vmul.f32 v4, v3;
	_ =	sdelay $0x1  }
0x532: {  	[tilespmem:s0+$0xFFFFF980] =	vst v4  }
0x533: {  	v41 =	vadd.s32 $0x14, v1;
	v5 =	vld.idx.msk [tilespmem:v5+s14+$0x0], $0xffff  }
0x534: {  	v42 =	vand.u32 $0xFFFFFF80, v41  }
0x535: {  	v6 =	vadd.s32 v2, v42;
	v4 =	vand.u32 $0x7F, v41  }
0x536: {  	v4 =	vor.u32 v4, v6;
	_ =	sdelay $0x1  }
0x537: {  	v5 =	vmul.f32 v5, v3;
	_ =	sdelay $0x1  }
0x538: {  	[tilespmem:s0+$0xFFFFFA00] =	vst v5  }
0x539: {  	v43 =	vadd.s32 $0x15, v1;
	v4 =	vld.idx.msk [tilespmem:v4+s14+$0x0], $0xffff  }
0x53a: {  	v44 =	vand.u32 $0xFFFFFF80, v43  }
0x53b: {  	v6 =	vadd.s32 v2, v44;
	v5 =	vand.u32 $0x7F, v43  }
0x53c: {  	v5 =	vor.u32 v5, v6;
	_ =	sdelay $0x1  }
0x53d: {  	v4 =	vmul.f32 v4, v3;
	_ =	sdelay $0x1  }
0x53e: {  	[tilespmem:s0+$0xFFFFFA80] =	vst v4  }
0x53f: {  	v45 =	vadd.s32 $0x16, v1;
	v5 =	vld.idx.msk [tilespmem:v5+s14+$0x0], $0xffff  }
0x540: {  	v46 =	vand.u32 $0xFFFFFF80, v45  }
0x541: {  	v6 =	vadd.s32 v2, v46;
	v4 =	vand.u32 $0x7F, v45  }
0x542: {  	v4 =	vor.u32 v4, v6;
	_ =	sdelay $0x1  }
0x543: {  	v5 =	vmul.f32 v5, v3;
	_ =	sdelay $0x1  }
0x544: {  	[tilespmem:s0+$0xFFFFFB00] =	vst v5  }
0x545: {  	v47 =	vadd.s32 $0x17, v1;
	v4 =	vld.idx.msk [tilespmem:v4+s14+$0x0], $0xffff  }
0x546: {  	v48 =	vand.u32 $0xFFFFFF80, v47  }
0x547: {  	v6 =	vadd.s32 v2, v48;
	v5 =	vand.u32 $0x7F, v47  }
0x548: {  	v5 =	vor.u32 v5, v6;
	_ =	sdelay $0x1  }
0x549: {  	v4 =	vmul.f32 v4, v3;
	_ =	sdelay $0x1  }
0x54a: {  	[tilespmem:s0+$0xFFFFFB80] =	vst v4  }
0x54b: {  	v49 =	vadd.s32 $0x18, v1;
	v5 =	vld.idx.msk [tilespmem:v5+s14+$0x0], $0xffff  }
0x54c: {  	v50 =	vand.u32 $0xFFFFFF80, v49  }
0x54d: {  	v6 =	vadd.s32 v2, v50;
	v4 =	vand.u32 $0x7F, v49  }
0x54e: {  	v4 =	vor.u32 v4, v6;
	_ =	sdelay $0x1  }
0x54f: {  	v5 =	vmul.f32 v5, v3;
	_ =	sdelay $0x1  }
0x550: {  	[tilespmem:s0+$0xFFFFFC00] =	vst v5  }
0x551: {  	v51 =	vadd.s32 $0x19, v1;
	v4 =	vld.idx.msk [tilespmem:v4+s14+$0x0], $0xffff  }
0x552: {  	v52 =	vand.u32 $0xFFFFFF80, v51  }
0x553: {  	v6 =	vadd.s32 v2, v52;
	v5 =	vand.u32 $0x7F, v51  }
0x554: {  	v5 =	vor.u32 v5, v6;
	_ =	sdelay $0x1  }
0x555: {  	v4 =	vmul.f32 v4, v3;
	_ =	sdelay $0x1  }
0x556: {  	[tilespmem:s0+$0xFFFFFC80] =	vst v4  }
0x557: {  	v53 =	vadd.s32 $0x1A, v1;
	v5 =	vld.idx.msk [tilespmem:v5+s14+$0x0], $0xffff  }
0x558: {  	v54 =	vand.u32 $0xFFFFFF80, v53  }
0x559: {  	v6 =	vadd.s32 v2, v54;
	v4 =	vand.u32 $0x7F, v53  }
0x55a: {  	v4 =	vor.u32 v4, v6;
	_ =	sdelay $0x1  }
0x55b: {  	v5 =	vmul.f32 v5, v3;
	_ =	sdelay $0x1  }
0x55c: {  	[tilespmem:s0+$0xFFFFFD00] =	vst v5  }
0x55d: {  	v55 =	vadd.s32 $0x1B, v1;
	v4 =	vld.idx.msk [tilespmem:v4+s14+$0x0], $0xffff  }
0x55e: {  	v56 =	vand.u32 $0xFFFFFF80, v55  }
0x55f: {  	v6 =	vadd.s32 v2, v56;
	v5 =	vand.u32 $0x7F, v55  }
0x560: {  	v5 =	vor.u32 v5, v6;
	_ =	sdelay $0x1  }
0x561: {  	v4 =	vmul.f32 v4, v3;
	_ =	sdelay $0x1  }
0x562: {  	[tilespmem:s0+$0xFFFFFD80] =	vst v4  }
0x563: {  	v57 =	vadd.s32 $0x1C, v1;
	v5 =	vld.idx.msk [tilespmem:v5+s14+$0x0], $0xffff  }
0x564: {  	v58 =	vand.u32 $0xFFFFFF80, v57  }
0x565: {  	v6 =	vadd.s32 v2, v58;
	v4 =	vand.u32 $0x7F, v57  }
0x566: {  	v4 =	vor.u32 v4, v6;
	_ =	sdelay $0x1  }
0x567: {  	v5 =	vmul.f32 v5, v3;
	_ =	sdelay $0x1  }
0x568: {  	[tilespmem:s0+$0xFFFFFE00] =	vst v5  }
0x569: {  	v59 =	vadd.s32 $0x1D, v1;
	v4 =	vld.idx.msk [tilespmem:v4+s14+$0x0], $0xffff  }
0x56a: {  	v60 =	vand.u32 $0xFFFFFF80, v59  }
0x56b: {  	v6 =	vadd.s32 v2, v60;
	v5 =	vand.u32 $0x7F, v59  }
0x56c: {  	v5 =	vor.u32 v5, v6;
	_ =	sdelay $0x1  }
0x56d: {  	v4 =	vmul.f32 v4, v3;
	_ =	sdelay $0x1  }
0x56e: {  	[tilespmem:s0+$0xFFFFFE80] =	vst v4  }
0x56f: {  	v61 =	vadd.s32 $0x1E, v1;
	v5 =	vld.idx.msk [tilespmem:v5+s14+$0x0], $0xffff  }
0x570: {  	v62 =	vand.u32 $0xFFFFFF80, v61  }
0x571: {  	v6 =	vadd.s32 v2, v62;
	v4 =	vand.u32 $0x7F, v61  }
0x572: {  	v4 =	vor.u32 v4, v6;
	_ =	sdelay $0x1  }
0x573: {  	v5 =	vmul.f32 v5, v3;
	_ =	sdelay $0x1  }
0x574: {  	[tilespmem:s0+$0xFFFFFF00] =	vst v5  }
0x575: {  	v1 =	vadd.s32 $0x1F, v1;
	v4 =	vld.idx.msk [tilespmem:v4+s14+$0x0], $0xffff  }
0x576: {  	v63 =	vand.u32 $0xFFFFFF80, v1  }
0x577: {  	v1 =	vand.u32 $0x7F, v1;
	v2 =	vadd.s32 v2, v63  }
0x578: {  	v1 =	vor.u32 v1, v2;
	_ =	sdelay $0x1  }
0x579: {  	v2 =	vmul.f32 v4, v3;
	_ =	sdelay $0x1  }
0x57a: {  	[tilespmem:s0+$0xFFFFFF80] =	vst v2  }
0x57b: {  	v1 =	vld.idx.msk [tilespmem:v1+s14+$0x0], $0xffff;
	_ =	sdelay $0x4  }
0x57c: {  	s4 =	simm.s32 $0x190;
	v1 =	vmul.f32 v1, v3  }
.LBB2_9:
0x57d: {  	_ = 	snop  }
0x57e: {  	s31 =	sadd.s32 $0x10, s31;
	s30 =	sadd.s32 $0x10, s30;
	[tilespmem:s0+$0x0] =	vst v1;
	s0 =	sadd.s32 $0x10, s0  }
0x57f: {  	p0 =	sne.s32 s4, $0x1F0;
	s9 =	smov.u32 s4;
	s4 =	sadd.s32 $0x10, s4;
	v2 =	vld [tilespmem:s30+$0x0]  }
0x580: {  	_ =	sdelay $0x1  }
0x581: {  	v1 =	vmov s9  }
0x582: {  	v1 =	vshll.u32 v1, $0x7  }
0x583: {  	v3 =	vor.u32 v0, v1;
	v4 =	vand.u32 $0xFFFFFF80, v2;
	v5 =	vadd.s32 $0x1, v2  }
0x584: {  	v1 =	vand.u32 $0x7F, v2;
	v4 =	vadd.s32 v3, v4;
	v6 =	vand.u32 $0xFFFFFF80, v5  }
0x585: {  	v1 =	vor.u32 v1, v4;
	v4 =	vadd.s32 v3, v6;
	v6 =	vadd.s32 $0x2, v2  }
0x586: {  	v8 =	vadd.s32 $0x3, v2;
	v56 =	vadd.s32 $0x4, v2;
	v7 =	vand.u32 $0xFFFFFF80, v6  }
0x587: {  	v9 =	vand.u32 $0xFFFFFF80, v8;
	v10 =	vand.u32 $0xFFFFFF80, v56;
	v7 =	vadd.s32 v3, v7  }
0x588: {  	v54 =	vadd.s32 $0x5, v2;
	v9 =	vadd.s32 v3, v9;
	v57 =	vadd.s32 v3, v10  }
0x589: {  	v52 =	vadd.s32 $0x6, v2;
	v49 =	vadd.s32 $0x7, v2;
	v10 =	vand.u32 $0xFFFFFF80, v54  }
0x58a: {  	v12 =	vand.u32 $0xFFFFFF80, v49;
	v55 =	vadd.s32 v3, v10;
	v10 =	vand.u32 $0xFFFFFF80, v52;
	v11 =	vld.idx.msk [tilespmem:v1+s14+$0x0], $0xffff  }
0x58b: {  	v48 =	vadd.s32 $0x8, v2;
	v51 =	vadd.s32 v3, v12;
	v53 =	vadd.s32 v3, v10;
	v1 =	vld [tilespmem:s31+$0x0]  }
0x58c: {  	v46 =	vadd.s32 $0x9, v2;
	v43 =	vadd.s32 $0xA, v2;
	v10 =	vand.u32 $0xFFFFFF80, v48  }
0x58d: {  	v5 =	vand.u32 $0x7F, v5;
	v50 =	vadd.s32 v3, v10;
	v10 =	vand.u32 $0xFFFFFF80, v46  }
0x58e: {  	v4 =	vor.u32 v5, v4;
	v5 =	vand.u32 $0xFFFFFF80, v43;
	v47 =	vadd.s32 v3, v10  }
0x58f: {  	v42 =	vadd.s32 $0xB, v2;
	v39 =	vadd.s32 $0xC, v2;
	v45 =	vadd.s32 v3, v5  }
0x590: {  	v10 =	vand.u32 $0xFFFFFF80, v42;
	v5 =	vmul.f32 v11, v1;
	v11 =	vand.u32 $0xFFFFFF80, v39  }
0x591: {  	v38 =	vadd.s32 $0xD, v2;
	v44 =	vadd.s32 v3, v10;
	v41 =	vadd.s32 v3, v11  }
0x592: {  	v36 =	vadd.s32 $0xE, v2;
	v33 =	vadd.s32 $0xF, v2;
	[tilespmem:s0+$0xFFFFF080] =	vst v5;
	v5 =	vand.u32 $0xFFFFFF80, v38  }
0x593: {  	v10 =	vand.u32 $0xFFFFFF80, v33;
	v4 =	vld.idx.msk [tilespmem:v4+s14+$0x0], $0xffff;
	v40 =	vadd.s32 v3, v5;
	v5 =	vand.u32 $0xFFFFFF80, v36  }
0x594: {  	v32 =	vadd.s32 $0x10, v2;
	v35 =	vadd.s32 v3, v10;
	v37 =	vadd.s32 v3, v5  }
0x595: {  	v30 =	vadd.s32 $0x11, v2;
	v27 =	vadd.s32 $0x12, v2;
	v5 =	vand.u32 $0xFFFFFF80, v32  }
0x596: {  	v6 =	vand.u32 $0x7F, v6;
	v34 =	vadd.s32 v3, v5;
	v5 =	vand.u32 $0xFFFFFF80, v30  }
0x597: {  	v6 =	vor.u32 v6, v7;
	v31 =	vadd.s32 v3, v5;
	v5 =	vand.u32 $0xFFFFFF80, v27  }
0x598: {  	v26 =	vadd.s32 $0x13, v2;
	v23 =	vadd.s32 $0x14, v2;
	v29 =	vadd.s32 v3, v5  }
0x599: {  	v7 =	vand.u32 $0xFFFFFF80, v23;
	v5 =	vand.u32 $0xFFFFFF80, v26;
	v4 =	vmul.f32 v4, v1  }
0x59a: {  	v22 =	vadd.s32 $0x15, v2;
	v25 =	vadd.s32 v3, v7;
	v28 =	vadd.s32 v3, v5  }
0x59b: {  	v20 =	vadd.s32 $0x16, v2;
	v17 =	vadd.s32 $0x17, v2;
	[tilespmem:s0+$0xFFFFF100] =	vst v4;
	v4 =	vand.u32 $0xFFFFFF80, v22  }
0x59c: {  	v5 =	vld.idx.msk [tilespmem:v6+s14+$0x0], $0xffff;
	v24 =	vadd.s32 v3, v4;
	v4 =	vand.u32 $0xFFFFFF80, v20;
	v6 =	vand.u32 $0xFFFFFF80, v17  }
0x59d: {  	v16 =	vadd.s32 $0x18, v2;
	v21 =	vadd.s32 v3, v4;
	v19 =	vadd.s32 v3, v6  }
0x59e: {  	v14 =	vadd.s32 $0x19, v2;
	v11 =	vadd.s32 $0x1A, v2;
	v4 =	vand.u32 $0xFFFFFF80, v16  }
0x59f: {  	v6 =	vand.u32 $0x7F, v8;
	v18 =	vadd.s32 v3, v4;
	v4 =	vand.u32 $0xFFFFFF80, v14  }
0x5a0: {  	v8 =	vor.u32 v6, v9;
	v15 =	vadd.s32 v3, v4;
	v4 =	vand.u32 $0xFFFFFF80, v11  }
0x5a1: {  	v7 =	vadd.s32 $0x1C, v2;
	v10 =	vadd.s32 $0x1B, v2;
	v13 =	vadd.s32 v3, v4  }
0x5a2: {  	v6 =	vand.u32 $0xFFFFFF80, v7;
	v4 =	vmul.f32 v5, v1;
	v5 =	vand.u32 $0xFFFFFF80, v10  }
0x5a3: {  	v9 =	vadd.s32 v3, v6;
	v6 =	vadd.s32 $0x1D, v2;
	v12 =	vadd.s32 v3, v5  }
0x5a4: {  	v5 =	vand.u32 $0xFFFFFF80, v6;
	[tilespmem:s0+$0xFFFFF180] =	vst v4;
	v4 =	vadd.s32 $0x1E, v2;
	v2 =	vadd.s32 $0x1F, v2  }
0x5a5: {  	v58 =	vld.idx.msk [tilespmem:v8+s14+$0x0], $0xffff;
	v8 =	vadd.s32 v3, v5;
	v5 =	vand.u32 $0xFFFFFF80, v4;
	v59 =	vand.u32 $0xFFFFFF80, v2  }
0x5a6: {  	v5 =	vadd.s32 v3, v5;
	v3 =	vadd.s32 v3, v59;
	_ =	sdelay $0x1  }
0x5a7: {  	v56 =	vand.u32 $0x7F, v56  }
0x5a8: {  	v56 =	vor.u32 v56, v57;
	_ =	sdelay $0x1  }
0x5a9: {  	v57 =	vmul.f32 v58, v1;
	_ =	sdelay $0x1  }
0x5aa: {  	[tilespmem:s0+$0xFFFFF200] =	vst v57  }
0x5ab: {  	v56 =	vld.idx.msk [tilespmem:v56+s14+$0x0], $0xffff;
	_ =	sdelay $0x2  }
0x5ac: {  	v54 =	vand.u32 $0x7F, v54  }
0x5ad: {  	v54 =	vor.u32 v54, v55;
	_ =	sdelay $0x1  }
0x5ae: {  	v55 =	vmul.f32 v56, v1;
	_ =	sdelay $0x1  }
0x5af: {  	[tilespmem:s0+$0xFFFFF280] =	vst v55  }
0x5b0: {  	v54 =	vld.idx.msk [tilespmem:v54+s14+$0x0], $0xffff;
	_ =	sdelay $0x2  }
0x5b1: {  	v52 =	vand.u32 $0x7F, v52  }
0x5b2: {  	v52 =	vor.u32 v52, v53;
	_ =	sdelay $0x1  }
0x5b3: {  	v53 =	vmul.f32 v54, v1;
	_ =	sdelay $0x1  }
0x5b4: {  	[tilespmem:s0+$0xFFFFF300] =	vst v53  }
0x5b5: {  	v52 =	vld.idx.msk [tilespmem:v52+s14+$0x0], $0xffff;
	_ =	sdelay $0x2  }
0x5b6: {  	v49 =	vand.u32 $0x7F, v49  }
0x5b7: {  	v49 =	vor.u32 v49, v51;
	_ =	sdelay $0x1  }
0x5b8: {  	v51 =	vmul.f32 v52, v1;
	_ =	sdelay $0x1  }
0x5b9: {  	[tilespmem:s0+$0xFFFFF380] =	vst v51  }
0x5ba: {  	v49 =	vld.idx.msk [tilespmem:v49+s14+$0x0], $0xffff;
	_ =	sdelay $0x2  }
0x5bb: {  	v48 =	vand.u32 $0x7F, v48  }
0x5bc: {  	v48 =	vor.u32 v48, v50;
	_ =	sdelay $0x1  }
0x5bd: {  	v49 =	vmul.f32 v49, v1;
	_ =	sdelay $0x1  }
0x5be: {  	[tilespmem:s0+$0xFFFFF400] =	vst v49  }
0x5bf: {  	v48 =	vld.idx.msk [tilespmem:v48+s14+$0x0], $0xffff;
	_ =	sdelay $0x2  }
0x5c0: {  	v46 =	vand.u32 $0x7F, v46  }
0x5c1: {  	v46 =	vor.u32 v46, v47;
	_ =	sdelay $0x1  }
0x5c2: {  	v47 =	vmul.f32 v48, v1;
	_ =	sdelay $0x1  }
0x5c3: {  	[tilespmem:s0+$0xFFFFF480] =	vst v47  }
0x5c4: {  	v46 =	vld.idx.msk [tilespmem:v46+s14+$0x0], $0xffff;
	_ =	sdelay $0x2  }
0x5c5: {  	v43 =	vand.u32 $0x7F, v43  }
0x5c6: {  	v43 =	vor.u32 v43, v45;
	_ =	sdelay $0x1  }
0x5c7: {  	v45 =	vmul.f32 v46, v1;
	_ =	sdelay $0x1  }
0x5c8: {  	[tilespmem:s0+$0xFFFFF500] =	vst v45  }
0x5c9: {  	v43 =	vld.idx.msk [tilespmem:v43+s14+$0x0], $0xffff;
	_ =	sdelay $0x2  }
0x5ca: {  	v42 =	vand.u32 $0x7F, v42  }
0x5cb: {  	v42 =	vor.u32 v42, v44;
	_ =	sdelay $0x1  }
0x5cc: {  	v43 =	vmul.f32 v43, v1;
	_ =	sdelay $0x1  }
0x5cd: {  	[tilespmem:s0+$0xFFFFF580] =	vst v43  }
0x5ce: {  	v42 =	vld.idx.msk [tilespmem:v42+s14+$0x0], $0xffff;
	_ =	sdelay $0x2  }
0x5cf: {  	v39 =	vand.u32 $0x7F, v39  }
0x5d0: {  	v39 =	vor.u32 v39, v41;
	_ =	sdelay $0x1  }
0x5d1: {  	v41 =	vmul.f32 v42, v1;
	_ =	sdelay $0x1  }
0x5d2: {  	[tilespmem:s0+$0xFFFFF600] =	vst v41  }
0x5d3: {  	v39 =	vld.idx.msk [tilespmem:v39+s14+$0x0], $0xffff;
	_ =	sdelay $0x2  }
0x5d4: {  	v38 =	vand.u32 $0x7F, v38  }
0x5d5: {  	v38 =	vor.u32 v38, v40;
	_ =	sdelay $0x1  }
0x5d6: {  	v39 =	vmul.f32 v39, v1;
	_ =	sdelay $0x1  }
0x5d7: {  	[tilespmem:s0+$0xFFFFF680] =	vst v39  }
0x5d8: {  	v38 =	vld.idx.msk [tilespmem:v38+s14+$0x0], $0xffff;
	_ =	sdelay $0x2  }
0x5d9: {  	v36 =	vand.u32 $0x7F, v36  }
0x5da: {  	v36 =	vor.u32 v36, v37;
	_ =	sdelay $0x1  }
0x5db: {  	v37 =	vmul.f32 v38, v1;
	_ =	sdelay $0x1  }
0x5dc: {  	[tilespmem:s0+$0xFFFFF700] =	vst v37  }
0x5dd: {  	v36 =	vld.idx.msk [tilespmem:v36+s14+$0x0], $0xffff;
	_ =	sdelay $0x2  }
0x5de: {  	v33 =	vand.u32 $0x7F, v33  }
0x5df: {  	v33 =	vor.u32 v33, v35;
	_ =	sdelay $0x1  }
0x5e0: {  	v35 =	vmul.f32 v36, v1;
	_ =	sdelay $0x1  }
0x5e1: {  	[tilespmem:s0+$0xFFFFF780] =	vst v35  }
0x5e2: {  	v33 =	vld.idx.msk [tilespmem:v33+s14+$0x0], $0xffff;
	_ =	sdelay $0x2  }
0x5e3: {  	v32 =	vand.u32 $0x7F, v32  }
0x5e4: {  	v32 =	vor.u32 v32, v34;
	_ =	sdelay $0x1  }
0x5e5: {  	v33 =	vmul.f32 v33, v1;
	_ =	sdelay $0x1  }
0x5e6: {  	[tilespmem:s0+$0xFFFFF800] =	vst v33  }
0x5e7: {  	v32 =	vld.idx.msk [tilespmem:v32+s14+$0x0], $0xffff;
	_ =	sdelay $0x2  }
0x5e8: {  	v30 =	vand.u32 $0x7F, v30  }
0x5e9: {  	v30 =	vor.u32 v30, v31;
	_ =	sdelay $0x1  }
0x5ea: {  	v31 =	vmul.f32 v32, v1;
	_ =	sdelay $0x1  }
0x5eb: {  	[tilespmem:s0+$0xFFFFF880] =	vst v31  }
0x5ec: {  	v30 =	vld.idx.msk [tilespmem:v30+s14+$0x0], $0xffff;
	_ =	sdelay $0x2  }
0x5ed: {  	v27 =	vand.u32 $0x7F, v27  }
0x5ee: {  	v27 =	vor.u32 v27, v29;
	_ =	sdelay $0x1  }
0x5ef: {  	v29 =	vmul.f32 v30, v1;
	_ =	sdelay $0x1  }
0x5f0: {  	[tilespmem:s0+$0xFFFFF900] =	vst v29  }
0x5f1: {  	v27 =	vld.idx.msk [tilespmem:v27+s14+$0x0], $0xffff;
	_ =	sdelay $0x2  }
0x5f2: {  	v26 =	vand.u32 $0x7F, v26  }
0x5f3: {  	v26 =	vor.u32 v26, v28;
	_ =	sdelay $0x1  }
0x5f4: {  	v27 =	vmul.f32 v27, v1;
	_ =	sdelay $0x1  }
0x5f5: {  	[tilespmem:s0+$0xFFFFF980] =	vst v27  }
0x5f6: {  	v26 =	vld.idx.msk [tilespmem:v26+s14+$0x0], $0xffff;
	_ =	sdelay $0x2  }
0x5f7: {  	v23 =	vand.u32 $0x7F, v23  }
0x5f8: {  	v23 =	vor.u32 v23, v25;
	_ =	sdelay $0x1  }
0x5f9: {  	v25 =	vmul.f32 v26, v1;
	_ =	sdelay $0x1  }
0x5fa: {  	[tilespmem:s0+$0xFFFFFA00] =	vst v25  }
0x5fb: {  	v23 =	vld.idx.msk [tilespmem:v23+s14+$0x0], $0xffff;
	_ =	sdelay $0x2  }
0x5fc: {  	v22 =	vand.u32 $0x7F, v22  }
0x5fd: {  	v22 =	vor.u32 v22, v24;
	_ =	sdelay $0x1  }
0x5fe: {  	v23 =	vmul.f32 v23, v1;
	_ =	sdelay $0x1  }
0x5ff: {  	[tilespmem:s0+$0xFFFFFA80] =	vst v23  }
0x600: {  	v22 =	vld.idx.msk [tilespmem:v22+s14+$0x0], $0xffff;
	_ =	sdelay $0x2  }
0x601: {  	v20 =	vand.u32 $0x7F, v20  }
0x602: {  	v20 =	vor.u32 v20, v21;
	_ =	sdelay $0x1  }
0x603: {  	v21 =	vmul.f32 v22, v1;
	_ =	sdelay $0x1  }
0x604: {  	[tilespmem:s0+$0xFFFFFB00] =	vst v21  }
0x605: {  	v20 =	vld.idx.msk [tilespmem:v20+s14+$0x0], $0xffff;
	_ =	sdelay $0x2  }
0x606: {  	v17 =	vand.u32 $0x7F, v17  }
0x607: {  	v17 =	vor.u32 v17, v19;
	_ =	sdelay $0x1  }
0x608: {  	v19 =	vmul.f32 v20, v1;
	_ =	sdelay $0x1  }
0x609: {  	[tilespmem:s0+$0xFFFFFB80] =	vst v19  }
0x60a: {  	v17 =	vld.idx.msk [tilespmem:v17+s14+$0x0], $0xffff;
	_ =	sdelay $0x2  }
0x60b: {  	v16 =	vand.u32 $0x7F, v16  }
0x60c: {  	v16 =	vor.u32 v16, v18;
	_ =	sdelay $0x1  }
0x60d: {  	v17 =	vmul.f32 v17, v1;
	_ =	sdelay $0x1  }
0x60e: {  	[tilespmem:s0+$0xFFFFFC00] =	vst v17  }
0x60f: {  	v16 =	vld.idx.msk [tilespmem:v16+s14+$0x0], $0xffff;
	_ =	sdelay $0x2  }
0x610: {  	v14 =	vand.u32 $0x7F, v14  }
0x611: {  	v14 =	vor.u32 v14, v15;
	_ =	sdelay $0x1  }
0x612: {  	v15 =	vmul.f32 v16, v1;
	_ =	sdelay $0x1  }
0x613: {  	[tilespmem:s0+$0xFFFFFC80] =	vst v15  }
0x614: {  	v14 =	vld.idx.msk [tilespmem:v14+s14+$0x0], $0xffff;
	_ =	sdelay $0x2  }
0x615: {  	v11 =	vand.u32 $0x7F, v11  }
0x616: {  	v11 =	vor.u32 v11, v13;
	_ =	sdelay $0x1  }
0x617: {  	v13 =	vmul.f32 v14, v1;
	_ =	sdelay $0x1  }
0x618: {  	[tilespmem:s0+$0xFFFFFD00] =	vst v13  }
0x619: {  	v11 =	vld.idx.msk [tilespmem:v11+s14+$0x0], $0xffff;
	_ =	sdelay $0x2  }
0x61a: {  	v10 =	vand.u32 $0x7F, v10  }
0x61b: {  	v10 =	vor.u32 v10, v12;
	_ =	sdelay $0x1  }
0x61c: {  	v11 =	vmul.f32 v11, v1;
	_ =	sdelay $0x1  }
0x61d: {  	[tilespmem:s0+$0xFFFFFD80] =	vst v11  }
0x61e: {  	v10 =	vld.idx.msk [tilespmem:v10+s14+$0x0], $0xffff;
	_ =	sdelay $0x2  }
0x61f: {  	v7 =	vand.u32 $0x7F, v7  }
0x620: {  	v7 =	vor.u32 v7, v9;
	_ =	sdelay $0x1  }
0x621: {  	v9 =	vmul.f32 v10, v1;
	_ =	sdelay $0x1  }
0x622: {  	[tilespmem:s0+$0xFFFFFE00] =	vst v9  }
0x623: {  	v7 =	vld.idx.msk [tilespmem:v7+s14+$0x0], $0xffff;
	_ =	sdelay $0x2  }
0x624: {  	v6 =	vand.u32 $0x7F, v6  }
0x625: {  	v6 =	vor.u32 v6, v8;
	_ =	sdelay $0x1  }
0x626: {  	v7 =	vmul.f32 v7, v1;
	_ =	sdelay $0x1  }
0x627: {  	[tilespmem:s0+$0xFFFFFE80] =	vst v7  }
0x628: {  	v6 =	vld.idx.msk [tilespmem:v6+s14+$0x0], $0xffff;
	_ =	sdelay $0x2  }
0x629: {  	v4 =	vand.u32 $0x7F, v4  }
0x62a: {  	v4 =	vor.u32 v4, v5;
	_ =	sdelay $0x1  }
0x62b: {  	v5 =	vmul.f32 v6, v1;
	_ =	sdelay $0x1  }
0x62c: {  	[tilespmem:s0+$0xFFFFFF00] =	vst v5  }
0x62d: {  	v4 =	vld.idx.msk [tilespmem:v4+s14+$0x0], $0xffff;
	_ =	sdelay $0x2  }
0x62e: {  	v2 =	vand.u32 $0x7F, v2  }
0x62f: {  	v2 =	vor.u32 v2, v3;
	_ =	sdelay $0x1  }
0x630: {  	v3 =	vmul.f32 v4, v1;
	_ =	sdelay $0x1  }
0x631: {  	[tilespmem:s0+$0xFFFFFF80] =	vst v3  }
0x632: {  	v2 =	vld.idx.msk [tilespmem:v2+s14+$0x0], $0xffff;
	_ =	sdelay $0x1  }
.Ltmp3:
0x633: {  	(pc) =	sbr.rel @p0 .LBB2_9-.Ltmp3, $2  }
0x634: {  	_ =	sdelay $0x2  }
0x635: {  	v1 =	vmul.f32 v2, v1  }
0x636: {  	s4 =	sshll.u32 s29, $0x13;
	s29 =	sadd.s32 $0x1, s29  }
0x637: {  	p0 =	sne.s32 s29, $0x32  }
.Ltmp4:
0x638: {  	_ = 	snop;
	(pc) =	sbr.rel @p0 .LBB2_2-.Ltmp4, $4  }
0x639: {  	s4 =	sor.u32 s8, s4  }
0x63a: {  	s4 =	sshrl.u32 s4, $0x3  }
0x63b: {  	[tilespmem:s0+$0x0] =	vst v1;
	s31 =	sadd.s32 s2, s4  }
0x63c: {  	[hbm4b:s31+s12] =	stream.strided.scatter [tilespmem:s25], [sflag:$0x5], $0x4000, s24, s12, $0x38;
	[tilespmem:$0x14600] =	vst v63  }
0x63d: {  	_ =	swait.ge [sflag:s26], $0x4000  }
0x63e: {  	s28 =	sadd.s32 $0x1, s28;
	s0 =	rddreg [dreg:$0x4]  }
0x63f: {  	p0 =	sne.s32 s28, s0  }
.Ltmp5:
0x640: {  	_ = 	snop;
	(pc) =	sbr.rel @p0 .LBB2_1-.Ltmp5, $3  }
0x641: {  	_ =	sdelay $0x1  }
0x642: {  	[sflag:s26] =	ssyncset.done $0x0  }
0x643: {  	[sflag:s26] =	ssyncadd.s32 $0xFFFFC000  }
0x644: {  	_ =	sfence.sel $0x180000  }
0x645: {  	[bflag:$0x0] =	sbarrier.arrive $0xFFFF  }
0x646: {  	_ =	strace $0x90000047  }
0x647: {  	s0 =	stileid.u32;
	[bflag:$0x2] =	sbarrier.arrive $0xFFFF  }
0x648: {  	p0 =	sne.s32 s0, $0x0;
	s0 =	rddreg [dreg:$0x3]  }
0x649: {  	s0 =	sadd.s32 @!p0 $0x100000, s0  }
0x64a: {  	[sflag:s0] =	ssyncadd.tile.s32 @!p0 $0x1;
	_ =	shalt  }
.Lfunc_end2:
_tile_overlayer_lowered:
.L_overlay_start_2:
0x64b: {  	(tag) =	ssettag $0x2  }
0x64c: {  	s0 =	rddreg [dreg:$0x0];
	s2 =	stileid.u32  }
0x64d: {  	s1 =	rddreg [dreg:$0x1];
	p0 =	sne.s32 s2, $0x0  }
0x64e: {  	s3 =	rddreg [dreg:$0x2];
	[bflag:$0x3] =	sbarrier.arrive $0xFFFF;
	s2 =	simm.s32 @!p0 $0x1C06  }
0x64f: {  	[timem:s3], [sflag:s2] =	dma.local @!p0 [hbm:s0], s1  }
0x650: {  	s0 =	simm.s32 @!p0 $0x6  }
0x651: {  	_ =	swait.ge @!p0 [sflag:s0], s1  }
0x652: {  	s1 =	ssub.s32 @!p0 $0x0, s1;
	[sflag:s0] =	ssyncset.done @!p0 $0x0  }
0x653: {  	[sflag:s0] =	ssyncadd.s32 @!p0 s1  }
0x654: {  	[bflag:$0x3] =	sbarrier.arrive $0xFFFF  }
0x655: {  	_ =	shalt  }

</sc_bundles>
